<compile_context>
chip_gen: v7x
topology: tpu7x:2x2x1
jax: 0.10.2.dev20260603
libtpu: 0.0.44.dev20260713+nightly
codegen_flags: <defaults>
</compile_context>

<pallas_src>
import functools
import jax
import jax.numpy as jnp
from jax import lax
from jax.experimental import pallas as pl
from jax.experimental.pallas import tpu as pltpu
from jax.experimental.pallas import tpu_sc as plsc

N_NODES = 10000
N_EDGES = 320000
D = 128

NC, NS = 2, 16
NW = NC * NS
NPAD = 10240
EPW = 10240
EPAD = NW * EPW
IPR = 128
NT = EPW // IPR
ROWS_T = NPAD // NS
SPR = 112
NT2 = 90
SCH = 18
NBUF = 3
EPW2 = NT2 * SPR
EPAD2 = NW * EPW2
REM_Z = ROWS_T - (ROWS_T // SPR) * SPR

def _deg_body(dst_hbm, out_hbm, idx_v, ones_v, zb_v, acc_sh, sem):
    c = lax.axis_index("c")
    s = lax.axis_index("s")
    wid = c * NS + s

    for j in range(IPR // 16):
        ones_v[pl.ds(16 * j, 16)] = jnp.ones((16,), jnp.float32)
    for j in range(ROWS_T // 16):
        zb_v[pl.ds(16 * j, 16)] = jnp.zeros((16,), jnp.float32)
    pltpu.sync_copy(zb_v, acc_sh.at[pl.ds(s * ROWS_T, ROWS_T)])
    pltpu.sync_copy(dst_hbm.at[pl.ds(wid * NT, NT)], idx_v)
    plsc.subcore_barrier()

    def step(q, carry):
        for j in range(8):
            pltpu.async_copy(ones_v, acc_sh.at[idx_v.at[q * 8 + j]], sem, add=True)
        for j in range(8):
            pltpu.make_async_copy(ones_v, acc_sh.at[idx_v.at[q * 8 + j]], sem).wait()
        return carry

    lax.fori_loop(0, NT // 8, step, 0)
    plsc.subcore_barrier()
    pltpu.sync_copy(
        acc_sh.at[pl.ds(s * ROWS_T, ROWS_T)],
        out_hbm.at[c, pl.ds(s * ROWS_T, ROWS_T)],
    )


def _seg_body(src_hbm, dst_hbm, g_hbm, out_hbm, src_v, dst_v,
              buf0, buf1, buf2, acc_sh, gs0, gs1, gs2):
    c = lax.axis_index("c")
    s = lax.axis_index("s")
    wid = c * NS + s
    bufs = (buf0, buf1, buf2)
    gsem = (gs0, gs1, gs2)

    def zfill(r, carry):
        for j in range(D // 16):
            buf0[r, pl.ds(16 * j, 16)] = jnp.zeros((16,), jnp.float32)
        return carry

    lax.fori_loop(0, SPR, zfill, 0)
    for t in range(ROWS_T // SPR):
        pltpu.sync_copy(buf0, acc_sh.at[pl.ds(s * ROWS_T + t * SPR, SPR)])
    pltpu.sync_copy(
        buf0.at[pl.ds(0, REM_Z)],
        acc_sh.at[pl.ds(s * ROWS_T + (ROWS_T // SPR) * SPR, REM_Z)],
    )
    plsc.subcore_barrier()

    def gather(i, b):
        pltpu.async_copy(g_hbm.at[src_v.at[i]], bufs[b], gsem[b])

    def gather_wait(i, b):
        pltpu.make_async_copy(g_hbm.at[src_v.at[i]], bufs[b], gsem[b]).wait()

    for stage in range(NT2 // SCH):
        pltpu.sync_copy(src_hbm.at[wid, stage], src_v)
        pltpu.sync_copy(dst_hbm.at[wid, stage], dst_v)
        gather(0, 0)
        gather(1, 1)

        def tri(p, carry):
            for b in range(NBUF):
                i = p * NBUF + b
                nxt = i + 2

                gather_wait(i, b)

                @pl.when(nxt < SCH)
                def _():
                    gather(nxt, (b + 2) % NBUF)

                pltpu.sync_copy(bufs[b], acc_sh.at[dst_v.at[i]], add=True)
            return carry

        lax.fori_loop(0, SCH // NBUF, tri, 0)

    plsc.subcore_barrier()
    pltpu.sync_copy(
        acc_sh.at[pl.ds(s * ROWS_T, ROWS_T)],
        out_hbm.at[c, pl.ds(s * ROWS_T, ROWS_T)],
    )


def _lin_body(x_ref, w_ref, degp_ref, h_ref, g_ref):
    deg = degp_ref[0] + degp_ref[1] + 1.0
    h = jnp.dot(x_ref[...], w_ref[...], preferred_element_type=jnp.float32)
    h_ref[...] = h
    g_ref[...] = lax.rsqrt(deg) * h


def _comb_body(sp_ref, h_ref, degp_ref, b_ref, out_ref):
    deg = degp_ref[0] + degp_ref[1] + 1.0
    dis = lax.rsqrt(deg)
    s_sum = sp_ref[0] + sp_ref[1]
    out_ref[...] = dis * s_sum + (dis * dis) * h_ref[...] + b_ref[...]


_BLK = 1024
_GRID = NPAD // _BLK


@functools.lru_cache(maxsize=None)
def _sc_kernels():
    mesh = plsc.VectorSubcoreMesh(
        core_axis_name="c", subcore_axis_name="s", num_cores=NC, num_subcores=NS
    )
    deg_k = pl.kernel(
        _deg_body,
        out_type=jax.ShapeDtypeStruct((NC, NPAD), jnp.float32),
        mesh=mesh,
        scratch_types=[
            pltpu.VMEM((NT, IPR), jnp.int32),
            pltpu.VMEM((IPR,), jnp.float32),
            pltpu.VMEM((ROWS_T,), jnp.float32),
            pltpu.VMEM_SHARED((NPAD,), jnp.float32),
            pltpu.SemaphoreType.DMA,
        ],
    )
    seg_k = pl.kernel(
        _seg_body,
        out_type=jax.ShapeDtypeStruct((NC, NPAD, D), jnp.float32),
        mesh=mesh,
        scratch_types=(
            [
                pltpu.VMEM((SCH, SPR), jnp.int32),
                pltpu.VMEM((SCH, SPR), jnp.int32),
            ]
            + [pltpu.VMEM((SPR, D), jnp.float32)] * NBUF
            + [pltpu.VMEM_SHARED((NPAD, D), jnp.float32)]
            + [pltpu.SemaphoreType.DMA] * NBUF
        ),
    )
    return deg_k, seg_k


def kernel(input_x, edge_index, W, b):
    x = input_x.astype(jnp.float32)
    src = edge_index[0].astype(jnp.int32)
    dst = edge_index[1].astype(jnp.int32)

    n_extra1 = EPAD - N_EDGES
    fill1 = N_NODES + (jnp.arange(n_extra1, dtype=jnp.int32) % (NPAD - N_NODES))
    dst_p128 = jnp.concatenate([dst, fill1]).reshape(EPAD // IPR, IPR)

    n_extra2 = EPAD2 - N_EDGES
    fill2 = N_NODES + (jnp.arange(n_extra2, dtype=jnp.int32) % (NPAD - N_NODES))
    src_p = jnp.concatenate([src, fill2]).reshape(NW, NT2 // SCH, SCH, SPR)
    dst_p = jnp.concatenate([dst, fill2]).reshape(NW, NT2 // SCH, SCH, SPR)

    x_pad = jnp.pad(x, ((0, NPAD - N_NODES), (0, 0)))

    deg_kernel, seg_kernel = _sc_kernels()
    degp = deg_kernel(dst_p128)
    degp_col = degp.reshape(NC, NPAD, 1)

    h, g = pl.pallas_call(
        _lin_body,
        grid=(_GRID,),
        in_specs=[
            pl.BlockSpec((_BLK, D), lambda i: (i, 0)),
            pl.BlockSpec((D, D), lambda i: (0, 0)),
            pl.BlockSpec((NC, _BLK, 1), lambda i: (0, i, 0)),
        ],
        out_specs=[
            pl.BlockSpec((_BLK, D), lambda i: (i, 0)),
            pl.BlockSpec((_BLK, D), lambda i: (i, 0)),
        ],
        out_shape=[
            jax.ShapeDtypeStruct((NPAD, D), jnp.float32),
            jax.ShapeDtypeStruct((NPAD, D), jnp.float32),
        ],
    )(x_pad, W.astype(jnp.float32), degp_col)

    sp = seg_kernel(src_p, dst_p, g)

    out_pad = pl.pallas_call(
        _comb_body,
        grid=(_GRID,),
        in_specs=[
            pl.BlockSpec((NC, _BLK, D), lambda i: (0, i, 0)),
            pl.BlockSpec((_BLK, D), lambda i: (i, 0)),
            pl.BlockSpec((NC, _BLK, 1), lambda i: (0, i, 0)),
            pl.BlockSpec((1, D), lambda i: (0, 0)),
        ],
        out_specs=pl.BlockSpec((_BLK, D), lambda i: (i, 0)),
        out_shape=jax.ShapeDtypeStruct((NPAD, D), jnp.float32),
    )(sp, h, degp_col, b.astype(jnp.float32).reshape(1, D))

    return out_pad[:N_NODES]

# --- scband reference (transcript-rebuilt; emitter-appended) ---
"""Pipeline reference for scband-general-conv-45380624450338 (READ-ONLY COPY).

The authoritative reference and input builder live on the scoring server;
editing this copy changes nothing except your own understanding.
"""

import jax, jax.numpy as jnp
import numpy as np

N_NODES = 10000
N_EDGES = 320000
D_IN = 128
D_OUT = 128


def setup_inputs(seed: int = 0) -> dict:
    key = jax.random.key(seed)
    k1, k2, k3, k4 = jax.random.split(key, 4)
    input_x = jax.random.normal(k1, (N_NODES, D_IN), dtype=jnp.float32)
    edge_index = jax.random.randint(k2, (2, N_EDGES), 0, N_NODES, dtype=jnp.int64)
    # GCNConv learned parameters: linear weight (glorot) and bias (zeros in PyG init)
    limit = np.sqrt(6.0 / (D_IN + D_OUT))
    W = jax.random.uniform(k3, (D_IN, D_OUT), dtype=jnp.float32, minval=-limit, maxval=limit)
    b = jnp.zeros((D_OUT,), dtype=jnp.float32)
    return {"input_x": input_x, "edge_index": edge_index, "W": W, "b": b}


def reference(input_x, edge_index, W, b):
    # Faithful GCNConv (PyG defaults): add self-loops, symmetric deg^{-1/2} norm,
    # linear transform, scatter-add aggregation, bias.
    N = input_x.shape[0]
    loop = jnp.arange(N, dtype=edge_index.dtype)
    src = jnp.concatenate([edge_index[0], loop])
    dst = jnp.concatenate([edge_index[1], loop])
    # degree computed on destination nodes with unit edge weights (incl. self loops)
    deg = jnp.zeros((N,), dtype=jnp.float32).at[dst].add(1.0)
    deg_inv_sqrt = jnp.where(deg > 0, deg ** -0.5, 0.0)
    norm = deg_inv_sqrt[src] * deg_inv_sqrt[dst]
    h = input_x @ W  # linear transform before propagation
    msgs = h[src] * norm[:, None]  # gather + scale
    out = jnp.zeros((N, h.shape[1]), dtype=h.dtype).at[dst].add(msgs)  # scatter-add
    out = out + b
    return out

if __name__ == "__main__":
    import jax
    _d = setup_inputs()
    print(jax.jit(kernel)(*tuple(_d.values())))

</pallas_src>

<mosaic_0001>
#map = affine_map<(d0, d1) -> (0, 0)>
module attributes {stable_mosaic.version = 14 : i64} {
  func.func @_deg_body(%arg0: i32, %arg1: i32, %arg2: memref<2560x128xi32, #tpu.memory_space<hbm>>, %arg3: memref<2x10240xf32, #tpu.memory_space<hbm>>, %arg4: memref<80x128xi32, #tpu.memory_space<vmem>>, %arg5: memref<128xf32, #tpu.memory_space<vmem>>, %arg6: memref<640xf32, #tpu.memory_space<vmem>>, %arg7: memref<10240xf32, #tpu.memory_space<vmem_shared>>, %arg8: memref<!tpu.dma_semaphore, #tpu.memory_space<semaphore_mem>>) attributes {dimension_semantics = [#tpu.dimension_semantics<core_parallel>, #tpu.dimension_semantics<subcore_parallel>], iteration_bounds = array<i64: 2, 16>, scalar_prefetch = 0 : i64, scratch_operands = 5 : i64, tpu.core_type = #tpu.core_type<sc_vector_subcore>, window_params = [{transform_indices = #map}, {transform_indices = #map}]} {
    %mul3A = arith.constant 16 : i32
    %mul3A_0 = arith.muli %arg0, %mul3A : i32
    %add3A = arith.addi %mul3A_0, %arg1 : i32
    %broadcast_in_dim3A = arith.constant 1.000000e+00 : f32
    %broadcast_in_dim3A_1 = vector.broadcast %broadcast_in_dim3A : f32 to vector<16xf32>
    %swap3A = arith.constant 0 : index
    %swap3A_2 = tpu.vector_load %arg5[%swap3A] {strides = array<i32>} : memref<128xf32, #tpu.memory_space<vmem>>, vector<16xf32>,
    %swap3A_3 = vector.shape_cast %swap3A_2 : vector<16xf32> to vector<16xf32>
    %swap3A_4 = vector.shape_cast %broadcast_in_dim3A_1 : vector<16xf32> to vector<16xf32>
    tpu.vector_store %arg5[%swap3A], %swap3A_4 {strides = array<i32>} : memref<128xf32, #tpu.memory_space<vmem>>, vector<16xf32>,
    %broadcast_in_dim3A_5 = arith.constant 1.000000e+00 : f32
    %broadcast_in_dim3A_6 = vector.broadcast %broadcast_in_dim3A_5 : f32 to vector<16xf32>
    %swap3A_7 = arith.constant 16 : index
    %swap3A_8 = tpu.vector_load %arg5[%swap3A_7] {strides = array<i32>} : memref<128xf32, #tpu.memory_space<vmem>>, vector<16xf32>,
    %swap3A_9 = vector.shape_cast %swap3A_8 : vector<16xf32> to vector<16xf32>
    %swap3A_10 = vector.shape_cast %broadcast_in_dim3A_6 : vector<16xf32> to vector<16xf32>
    tpu.vector_store %arg5[%swap3A_7], %swap3A_10 {strides = array<i32>} : memref<128xf32, #tpu.memory_space<vmem>>, vector<16xf32>,
    %broadcast_in_dim3A_11 = arith.constant 1.000000e+00 : f32
    %broadcast_in_dim3A_12 = vector.broadcast %broadcast_in_dim3A_11 : f32 to vector<16xf32>
    %swap3A_13 = arith.constant 32 : index
    %swap3A_14 = tpu.vector_load %arg5[%swap3A_13] {strides = array<i32>} : memref<128xf32, #tpu.memory_space<vmem>>, vector<16xf32>,
    %swap3A_15 = vector.shape_cast %swap3A_14 : vector<16xf32> to vector<16xf32>
    %swap3A_16 = vector.shape_cast %broadcast_in_dim3A_12 : vector<16xf32> to vector<16xf32>
    tpu.vector_store %arg5[%swap3A_13], %swap3A_16 {strides = array<i32>} : memref<128xf32, #tpu.memory_space<vmem>>, vector<16xf32>,
    %broadcast_in_dim3A_17 = arith.constant 1.000000e+00 : f32
    %broadcast_in_dim3A_18 = vector.broadcast %broadcast_in_dim3A_17 : f32 to vector<16xf32>
    %swap3A_19 = arith.constant 48 : index
    %swap3A_20 = tpu.vector_load %arg5[%swap3A_19] {strides = array<i32>} : memref<128xf32, #tpu.memory_space<vmem>>, vector<16xf32>,
    %swap3A_21 = vector.shape_cast %swap3A_20 : vector<16xf32> to vector<16xf32>
    %swap3A_22 = vector.shape_cast %broadcast_in_dim3A_18 : vector<16xf32> to vector<16xf32>
    tpu.vector_store %arg5[%swap3A_19], %swap3A_22 {strides = array<i32>} : memref<128xf32, #tpu.memory_space<vmem>>, vector<16xf32>,
    %broadcast_in_dim3A_23 = arith.constant 1.000000e+00 : f32
    %broadcast_in_dim3A_24 = vector.broadcast %broadcast_in_dim3A_23 : f32 to vector<16xf32>
    %swap3A_25 = arith.constant 64 : index
    %swap3A_26 = tpu.vector_load %arg5[%swap3A_25] {strides = array<i32>} : memref<128xf32, #tpu.memory_space<vmem>>, vector<16xf32>,
    %swap3A_27 = vector.shape_cast %swap3A_26 : vector<16xf32> to vector<16xf32>
    %swap3A_28 = vector.shape_cast %broadcast_in_dim3A_24 : vector<16xf32> to vector<16xf32>
    tpu.vector_store %arg5[%swap3A_25], %swap3A_28 {strides = array<i32>} : memref<128xf32, #tpu.memory_space<vmem>>, vector<16xf32>,
    %broadcast_in_dim3A_29 = arith.constant 1.000000e+00 : f32
    %broadcast_in_dim3A_30 = vector.broadcast %broadcast_in_dim3A_29 : f32 to vector<16xf32>
    %swap3A_31 = arith.constant 80 : index
    %swap3A_32 = tpu.vector_load %arg5[%swap3A_31] {strides = array<i32>} : memref<128xf32, #tpu.memory_space<vmem>>, vector<16xf32>,
    %swap3A_33 = vector.shape_cast %swap3A_32 : vector<16xf32> to vector<16xf32>
    %swap3A_34 = vector.shape_cast %broadcast_in_dim3A_30 : vector<16xf32> to vector<16xf32>
    tpu.vector_store %arg5[%swap3A_31], %swap3A_34 {strides = array<i32>} : memref<128xf32, #tpu.memory_space<vmem>>, vector<16xf32>,
    %broadcast_in_dim3A_35 = arith.constant 1.000000e+00 : f32
    %broadcast_in_dim3A_36 = vector.broadcast %broadcast_in_dim3A_35 : f32 to vector<16xf32>
    %swap3A_37 = arith.constant 96 : index
    %swap3A_38 = tpu.vector_load %arg5[%swap3A_37] {strides = array<i32>} : memref<128xf32, #tpu.memory_space<vmem>>, vector<16xf32>,
    %swap3A_39 = vector.shape_cast %swap3A_38 : vector<16xf32> to vector<16xf32>
    %swap3A_40 = vector.shape_cast %broadcast_in_dim3A_36 : vector<16xf32> to vector<16xf32>
    tpu.vector_store %arg5[%swap3A_37], %swap3A_40 {strides = array<i32>} : memref<128xf32, #tpu.memory_space<vmem>>, vector<16xf32>,
    %broadcast_in_dim3A_41 = arith.constant 1.000000e+00 : f32
    %broadcast_in_dim3A_42 = vector.broadcast %broadcast_in_dim3A_41 : f32 to vector<16xf32>
    %swap3A_43 = arith.constant 112 : index
    %swap3A_44 = tpu.vector_load %arg5[%swap3A_43] {strides = array<i32>} : memref<128xf32, #tpu.memory_space<vmem>>, vector<16xf32>,
    %swap3A_45 = vector.shape_cast %swap3A_44 : vector<16xf32> to vector<16xf32>
    %swap3A_46 = vector.shape_cast %broadcast_in_dim3A_42 : vector<16xf32> to vector<16xf32>
    tpu.vector_store %arg5[%swap3A_43], %swap3A_46 {strides = array<i32>} : memref<128xf32, #tpu.memory_space<vmem>>, vector<16xf32>,
    %broadcast_in_dim3A_47 = arith.constant 0.000000e+00 : f32
    %broadcast_in_dim3A_48 = vector.broadcast %broadcast_in_dim3A_47 : f32 to vector<16xf32>
    %swap3A_49 = arith.constant 0 : index
    %swap3A_50 = tpu.vector_load %arg6[%swap3A_49] {strides = array<i32>} : memref<640xf32, #tpu.memory_space<vmem>>, vector<16xf32>,
    %swap3A_51 = vector.shape_cast %swap3A_50 : vector<16xf32> to vector<16xf32>
    %swap3A_52 = vector.shape_cast %broadcast_in_dim3A_48 : vector<16xf32> to vector<16xf32>
    tpu.vector_store %arg6[%swap3A_49], %swap3A_52 {strides = array<i32>} : memref<640xf32, #tpu.memory_space<vmem>>, vector<16xf32>,
    %broadcast_in_dim3A_53 = arith.constant 0.000000e+00 : f32
    %broadcast_in_dim3A_54 = vector.broadcast %broadcast_in_dim3A_53 : f32 to vector<16xf32>
    %swap3A_55 = arith.constant 16 : index
    %swap3A_56 = tpu.vector_load %arg6[%swap3A_55] {strides = array<i32>} : memref<640xf32, #tpu.memory_space<vmem>>, vector<16xf32>,
    %swap3A_57 = vector.shape_cast %swap3A_56 : vector<16xf32> to vector<16xf32>
    %swap3A_58 = vector.shape_cast %broadcast_in_dim3A_54 : vector<16xf32> to vector<16xf32>
    tpu.vector_store %arg6[%swap3A_55], %swap3A_58 {strides = array<i32>} : memref<640xf32, #tpu.memory_space<vmem>>, vector<16xf32>,
    %broadcast_in_dim3A_59 = arith.constant 0.000000e+00 : f32
    %broadcast_in_dim3A_60 = vector.broadcast %broadcast_in_dim3A_59 : f32 to vector<16xf32>
    %swap3A_61 = arith.constant 32 : index
    %swap3A_62 = tpu.vector_load %arg6[%swap3A_61] {strides = array<i32>} : memref<640xf32, #tpu.memory_space<vmem>>, vector<16xf32>,
    %swap3A_63 = vector.shape_cast %swap3A_62 : vector<16xf32> to vector<16xf32>
    %swap3A_64 = vector.shape_cast %broadcast_in_dim3A_60 : vector<16xf32> to vector<16xf32>
    tpu.vector_store %arg6[%swap3A_61], %swap3A_64 {strides = array<i32>} : memref<640xf32, #tpu.memory_space<vmem>>, vector<16xf32>,
    %broadcast_in_dim3A_65 = arith.constant 0.000000e+00 : f32
    %broadcast_in_dim3A_66 = vector.broadcast %broadcast_in_dim3A_65 : f32 to vector<16xf32>
    %swap3A_67 = arith.constant 48 : index
    %swap3A_68 = tpu.vector_load %arg6[%swap3A_67] {strides = array<i32>} : memref<640xf32, #tpu.memory_space<vmem>>, vector<16xf32>,
    %swap3A_69 = vector.shape_cast %swap3A_68 : vector<16xf32> to vector<16xf32>
    %swap3A_70 = vector.shape_cast %broadcast_in_dim3A_66 : vector<16xf32> to vector<16xf32>
    tpu.vector_store %arg6[%swap3A_67], %swap3A_70 {strides = array<i32>} : memref<640xf32, #tpu.memory_space<vmem>>, vector<16xf32>,
    %broadcast_in_dim3A_71 = arith.constant 0.000000e+00 : f32
    %broadcast_in_dim3A_72 = vector.broadcast %broadcast_in_dim3A_71 : f32 to vector<16xf32>
    %swap3A_73 = arith.constant 64 : index
    %swap3A_74 = tpu.vector_load %arg6[%swap3A_73] {strides = array<i32>} : memref<640xf32, #tpu.memory_space<vmem>>, vector<16xf32>,
    %swap3A_75 = vector.shape_cast %swap3A_74 : vector<16xf32> to vector<16xf32>
    %swap3A_76 = vector.shape_cast %broadcast_in_dim3A_72 : vector<16xf32> to vector<16xf32>
    tpu.vector_store %arg6[%swap3A_73], %swap3A_76 {strides = array<i32>} : memref<640xf32, #tpu.memory_space<vmem>>, vector<16xf32>,
    %broadcast_in_dim3A_77 = arith.constant 0.000000e+00 : f32
    %broadcast_in_dim3A_78 = vector.broadcast %broadcast_in_dim3A_77 : f32 to vector<16xf32>
    %swap3A_79 = arith.constant 80 : index
    %swap3A_80 = tpu.vector_load %arg6[%swap3A_79] {strides = array<i32>} : memref<640xf32, #tpu.memory_space<vmem>>, vector<16xf32>,
    %swap3A_81 = vector.shape_cast %swap3A_80 : vector<16xf32> to vector<16xf32>
    %swap3A_82 = vector.shape_cast %broadcast_in_dim3A_78 : vector<16xf32> to vector<16xf32>
    tpu.vector_store %arg6[%swap3A_79], %swap3A_82 {strides = array<i32>} : memref<640xf32, #tpu.memory_space<vmem>>, vector<16xf32>,
    %broadcast_in_dim3A_83 = arith.constant 0.000000e+00 : f32
    %broadcast_in_dim3A_84 = vector.broadcast %broadcast_in_dim3A_83 : f32 to vector<16xf32>
    %swap3A_85 = arith.constant 96 : index
    %swap3A_86 = tpu.vector_load %arg6[%swap3A_85] {strides = array<i32>} : memref<640xf32, #tpu.memory_space<vmem>>, vector<16xf32>,
    %swap3A_87 = vector.shape_cast %swap3A_86 : vector<16xf32> to vector<16xf32>
    %swap3A_88 = vector.shape_cast %broadcast_in_dim3A_84 : vector<16xf32> to vector<16xf32>
    tpu.vector_store %arg6[%swap3A_85], %swap3A_88 {strides = array<i32>} : memref<640xf32, #tpu.memory_space<vmem>>, vector<16xf32>,
    %broadcast_in_dim3A_89 = arith.constant 0.000000e+00 : f32
    %broadcast_in_dim3A_90 = vector.broadcast %broadcast_in_dim3A_89 : f32 to vector<16xf32>
    %swap3A_91 = arith.constant 112 : index
    %swap3A_92 = tpu.vector_load %arg6[%swap3A_91] {strides = array<i32>} : memref<640xf32, #tpu.memory_space<vmem>>, vector<16xf32>,
    %swap3A_93 = vector.shape_cast %swap3A_92 : vector<16xf32> to vector<16xf32>
    %swap3A_94 = vector.shape_cast %broadcast_in_dim3A_90 : vector<16xf32> to vector<16xf32>
    tpu.vector_store %arg6[%swap3A_91], %swap3A_94 {strides = array<i32>} : memref<640xf32, #tpu.memory_space<vmem>>, vector<16xf32>,
    %broadcast_in_dim3A_95 = arith.constant 0.000000e+00 : f32
    %broadcast_in_dim3A_96 = vector.broadcast %broadcast_in_dim3A_95 : f32 to vector<16xf32>
    %swap3A_97 = arith.constant 128 : index
    %swap3A_98 = tpu.vector_load %arg6[%swap3A_97] {strides = array<i32>} : memref<640xf32, #tpu.memory_space<vmem>>, vector<16xf32>,
    %swap3A_99 = vector.shape_cast %swap3A_98 : vector<16xf32> to vector<16xf32>
    %swap3A_100 = vector.shape_cast %broadcast_in_dim3A_96 : vector<16xf32> to vector<16xf32>
    tpu.vector_store %arg6[%swap3A_97], %swap3A_100 {strides = array<i32>} : memref<640xf32, #tpu.memory_space<vmem>>, vector<16xf32>,
    %broadcast_in_dim3A_101 = arith.constant 0.000000e+00 : f32
    %broadcast_in_dim3A_102 = vector.broadcast %broadcast_in_dim3A_101 : f32 to vector<16xf32>
    %swap3A_103 = arith.constant 144 : index
    %swap3A_104 = tpu.vector_load %arg6[%swap3A_103] {strides = array<i32>} : memref<640xf32, #tpu.memory_space<vmem>>, vector<16xf32>,
    %swap3A_105 = vector.shape_cast %swap3A_104 : vector<16xf32> to vector<16xf32>
    %swap3A_106 = vector.shape_cast %broadcast_in_dim3A_102 : vector<16xf32> to vector<16xf32>
    tpu.vector_store %arg6[%swap3A_103], %swap3A_106 {strides = array<i32>} : memref<640xf32, #tpu.memory_space<vmem>>, vector<16xf32>,
    %broadcast_in_dim3A_107 = arith.constant 0.000000e+00 : f32
    %broadcast_in_dim3A_108 = vector.broadcast %broadcast_in_dim3A_107 : f32 to vector<16xf32>
    %swap3A_109 = arith.constant 160 : index
    %swap3A_110 = tpu.vector_load %arg6[%swap3A_109] {strides = array<i32>} : memref<640xf32, #tpu.memory_space<vmem>>, vector<16xf32>,
    %swap3A_111 = vector.shape_cast %swap3A_110 : vector<16xf32> to vector<16xf32>
    %swap3A_112 = vector.shape_cast %broadcast_in_dim3A_108 : vector<16xf32> to vector<16xf32>
    tpu.vector_store %arg6[%swap3A_109], %swap3A_112 {strides = array<i32>} : memref<640xf32, #tpu.memory_space<vmem>>, vector<16xf32>,
    %broadcast_in_dim3A_113 = arith.constant 0.000000e+00 : f32
    %broadcast_in_dim3A_114 = vector.broadcast %broadcast_in_dim3A_113 : f32 to vector<16xf32>
    %swap3A_115 = arith.constant 176 : index
    %swap3A_116 = tpu.vector_load %arg6[%swap3A_115] {strides = array<i32>} : memref<640xf32, #tpu.memory_space<vmem>>, vector<16xf32>,
    %swap3A_117 = vector.shape_cast %swap3A_116 : vector<16xf32> to vector<16xf32>
    %swap3A_118 = vector.shape_cast %broadcast_in_dim3A_114 : vector<16xf32> to vector<16xf32>
    tpu.vector_store %arg6[%swap3A_115], %swap3A_118 {strides = array<i32>} : memref<640xf32, #tpu.memory_space<vmem>>, vector<16xf32>,
    %broadcast_in_dim3A_119 = arith.constant 0.000000e+00 : f32
    %broadcast_in_dim3A_120 = vector.broadcast %broadcast_in_dim3A_119 : f32 to vector<16xf32>
    %swap3A_121 = arith.constant 192 : index
    %swap3A_122 = tpu.vector_load %arg6[%swap3A_121] {strides = array<i32>} : memref<640xf32, #tpu.memory_space<vmem>>, vector<16xf32>,
    %swap3A_123 = vector.shape_cast %swap3A_122 : vector<16xf32> to vector<16xf32>
    %swap3A_124 = vector.shape_cast %broadcast_in_dim3A_120 : vector<16xf32> to vector<16xf32>
    tpu.vector_store %arg6[%swap3A_121], %swap3A_124 {strides = array<i32>} : memref<640xf32, #tpu.memory_space<vmem>>, vector<16xf32>,
    %broadcast_in_dim3A_125 = arith.constant 0.000000e+00 : f32
    %broadcast_in_dim3A_126 = vector.broadcast %broadcast_in_dim3A_125 : f32 to vector<16xf32>
    %swap3A_127 = arith.constant 208 : index
    %swap3A_128 = tpu.vector_load %arg6[%swap3A_127] {strides = array<i32>} : memref<640xf32, #tpu.memory_space<vmem>>, vector<16xf32>,
    %swap3A_129 = vector.shape_cast %swap3A_128 : vector<16xf32> to vector<16xf32>
    %swap3A_130 = vector.shape_cast %broadcast_in_dim3A_126 : vector<16xf32> to vector<16xf32>
    tpu.vector_store %arg6[%swap3A_127], %swap3A_130 {strides = array<i32>} : memref<640xf32, #tpu.memory_space<vmem>>, vector<16xf32>,
    %broadcast_in_dim3A_131 = arith.constant 0.000000e+00 : f32
    %broadcast_in_dim3A_132 = vector.broadcast %broadcast_in_dim3A_131 : f32 to vector<16xf32>
    %swap3A_133 = arith.constant 224 : index
    %swap3A_134 = tpu.vector_load %arg6[%swap3A_133] {strides = array<i32>} : memref<640xf32, #tpu.memory_space<vmem>>, vector<16xf32>,
    %swap3A_135 = vector.shape_cast %swap3A_134 : vector<16xf32> to vector<16xf32>
    %swap3A_136 = vector.shape_cast %broadcast_in_dim3A_132 : vector<16xf32> to vector<16xf32>
    tpu.vector_store %arg6[%swap3A_133], %swap3A_136 {strides = array<i32>} : memref<640xf32, #tpu.memory_space<vmem>>, vector<16xf32>,
    %broadcast_in_dim3A_137 = arith.constant 0.000000e+00 : f32
    %broadcast_in_dim3A_138 = vector.broadcast %broadcast_in_dim3A_137 : f32 to vector<16xf32>
    %swap3A_139 = arith.constant 240 : index
    %swap3A_140 = tpu.vector_load %arg6[%swap3A_139] {strides = array<i32>} : memref<640xf32, #tpu.memory_space<vmem>>, vector<16xf32>,
    %swap3A_141 = vector.shape_cast %swap3A_140 : vector<16xf32> to vector<16xf32>
    %swap3A_142 = vector.shape_cast %broadcast_in_dim3A_138 : vector<16xf32> to vector<16xf32>
    tpu.vector_store %arg6[%swap3A_139], %swap3A_142 {strides = array<i32>} : memref<640xf32, #tpu.memory_space<vmem>>, vector<16xf32>,
    %broadcast_in_dim3A_143 = arith.constant 0.000000e+00 : f32
    %broadcast_in_dim3A_144 = vector.broadcast %broadcast_in_dim3A_143 : f32 to vector<16xf32>
    %swap3A_145 = arith.constant 256 : index
    %swap3A_146 = tpu.vector_load %arg6[%swap3A_145] {strides = array<i32>} : memref<640xf32, #tpu.memory_space<vmem>>, vector<16xf32>,
    %swap3A_147 = vector.shape_cast %swap3A_146 : vector<16xf32> to vector<16xf32>
    %swap3A_148 = vector.shape_cast %broadcast_in_dim3A_144 : vector<16xf32> to vector<16xf32>
    tpu.vector_store %arg6[%swap3A_145], %swap3A_148 {strides = array<i32>} : memref<640xf32, #tpu.memory_space<vmem>>, vector<16xf32>,
    %broadcast_in_dim3A_149 = arith.constant 0.000000e+00 : f32
    %broadcast_in_dim3A_150 = vector.broadcast %broadcast_in_dim3A_149 : f32 to vector<16xf32>
    %swap3A_151 = arith.constant 272 : index
    %swap3A_152 = tpu.vector_load %arg6[%swap3A_151] {strides = array<i32>} : memref<640xf32, #tpu.memory_space<vmem>>, vector<16xf32>,
    %swap3A_153 = vector.shape_cast %swap3A_152 : vector<16xf32> to vector<16xf32>
    %swap3A_154 = vector.shape_cast %broadcast_in_dim3A_150 : vector<16xf32> to vector<16xf32>
    tpu.vector_store %arg6[%swap3A_151], %swap3A_154 {strides = array<i32>} : memref<640xf32, #tpu.memory_space<vmem>>, vector<16xf32>,
    %broadcast_in_dim3A_155 = arith.constant 0.000000e+00 : f32
    %broadcast_in_dim3A_156 = vector.broadcast %broadcast_in_dim3A_155 : f32 to vector<16xf32>
    %swap3A_157 = arith.constant 288 : index
    %swap3A_158 = tpu.vector_load %arg6[%swap3A_157] {strides = array<i32>} : memref<640xf32, #tpu.memory_space<vmem>>, vector<16xf32>,
    %swap3A_159 = vector.shape_cast %swap3A_158 : vector<16xf32> to vector<16xf32>
    %swap3A_160 = vector.shape_cast %broadcast_in_dim3A_156 : vector<16xf32> to vector<16xf32>
    tpu.vector_store %arg6[%swap3A_157], %swap3A_160 {strides = array<i32>} : memref<640xf32, #tpu.memory_space<vmem>>, vector<16xf32>,
    %broadcast_in_dim3A_161 = arith.constant 0.000000e+00 : f32
    %broadcast_in_dim3A_162 = vector.broadcast %broadcast_in_dim3A_161 : f32 to vector<16xf32>
    %swap3A_163 = arith.constant 304 : index
    %swap3A_164 = tpu.vector_load %arg6[%swap3A_163] {strides = array<i32>} : memref<640xf32, #tpu.memory_space<vmem>>, vector<16xf32>,
    %swap3A_165 = vector.shape_cast %swap3A_164 : vector<16xf32> to vector<16xf32>
    %swap3A_166 = vector.shape_cast %broadcast_in_dim3A_162 : vector<16xf32> to vector<16xf32>
    tpu.vector_store %arg6[%swap3A_163], %swap3A_166 {strides = array<i32>} : memref<640xf32, #tpu.memory_space<vmem>>, vector<16xf32>,
    %broadcast_in_dim3A_167 = arith.constant 0.000000e+00 : f32
    %broadcast_in_dim3A_168 = vector.broadcast %broadcast_in_dim3A_167 : f32 to vector<16xf32>
    %swap3A_169 = arith.constant 320 : index
    %swap3A_170 = tpu.vector_load %arg6[%swap3A_169] {strides = array<i32>} : memref<640xf32, #tpu.memory_space<vmem>>, vector<16xf32>,
    %swap3A_171 = vector.shape_cast %swap3A_170 : vector<16xf32> to vector<16xf32>
    %swap3A_172 = vector.shape_cast %broadcast_in_dim3A_168 : vector<16xf32> to vector<16xf32>
    tpu.vector_store %arg6[%swap3A_169], %swap3A_172 {strides = array<i32>} : memref<640xf32, #tpu.memory_space<vmem>>, vector<16xf32>,
    %broadcast_in_dim3A_173 = arith.constant 0.000000e+00 : f32
    %broadcast_in_dim3A_174 = vector.broadcast %broadcast_in_dim3A_173 : f32 to vector<16xf32>
    %swap3A_175 = arith.constant 336 : index
    %swap3A_176 = tpu.vector_load %arg6[%swap3A_175] {strides = array<i32>} : memref<640xf32, #tpu.memory_space<vmem>>, vector<16xf32>,
    %swap3A_177 = vector.shape_cast %swap3A_176 : vector<16xf32> to vector<16xf32>
    %swap3A_178 = vector.shape_cast %broadcast_in_dim3A_174 : vector<16xf32> to vector<16xf32>
    tpu.vector_store %arg6[%swap3A_175], %swap3A_178 {strides = array<i32>} : memref<640xf32, #tpu.memory_space<vmem>>, vector<16xf32>,
    %broadcast_in_dim3A_179 = arith.constant 0.000000e+00 : f32
    %broadcast_in_dim3A_180 = vector.broadcast %broadcast_in_dim3A_179 : f32 to vector<16xf32>
    %swap3A_181 = arith.constant 352 : index
    %swap3A_182 = tpu.vector_load %arg6[%swap3A_181] {strides = array<i32>} : memref<640xf32, #tpu.memory_space<vmem>>, vector<16xf32>,
    %swap3A_183 = vector.shape_cast %swap3A_182 : vector<16xf32> to vector<16xf32>
    %swap3A_184 = vector.shape_cast %broadcast_in_dim3A_180 : vector<16xf32> to vector<16xf32>
    tpu.vector_store %arg6[%swap3A_181], %swap3A_184 {strides = array<i32>} : memref<640xf32, #tpu.memory_space<vmem>>, vector<16xf32>,
    %broadcast_in_dim3A_185 = arith.constant 0.000000e+00 : f32
    %broadcast_in_dim3A_186 = vector.broadcast %broadcast_in_dim3A_185 : f32 to vector<16xf32>
    %swap3A_187 = arith.constant 368 : index
    %swap3A_188 = tpu.vector_load %arg6[%swap3A_187] {strides = array<i32>} : memref<640xf32, #tpu.memory_space<vmem>>, vector<16xf32>,
    %swap3A_189 = vector.shape_cast %swap3A_188 : vector<16xf32> to vector<16xf32>
    %swap3A_190 = vector.shape_cast %broadcast_in_dim3A_186 : vector<16xf32> to vector<16xf32>
    tpu.vector_store %arg6[%swap3A_187], %swap3A_190 {strides = array<i32>} : memref<640xf32, #tpu.memory_space<vmem>>, vector<16xf32>,
    %broadcast_in_dim3A_191 = arith.constant 0.000000e+00 : f32
    %broadcast_in_dim3A_192 = vector.broadcast %broadcast_in_dim3A_191 : f32 to vector<16xf32>
    %swap3A_193 = arith.constant 384 : index
    %swap3A_194 = tpu.vector_load %arg6[%swap3A_193] {strides = array<i32>} : memref<640xf32, #tpu.memory_space<vmem>>, vector<16xf32>,
    %swap3A_195 = vector.shape_cast %swap3A_194 : vector<16xf32> to vector<16xf32>
    %swap3A_196 = vector.shape_cast %broadcast_in_dim3A_192 : vector<16xf32> to vector<16xf32>
    tpu.vector_store %arg6[%swap3A_193], %swap3A_196 {strides = array<i32>} : memref<640xf32, #tpu.memory_space<vmem>>, vector<16xf32>,
    %broadcast_in_dim3A_197 = arith.constant 0.000000e+00 : f32
    %broadcast_in_dim3A_198 = vector.broadcast %broadcast_in_dim3A_197 : f32 to vector<16xf32>
    %swap3A_199 = arith.constant 400 : index
    %swap3A_200 = tpu.vector_load %arg6[%swap3A_199] {strides = array<i32>} : memref<640xf32, #tpu.memory_space<vmem>>, vector<16xf32>,
    %swap3A_201 = vector.shape_cast %swap3A_200 : vector<16xf32> to vector<16xf32>
    %swap3A_202 = vector.shape_cast %broadcast_in_dim3A_198 : vector<16xf32> to vector<16xf32>
    tpu.vector_store %arg6[%swap3A_199], %swap3A_202 {strides = array<i32>} : memref<640xf32, #tpu.memory_space<vmem>>, vector<16xf32>,
    %broadcast_in_dim3A_203 = arith.constant 0.000000e+00 : f32
    %broadcast_in_dim3A_204 = vector.broadcast %broadcast_in_dim3A_203 : f32 to vector<16xf32>
    %swap3A_205 = arith.constant 416 : index
    %swap3A_206 = tpu.vector_load %arg6[%swap3A_205] {strides = array<i32>} : memref<640xf32, #tpu.memory_space<vmem>>, vector<16xf32>,
    %swap3A_207 = vector.shape_cast %swap3A_206 : vector<16xf32> to vector<16xf32>
    %swap3A_208 = vector.shape_cast %broadcast_in_dim3A_204 : vector<16xf32> to vector<16xf32>
    tpu.vector_store %arg6[%swap3A_205], %swap3A_208 {strides = array<i32>} : memref<640xf32, #tpu.memory_space<vmem>>, vector<16xf32>,
    %broadcast_in_dim3A_209 = arith.constant 0.000000e+00 : f32
    %broadcast_in_dim3A_210 = vector.broadcast %broadcast_in_dim3A_209 : f32 to vector<16xf32>
    %swap3A_211 = arith.constant 432 : index
    %swap3A_212 = tpu.vector_load %arg6[%swap3A_211] {strides = array<i32>} : memref<640xf32, #tpu.memory_space<vmem>>, vector<16xf32>,
    %swap3A_213 = vector.shape_cast %swap3A_212 : vector<16xf32> to vector<16xf32>
    %swap3A_214 = vector.shape_cast %broadcast_in_dim3A_210 : vector<16xf32> to vector<16xf32>
    tpu.vector_store %arg6[%swap3A_211], %swap3A_214 {strides = array<i32>} : memref<640xf32, #tpu.memory_space<vmem>>, vector<16xf32>,
    %broadcast_in_dim3A_215 = arith.constant 0.000000e+00 : f32
    %broadcast_in_dim3A_216 = vector.broadcast %broadcast_in_dim3A_215 : f32 to vector<16xf32>
    %swap3A_217 = arith.constant 448 : index
    %swap3A_218 = tpu.vector_load %arg6[%swap3A_217] {strides = array<i32>} : memref<640xf32, #tpu.memory_space<vmem>>, vector<16xf32>,
    %swap3A_219 = vector.shape_cast %swap3A_218 : vector<16xf32> to vector<16xf32>
    %swap3A_220 = vector.shape_cast %broadcast_in_dim3A_216 : vector<16xf32> to vector<16xf32>
    tpu.vector_store %arg6[%swap3A_217], %swap3A_220 {strides = array<i32>} : memref<640xf32, #tpu.memory_space<vmem>>, vector<16xf32>,
    %broadcast_in_dim3A_221 = arith.constant 0.000000e+00 : f32
    %broadcast_in_dim3A_222 = vector.broadcast %broadcast_in_dim3A_221 : f32 to vector<16xf32>
    %swap3A_223 = arith.constant 464 : index
    %swap3A_224 = tpu.vector_load %arg6[%swap3A_223] {strides = array<i32>} : memref<640xf32, #tpu.memory_space<vmem>>, vector<16xf32>,
    %swap3A_225 = vector.shape_cast %swap3A_224 : vector<16xf32> to vector<16xf32>
    %swap3A_226 = vector.shape_cast %broadcast_in_dim3A_222 : vector<16xf32> to vector<16xf32>
    tpu.vector_store %arg6[%swap3A_223], %swap3A_226 {strides = array<i32>} : memref<640xf32, #tpu.memory_space<vmem>>, vector<16xf32>,
    %broadcast_in_dim3A_227 = arith.constant 0.000000e+00 : f32
    %broadcast_in_dim3A_228 = vector.broadcast %broadcast_in_dim3A_227 : f32 to vector<16xf32>
    %swap3A_229 = arith.constant 480 : index
    %swap3A_230 = tpu.vector_load %arg6[%swap3A_229] {strides = array<i32>} : memref<640xf32, #tpu.memory_space<vmem>>, vector<16xf32>,
    %swap3A_231 = vector.shape_cast %swap3A_230 : vector<16xf32> to vector<16xf32>
    %swap3A_232 = vector.shape_cast %broadcast_in_dim3A_228 : vector<16xf32> to vector<16xf32>
    tpu.vector_store %arg6[%swap3A_229], %swap3A_232 {strides = array<i32>} : memref<640xf32, #tpu.memory_space<vmem>>, vector<16xf32>,
    %broadcast_in_dim3A_233 = arith.constant 0.000000e+00 : f32
    %broadcast_in_dim3A_234 = vector.broadcast %broadcast_in_dim3A_233 : f32 to vector<16xf32>
    %swap3A_235 = arith.constant 496 : index
    %swap3A_236 = tpu.vector_load %arg6[%swap3A_235] {strides = array<i32>} : memref<640xf32, #tpu.memory_space<vmem>>, vector<16xf32>,
    %swap3A_237 = vector.shape_cast %swap3A_236 : vector<16xf32> to vector<16xf32>
    %swap3A_238 = vector.shape_cast %broadcast_in_dim3A_234 : vector<16xf32> to vector<16xf32>
    tpu.vector_store %arg6[%swap3A_235], %swap3A_238 {strides = array<i32>} : memref<640xf32, #tpu.memory_space<vmem>>, vector<16xf32>,
    %broadcast_in_dim3A_239 = arith.constant 0.000000e+00 : f32
    %broadcast_in_dim3A_240 = vector.broadcast %broadcast_in_dim3A_239 : f32 to vector<16xf32>
    %swap3A_241 = arith.constant 512 : index
    %swap3A_242 = tpu.vector_load %arg6[%swap3A_241] {strides = array<i32>} : memref<640xf32, #tpu.memory_space<vmem>>, vector<16xf32>,
    %swap3A_243 = vector.shape_cast %swap3A_242 : vector<16xf32> to vector<16xf32>
    %swap3A_244 = vector.shape_cast %broadcast_in_dim3A_240 : vector<16xf32> to vector<16xf32>
    tpu.vector_store %arg6[%swap3A_241], %swap3A_244 {strides = array<i32>} : memref<640xf32, #tpu.memory_space<vmem>>, vector<16xf32>,
    %broadcast_in_dim3A_245 = arith.constant 0.000000e+00 : f32
    %broadcast_in_dim3A_246 = vector.broadcast %broadcast_in_dim3A_245 : f32 to vector<16xf32>
    %swap3A_247 = arith.constant 528 : index
    %swap3A_248 = tpu.vector_load %arg6[%swap3A_247] {strides = array<i32>} : memref<640xf32, #tpu.memory_space<vmem>>, vector<16xf32>,
    %swap3A_249 = vector.shape_cast %swap3A_248 : vector<16xf32> to vector<16xf32>
    %swap3A_250 = vector.shape_cast %broadcast_in_dim3A_246 : vector<16xf32> to vector<16xf32>
    tpu.vector_store %arg6[%swap3A_247], %swap3A_250 {strides = array<i32>} : memref<640xf32, #tpu.memory_space<vmem>>, vector<16xf32>,
    %broadcast_in_dim3A_251 = arith.constant 0.000000e+00 : f32
    %broadcast_in_dim3A_252 = vector.broadcast %broadcast_in_dim3A_251 : f32 to vector<16xf32>
    %swap3A_253 = arith.constant 544 : index
    %swap3A_254 = tpu.vector_load %arg6[%swap3A_253] {strides = array<i32>} : memref<640xf32, #tpu.memory_space<vmem>>, vector<16xf32>,
    %swap3A_255 = vector.shape_cast %swap3A_254 : vector<16xf32> to vector<16xf32>
    %swap3A_256 = vector.shape_cast %broadcast_in_dim3A_252 : vector<16xf32> to vector<16xf32>
    tpu.vector_store %arg6[%swap3A_253], %swap3A_256 {strides = array<i32>} : memref<640xf32, #tpu.memory_space<vmem>>, vector<16xf32>,
    %broadcast_in_dim3A_257 = arith.constant 0.000000e+00 : f32
    %broadcast_in_dim3A_258 = vector.broadcast %broadcast_in_dim3A_257 : f32 to vector<16xf32>
    %swap3A_259 = arith.constant 560 : index
    %swap3A_260 = tpu.vector_load %arg6[%swap3A_259] {strides = array<i32>} : memref<640xf32, #tpu.memory_space<vmem>>, vector<16xf32>,
    %swap3A_261 = vector.shape_cast %swap3A_260 : vector<16xf32> to vector<16xf32>
    %swap3A_262 = vector.shape_cast %broadcast_in_dim3A_258 : vector<16xf32> to vector<16xf32>
    tpu.vector_store %arg6[%swap3A_259], %swap3A_262 {strides = array<i32>} : memref<640xf32, #tpu.memory_space<vmem>>, vector<16xf32>,
    %broadcast_in_dim3A_263 = arith.constant 0.000000e+00 : f32
    %broadcast_in_dim3A_264 = vector.broadcast %broadcast_in_dim3A_263 : f32 to vector<16xf32>
    %swap3A_265 = arith.constant 576 : index
    %swap3A_266 = tpu.vector_load %arg6[%swap3A_265] {strides = array<i32>} : memref<640xf32, #tpu.memory_space<vmem>>, vector<16xf32>,
    %swap3A_267 = vector.shape_cast %swap3A_266 : vector<16xf32> to vector<16xf32>
    %swap3A_268 = vector.shape_cast %broadcast_in_dim3A_264 : vector<16xf32> to vector<16xf32>
    tpu.vector_store %arg6[%swap3A_265], %swap3A_268 {strides = array<i32>} : memref<640xf32, #tpu.memory_space<vmem>>, vector<16xf32>,
    %broadcast_in_dim3A_269 = arith.constant 0.000000e+00 : f32
    %broadcast_in_dim3A_270 = vector.broadcast %broadcast_in_dim3A_269 : f32 to vector<16xf32>
    %swap3A_271 = arith.constant 592 : index
    %swap3A_272 = tpu.vector_load %arg6[%swap3A_271] {strides = array<i32>} : memref<640xf32, #tpu.memory_space<vmem>>, vector<16xf32>,
    %swap3A_273 = vector.shape_cast %swap3A_272 : vector<16xf32> to vector<16xf32>
    %swap3A_274 = vector.shape_cast %broadcast_in_dim3A_270 : vector<16xf32> to vector<16xf32>
    tpu.vector_store %arg6[%swap3A_271], %swap3A_274 {strides = array<i32>} : memref<640xf32, #tpu.memory_space<vmem>>, vector<16xf32>,
    %broadcast_in_dim3A_275 = arith.constant 0.000000e+00 : f32
    %broadcast_in_dim3A_276 = vector.broadcast %broadcast_in_dim3A_275 : f32 to vector<16xf32>
    %swap3A_277 = arith.constant 608 : index
    %swap3A_278 = tpu.vector_load %arg6[%swap3A_277] {strides = array<i32>} : memref<640xf32, #tpu.memory_space<vmem>>, vector<16xf32>,
    %swap3A_279 = vector.shape_cast %swap3A_278 : vector<16xf32> to vector<16xf32>
    %swap3A_280 = vector.shape_cast %broadcast_in_dim3A_276 : vector<16xf32> to vector<16xf32>
    tpu.vector_store %arg6[%swap3A_277], %swap3A_280 {strides = array<i32>} : memref<640xf32, #tpu.memory_space<vmem>>, vector<16xf32>,
    %broadcast_in_dim3A_281 = arith.constant 0.000000e+00 : f32
    %broadcast_in_dim3A_282 = vector.broadcast %broadcast_in_dim3A_281 : f32 to vector<16xf32>
    %swap3A_283 = arith.constant 624 : index
    %swap3A_284 = tpu.vector_load %arg6[%swap3A_283] {strides = array<i32>} : memref<640xf32, #tpu.memory_space<vmem>>, vector<16xf32>,
    %swap3A_285 = vector.shape_cast %swap3A_284 : vector<16xf32> to vector<16xf32>
    %swap3A_286 = vector.shape_cast %broadcast_in_dim3A_282 : vector<16xf32> to vector<16xf32>
    tpu.vector_store %arg6[%swap3A_283], %swap3A_286 {strides = array<i32>} : memref<640xf32, #tpu.memory_space<vmem>>, vector<16xf32>,
    %mul3A_287 = arith.constant 640 : i32
    %mul3A_288 = arith.muli %arg1, %mul3A_287 : i32
    "tpu.region"() ({
      %run_scoped3A = tpu.sem_alloc : memref<!tpu.dma_semaphore, #tpu.memory_space<semaphore_mem>>
      %dma_start3A = tpu.memref_slice %arg7[%mul3A_288] : memref<10240xf32, #tpu.memory_space<vmem_shared>> -> memref<640xf32, #tpu.memory_space<vmem_shared>>
      %dma_start3A_301 = tpu.memref_slice %arg7[%mul3A_288] : memref<10240xf32, #tpu.memory_space<vmem_shared>> -> memref<640xf32, #tpu.memory_space<vmem_shared>>
      tpu.enqueue_dma source(%arg6 : memref<640xf32, #tpu.memory_space<vmem>>) target(%dma_start3A_301 : memref<640xf32, #tpu.memory_space<vmem_shared>>) target_semaphore(%run_scoped3A : memref<!tpu.dma_semaphore, #tpu.memory_space<semaphore_mem>>)
      %dma_wait3A = tpu.memref_slice %arg7[%mul3A_288] : memref<10240xf32, #tpu.memory_space<vmem_shared>> -> memref<640xf32, #tpu.memory_space<vmem_shared>>
      %dma_wait3A_302 = tpu.memref_slice %arg7[%mul3A_288] : memref<10240xf32, #tpu.memory_space<vmem_shared>> -> memref<640xf32, #tpu.memory_space<vmem_shared>>
      tpu.wait_dma2 semaphore(%run_scoped3A : memref<!tpu.dma_semaphore, #tpu.memory_space<semaphore_mem>>) src(%arg6 : memref<640xf32, #tpu.memory_space<vmem>>) dst(%dma_wait3A_302 : memref<640xf32, #tpu.memory_space<vmem_shared>>)
      tpu.yield
    }) : () -> ()
    %mul3A_289 = arith.constant 80 : i32
    %mul3A_290 = arith.muli %add3A, %mul3A_289 : i32
    "tpu.region"() ({
      %run_scoped3A = tpu.sem_alloc : memref<!tpu.dma_semaphore, #tpu.memory_space<semaphore_mem>>
      %dma_start3A = arith.constant 0 : i32
      %dma_start3A_301 = tpu.memref_slice %arg2[%mul3A_290, %dma_start3A] : memref<2560x128xi32, #tpu.memory_space<hbm>> -> memref<80x128xi32, #tpu.memory_space<hbm>>
      %dma_start3A_302 = arith.constant 0 : i32
      %dma_start3A_303 = tpu.memref_slice %arg2[%mul3A_290, %dma_start3A_302] : memref<2560x128xi32, #tpu.memory_space<hbm>> -> memref<80x128xi32, #tpu.memory_space<hbm>>
      tpu.enqueue_dma source(%dma_start3A_303 : memref<80x128xi32, #tpu.memory_space<hbm>>) target(%arg4 : memref<80x128xi32, #tpu.memory_space<vmem>>) target_semaphore(%run_scoped3A : memref<!tpu.dma_semaphore, #tpu.memory_space<semaphore_mem>>)
      %dma_wait3A = arith.constant 0 : i32
      %dma_wait3A_304 = tpu.memref_slice %arg2[%mul3A_290, %dma_wait3A] : memref<2560x128xi32, #tpu.memory_space<hbm>> -> memref<80x128xi32, #tpu.memory_space<hbm>>
      %dma_wait3A_305 = arith.constant 0 : i32
      %dma_wait3A_306 = tpu.memref_slice %arg2[%mul3A_290, %dma_wait3A_305] : memref<2560x128xi32, #tpu.memory_space<hbm>> -> memref<80x128xi32, #tpu.memory_space<hbm>>
      tpu.wait_dma2 semaphore(%run_scoped3A : memref<!tpu.dma_semaphore, #tpu.memory_space<semaphore_mem>>) src(%dma_wait3A_306 : memref<80x128xi32, #tpu.memory_space<hbm>>) dst(%arg4 : memref<80x128xi32, #tpu.memory_space<vmem>>)
      tpu.yield
    }) : () -> ()
    %barrier3A = arith.constant 0 : index
    tpu.barrier barrier_id(%barrier3A)
    %scan3A = arith.constant 0 : i32
    %scan3A_291 = arith.constant 0 : i32
    %scan3A_292 = arith.constant 10 : i32
    %scan3A_293 = arith.addi %scan3A_291, %scan3A_292 : i32
    %scan3A_294 = arith.constant 1 : i32
    scf.for %scan3A_301 = %scan3A_291 to %scan3A_293 step %scan3A_294  : i32 {
      %mul3A_302 = arith.constant 8 : i32
      %mul3A_303 = arith.muli %scan3A_301, %mul3A_302 : i32
      %add3A_304 = arith.constant 0 : i32
      %add3A_305 = arith.addi %mul3A_303, %add3A_304 : i32
      %dma_start3A = arith.constant 0 : i32
      %dma_start3A_306 = tpu.memref_slice %arg4[%add3A_305, %dma_start3A] : memref<80x128xi32, #tpu.memory_space<vmem>> -> memref<1x128xi32, #tpu.memory_space<vmem>>
      %dma_start3A_307 = tpu.memref_squeeze %dma_start3A_306 : memref<1x128xi32, #tpu.memory_space<vmem>> -> memref<128xi32, #tpu.memory_space<vmem>>
      %dma_start3A_308 = arith.constant 0 : i32
      %dma_start3A_309 = tpu.memref_slice %arg7[%dma_start3A_308] : memref<10240xf32, #tpu.memory_space<vmem_shared>> -> memref<10240xf32, #tpu.memory_space<vmem_shared>>
      tpu.enqueue_indirect_dma source(%arg5 : memref<128xf32, #tpu.memory_space<vmem>>) target(%dma_start3A_309 : memref<10240xf32, #tpu.memory_space<vmem_shared>>) offsets(%dma_start3A_307 : memref<128xi32, #tpu.memory_space<vmem>>) semaphore(%arg8 : memref<!tpu.dma_semaphore, #tpu.memory_space<semaphore_mem>>) {add = true}
      %mul3A_310 = arith.constant 8 : i32
      %mul3A_311 = arith.muli %scan3A_301, %mul3A_310 : i32
      %add3A_312 = arith.constant 1 : i32
      %add3A_313 = arith.addi %mul3A_311, %add3A_312 : i32
      %dma_start3A_314 = arith.constant 0 : i32
      %dma_start3A_315 = tpu.memref_slice %arg4[%add3A_313, %dma_start3A_314] : memref<80x128xi32, #tpu.memory_space<vmem>> -> memref<1x128xi32, #tpu.memory_space<vmem>>
      %dma_start3A_316 = tpu.memref_squeeze %dma_start3A_315 : memref<1x128xi32, #tpu.memory_space<vmem>> -> memref<128xi32, #tpu.memory_space<vmem>>
      %dma_start3A_317 = arith.constant 0 : i32
      %dma_start3A_318 = tpu.memref_slice %arg7[%dma_start3A_317] : memref<10240xf32, #tpu.memory_space<vmem_shared>> -> memref<10240xf32, #tpu.memory_space<vmem_shared>>
      tpu.enqueue_indirect_dma source(%arg5 : memref<128xf32, #tpu.memory_space<vmem>>) target(%dma_start3A_318 : memref<10240xf32, #tpu.memory_space<vmem_shared>>) offsets(%dma_start3A_316 : memref<128xi32, #tpu.memory_space<vmem>>) semaphore(%arg8 : memref<!tpu.dma_semaphore, #tpu.memory_space<semaphore_mem>>) {add = true}
      %mul3A_319 = arith.constant 8 : i32
      %mul3A_320 = arith.muli %scan3A_301, %mul3A_319 : i32
      %add3A_321 = arith.constant 2 : i32
      %add3A_322 = arith.addi %mul3A_320, %add3A_321 : i32
      %dma_start3A_323 = arith.constant 0 : i32
      %dma_start3A_324 = tpu.memref_slice %arg4[%add3A_322, %dma_start3A_323] : memref<80x128xi32, #tpu.memory_space<vmem>> -> memref<1x128xi32, #tpu.memory_space<vmem>>
      %dma_start3A_325 = tpu.memref_squeeze %dma_start3A_324 : memref<1x128xi32, #tpu.memory_space<vmem>> -> memref<128xi32, #tpu.memory_space<vmem>>
      %dma_start3A_326 = arith.constant 0 : i32
      %dma_start3A_327 = tpu.memref_slice %arg7[%dma_start3A_326] : memref<10240xf32, #tpu.memory_space<vmem_shared>> -> memref<10240xf32, #tpu.memory_space<vmem_shared>>
      tpu.enqueue_indirect_dma source(%arg5 : memref<128xf32, #tpu.memory_space<vmem>>) target(%dma_start3A_327 : memref<10240xf32, #tpu.memory_space<vmem_shared>>) offsets(%dma_start3A_325 : memref<128xi32, #tpu.memory_space<vmem>>) semaphore(%arg8 : memref<!tpu.dma_semaphore, #tpu.memory_space<semaphore_mem>>) {add = true}
      %mul3A_328 = arith.constant 8 : i32
      %mul3A_329 = arith.muli %scan3A_301, %mul3A_328 : i32
      %add3A_330 = arith.constant 3 : i32
      %add3A_331 = arith.addi %mul3A_329, %add3A_330 : i32
      %dma_start3A_332 = arith.constant 0 : i32
      %dma_start3A_333 = tpu.memref_slice %arg4[%add3A_331, %dma_start3A_332] : memref<80x128xi32, #tpu.memory_space<vmem>> -> memref<1x128xi32, #tpu.memory_space<vmem>>
      %dma_start3A_334 = tpu.memref_squeeze %dma_start3A_333 : memref<1x128xi32, #tpu.memory_space<vmem>> -> memref<128xi32, #tpu.memory_space<vmem>>
      %dma_start3A_335 = arith.constant 0 : i32
      %dma_start3A_336 = tpu.memref_slice %arg7[%dma_start3A_335] : memref<10240xf32, #tpu.memory_space<vmem_shared>> -> memref<10240xf32, #tpu.memory_space<vmem_shared>>
      tpu.enqueue_indirect_dma source(%arg5 : memref<128xf32, #tpu.memory_space<vmem>>) target(%dma_start3A_336 : memref<10240xf32, #tpu.memory_space<vmem_shared>>) offsets(%dma_start3A_334 : memref<128xi32, #tpu.memory_space<vmem>>) semaphore(%arg8 : memref<!tpu.dma_semaphore, #tpu.memory_space<semaphore_mem>>) {add = true}
      %mul3A_337 = arith.constant 8 : i32
      %mul3A_338 = arith.muli %scan3A_301, %mul3A_337 : i32
      %add3A_339 = arith.constant 4 : i32
      %add3A_340 = arith.addi %mul3A_338, %add3A_339 : i32
      %dma_start3A_341 = arith.constant 0 : i32
      %dma_start3A_342 = tpu.memref_slice %arg4[%add3A_340, %dma_start3A_341] : memref<80x128xi32, #tpu.memory_space<vmem>> -> memref<1x128xi32, #tpu.memory_space<vmem>>
      %dma_start3A_343 = tpu.memref_squeeze %dma_start3A_342 : memref<1x128xi32, #tpu.memory_space<vmem>> -> memref<128xi32, #tpu.memory_space<vmem>>
      %dma_start3A_344 = arith.constant 0 : i32
      %dma_start3A_345 = tpu.memref_slice %arg7[%dma_start3A_344] : memref<10240xf32, #tpu.memory_space<vmem_shared>> -> memref<10240xf32, #tpu.memory_space<vmem_shared>>
      tpu.enqueue_indirect_dma source(%arg5 : memref<128xf32, #tpu.memory_space<vmem>>) target(%dma_start3A_345 : memref<10240xf32, #tpu.memory_space<vmem_shared>>) offsets(%dma_start3A_343 : memref<128xi32, #tpu.memory_space<vmem>>) semaphore(%arg8 : memref<!tpu.dma_semaphore, #tpu.memory_space<semaphore_mem>>) {add = true}
      %mul3A_346 = arith.constant 8 : i32
      %mul3A_347 = arith.muli %scan3A_301, %mul3A_346 : i32
      %add3A_348 = arith.constant 5 : i32
      %add3A_349 = arith.addi %mul3A_347, %add3A_348 : i32
      %dma_start3A_350 = arith.constant 0 : i32
      %dma_start3A_351 = tpu.memref_slice %arg4[%add3A_349, %dma_start3A_350] : memref<80x128xi32, #tpu.memory_space<vmem>> -> memref<1x128xi32, #tpu.memory_space<vmem>>
      %dma_start3A_352 = tpu.memref_squeeze %dma_start3A_351 : memref<1x128xi32, #tpu.memory_space<vmem>> -> memref<128xi32, #tpu.memory_space<vmem>>
      %dma_start3A_353 = arith.constant 0 : i32
      %dma_start3A_354 = tpu.memref_slice %arg7[%dma_start3A_353] : memref<10240xf32, #tpu.memory_space<vmem_shared>> -> memref<10240xf32, #tpu.memory_space<vmem_shared>>
      tpu.enqueue_indirect_dma source(%arg5 : memref<128xf32, #tpu.memory_space<vmem>>) target(%dma_start3A_354 : memref<10240xf32, #tpu.memory_space<vmem_shared>>) offsets(%dma_start3A_352 : memref<128xi32, #tpu.memory_space<vmem>>) semaphore(%arg8 : memref<!tpu.dma_semaphore, #tpu.memory_space<semaphore_mem>>) {add = true}
      %mul3A_355 = arith.constant 8 : i32
      %mul3A_356 = arith.muli %scan3A_301, %mul3A_355 : i32
      %add3A_357 = arith.constant 6 : i32
      %add3A_358 = arith.addi %mul3A_356, %add3A_357 : i32
      %dma_start3A_359 = arith.constant 0 : i32
      %dma_start3A_360 = tpu.memref_slice %arg4[%add3A_358, %dma_start3A_359] : memref<80x128xi32, #tpu.memory_space<vmem>> -> memref<1x128xi32, #tpu.memory_space<vmem>>
      %dma_start3A_361 = tpu.memref_squeeze %dma_start3A_360 : memref<1x128xi32, #tpu.memory_space<vmem>> -> memref<128xi32, #tpu.memory_space<vmem>>
      %dma_start3A_362 = arith.constant 0 : i32
      %dma_start3A_363 = tpu.memref_slice %arg7[%dma_start3A_362] : memref<10240xf32, #tpu.memory_space<vmem_shared>> -> memref<10240xf32, #tpu.memory_space<vmem_shared>>
      tpu.enqueue_indirect_dma source(%arg5 : memref<128xf32, #tpu.memory_space<vmem>>) target(%dma_start3A_363 : memref<10240xf32, #tpu.memory_space<vmem_shared>>) offsets(%dma_start3A_361 : memref<128xi32, #tpu.memory_space<vmem>>) semaphore(%arg8 : memref<!tpu.dma_semaphore, #tpu.memory_space<semaphore_mem>>) {add = true}
      %mul3A_364 = arith.constant 8 : i32
      %mul3A_365 = arith.muli %scan3A_301, %mul3A_364 : i32
      %add3A_366 = arith.constant 7 : i32
      %add3A_367 = arith.addi %mul3A_365, %add3A_366 : i32
      %dma_start3A_368 = arith.constant 0 : i32
      %dma_start3A_369 = tpu.memref_slice %arg4[%add3A_367, %dma_start3A_368] : memref<80x128xi32, #tpu.memory_space<vmem>> -> memref<1x128xi32, #tpu.memory_space<vmem>>
      %dma_start3A_370 = tpu.memref_squeeze %dma_start3A_369 : memref<1x128xi32, #tpu.memory_space<vmem>> -> memref<128xi32, #tpu.memory_space<vmem>>
      %dma_start3A_371 = arith.constant 0 : i32
      %dma_start3A_372 = tpu.memref_slice %arg7[%dma_start3A_371] : memref<10240xf32, #tpu.memory_space<vmem_shared>> -> memref<10240xf32, #tpu.memory_space<vmem_shared>>
      tpu.enqueue_indirect_dma source(%arg5 : memref<128xf32, #tpu.memory_space<vmem>>) target(%dma_start3A_372 : memref<10240xf32, #tpu.memory_space<vmem_shared>>) offsets(%dma_start3A_370 : memref<128xi32, #tpu.memory_space<vmem>>) semaphore(%arg8 : memref<!tpu.dma_semaphore, #tpu.memory_space<semaphore_mem>>) {add = true}
      %mul3A_373 = arith.constant 8 : i32
      %mul3A_374 = arith.muli %scan3A_301, %mul3A_373 : i32
      %add3A_375 = arith.constant 0 : i32
      %add3A_376 = arith.addi %mul3A_374, %add3A_375 : i32
      %dma_wait3A = arith.constant 0 : i32
      %dma_wait3A_377 = tpu.memref_slice %arg4[%add3A_376, %dma_wait3A] : memref<80x128xi32, #tpu.memory_space<vmem>> -> memref<1x128xi32, #tpu.memory_space<vmem>>
      %dma_wait3A_378 = tpu.memref_squeeze %dma_wait3A_377 : memref<1x128xi32, #tpu.memory_space<vmem>> -> memref<128xi32, #tpu.memory_space<vmem>>
      %dma_wait3A_379 = arith.constant 0 : i32
      %dma_wait3A_380 = tpu.memref_slice %arg7[%dma_wait3A_379] : memref<10240xf32, #tpu.memory_space<vmem_shared>> -> memref<10240xf32, #tpu.memory_space<vmem_shared>>
      tpu.wait_indirect_dma semaphore(%arg8 : memref<!tpu.dma_semaphore, #tpu.memory_space<semaphore_mem>>) src(%arg5 : memref<128xf32, #tpu.memory_space<vmem>>) dst(%dma_wait3A_380 : memref<10240xf32, #tpu.memory_space<vmem_shared>>)
      %mul3A_381 = arith.constant 8 : i32
      %mul3A_382 = arith.muli %scan3A_301, %mul3A_381 : i32
      %add3A_383 = arith.constant 1 : i32
      %add3A_384 = arith.addi %mul3A_382, %add3A_383 : i32
      %dma_wait3A_385 = arith.constant 0 : i32
      %dma_wait3A_386 = tpu.memref_slice %arg4[%add3A_384, %dma_wait3A_385] : memref<80x128xi32, #tpu.memory_space<vmem>> -> memref<1x128xi32, #tpu.memory_space<vmem>>
      %dma_wait3A_387 = tpu.memref_squeeze %dma_wait3A_386 : memref<1x128xi32, #tpu.memory_space<vmem>> -> memref<128xi32, #tpu.memory_space<vmem>>
      %dma_wait3A_388 = arith.constant 0 : i32
      %dma_wait3A_389 = tpu.memref_slice %arg7[%dma_wait3A_388] : memref<10240xf32, #tpu.memory_space<vmem_shared>> -> memref<10240xf32, #tpu.memory_space<vmem_shared>>
      tpu.wait_indirect_dma semaphore(%arg8 : memref<!tpu.dma_semaphore, #tpu.memory_space<semaphore_mem>>) src(%arg5 : memref<128xf32, #tpu.memory_space<vmem>>) dst(%dma_wait3A_389 : memref<10240xf32, #tpu.memory_space<vmem_shared>>)
      %mul3A_390 = arith.constant 8 : i32
      %mul3A_391 = arith.muli %scan3A_301, %mul3A_390 : i32
      %add3A_392 = arith.constant 2 : i32
      %add3A_393 = arith.addi %mul3A_391, %add3A_392 : i32
      %dma_wait3A_394 = arith.constant 0 : i32
      %dma_wait3A_395 = tpu.memref_slice %arg4[%add3A_393, %dma_wait3A_394] : memref<80x128xi32, #tpu.memory_space<vmem>> -> memref<1x128xi32, #tpu.memory_space<vmem>>
      %dma_wait3A_396 = tpu.memref_squeeze %dma_wait3A_395 : memref<1x128xi32, #tpu.memory_space<vmem>> -> memref<128xi32, #tpu.memory_space<vmem>>
      %dma_wait3A_397 = arith.constant 0 : i32
      %dma_wait3A_398 = tpu.memref_slice %arg7[%dma_wait3A_397] : memref<10240xf32, #tpu.memory_space<vmem_shared>> -> memref<10240xf32, #tpu.memory_space<vmem_shared>>
      tpu.wait_indirect_dma semaphore(%arg8 : memref<!tpu.dma_semaphore, #tpu.memory_space<semaphore_mem>>) src(%arg5 : memref<128xf32, #tpu.memory_space<vmem>>) dst(%dma_wait3A_398 : memref<10240xf32, #tpu.memory_space<vmem_shared>>)
      %mul3A_399 = arith.constant 8 : i32
      %mul3A_400 = arith.muli %scan3A_301, %mul3A_399 : i32
      %add3A_401 = arith.constant 3 : i32
      %add3A_402 = arith.addi %mul3A_400, %add3A_401 : i32
      %dma_wait3A_403 = arith.constant 0 : i32
      %dma_wait3A_404 = tpu.memref_slice %arg4[%add3A_402, %dma_wait3A_403] : memref<80x128xi32, #tpu.memory_space<vmem>> -> memref<1x128xi32, #tpu.memory_space<vmem>>
      %dma_wait3A_405 = tpu.memref_squeeze %dma_wait3A_404 : memref<1x128xi32, #tpu.memory_space<vmem>> -> memref<128xi32, #tpu.memory_space<vmem>>
      %dma_wait3A_406 = arith.constant 0 : i32
      %dma_wait3A_407 = tpu.memref_slice %arg7[%dma_wait3A_406] : memref<10240xf32, #tpu.memory_space<vmem_shared>> -> memref<10240xf32, #tpu.memory_space<vmem_shared>>
      tpu.wait_indirect_dma semaphore(%arg8 : memref<!tpu.dma_semaphore, #tpu.memory_space<semaphore_mem>>) src(%arg5 : memref<128xf32, #tpu.memory_space<vmem>>) dst(%dma_wait3A_407 : memref<10240xf32, #tpu.memory_space<vmem_shared>>)
      %mul3A_408 = arith.constant 8 : i32
      %mul3A_409 = arith.muli %scan3A_301, %mul3A_408 : i32
      %add3A_410 = arith.constant 4 : i32
      %add3A_411 = arith.addi %mul3A_409, %add3A_410 : i32
      %dma_wait3A_412 = arith.constant 0 : i32
      %dma_wait3A_413 = tpu.memref_slice %arg4[%add3A_411, %dma_wait3A_412] : memref<80x128xi32, #tpu.memory_space<vmem>> -> memref<1x128xi32, #tpu.memory_space<vmem>>
      %dma_wait3A_414 = tpu.memref_squeeze %dma_wait3A_413 : memref<1x128xi32, #tpu.memory_space<vmem>> -> memref<128xi32, #tpu.memory_space<vmem>>
      %dma_wait3A_415 = arith.constant 0 : i32
      %dma_wait3A_416 = tpu.memref_slice %arg7[%dma_wait3A_415] : memref<10240xf32, #tpu.memory_space<vmem_shared>> -> memref<10240xf32, #tpu.memory_space<vmem_shared>>
      tpu.wait_indirect_dma semaphore(%arg8 : memref<!tpu.dma_semaphore, #tpu.memory_space<semaphore_mem>>) src(%arg5 : memref<128xf32, #tpu.memory_space<vmem>>) dst(%dma_wait3A_416 : memref<10240xf32, #tpu.memory_space<vmem_shared>>)
      %mul3A_417 = arith.constant 8 : i32
      %mul3A_418 = arith.muli %scan3A_301, %mul3A_417 : i32
      %add3A_419 = arith.constant 5 : i32
      %add3A_420 = arith.addi %mul3A_418, %add3A_419 : i32
      %dma_wait3A_421 = arith.constant 0 : i32
      %dma_wait3A_422 = tpu.memref_slice %arg4[%add3A_420, %dma_wait3A_421] : memref<80x128xi32, #tpu.memory_space<vmem>> -> memref<1x128xi32, #tpu.memory_space<vmem>>
      %dma_wait3A_423 = tpu.memref_squeeze %dma_wait3A_422 : memref<1x128xi32, #tpu.memory_space<vmem>> -> memref<128xi32, #tpu.memory_space<vmem>>
      %dma_wait3A_424 = arith.constant 0 : i32
      %dma_wait3A_425 = tpu.memref_slice %arg7[%dma_wait3A_424] : memref<10240xf32, #tpu.memory_space<vmem_shared>> -> memref<10240xf32, #tpu.memory_space<vmem_shared>>
      tpu.wait_indirect_dma semaphore(%arg8 : memref<!tpu.dma_semaphore, #tpu.memory_space<semaphore_mem>>) src(%arg5 : memref<128xf32, #tpu.memory_space<vmem>>) dst(%dma_wait3A_425 : memref<10240xf32, #tpu.memory_space<vmem_shared>>)
      %mul3A_426 = arith.constant 8 : i32
      %mul3A_427 = arith.muli %scan3A_301, %mul3A_426 : i32
      %add3A_428 = arith.constant 6 : i32
      %add3A_429 = arith.addi %mul3A_427, %add3A_428 : i32
      %dma_wait3A_430 = arith.constant 0 : i32
      %dma_wait3A_431 = tpu.memref_slice %arg4[%add3A_429, %dma_wait3A_430] : memref<80x128xi32, #tpu.memory_space<vmem>> -> memref<1x128xi32, #tpu.memory_space<vmem>>
      %dma_wait3A_432 = tpu.memref_squeeze %dma_wait3A_431 : memref<1x128xi32, #tpu.memory_space<vmem>> -> memref<128xi32, #tpu.memory_space<vmem>>
      %dma_wait3A_433 = arith.constant 0 : i32
      %dma_wait3A_434 = tpu.memref_slice %arg7[%dma_wait3A_433] : memref<10240xf32, #tpu.memory_space<vmem_shared>> -> memref<10240xf32, #tpu.memory_space<vmem_shared>>
      tpu.wait_indirect_dma semaphore(%arg8 : memref<!tpu.dma_semaphore, #tpu.memory_space<semaphore_mem>>) src(%arg5 : memref<128xf32, #tpu.memory_space<vmem>>) dst(%dma_wait3A_434 : memref<10240xf32, #tpu.memory_space<vmem_shared>>)
      %mul3A_435 = arith.constant 8 : i32
      %mul3A_436 = arith.muli %scan3A_301, %mul3A_435 : i32
      %add3A_437 = arith.constant 7 : i32
      %add3A_438 = arith.addi %mul3A_436, %add3A_437 : i32
      %dma_wait3A_439 = arith.constant 0 : i32
      %dma_wait3A_440 = tpu.memref_slice %arg4[%add3A_438, %dma_wait3A_439] : memref<80x128xi32, #tpu.memory_space<vmem>> -> memref<1x128xi32, #tpu.memory_space<vmem>>
      %dma_wait3A_441 = tpu.memref_squeeze %dma_wait3A_440 : memref<1x128xi32, #tpu.memory_space<vmem>> -> memref<128xi32, #tpu.memory_space<vmem>>
      %dma_wait3A_442 = arith.constant 0 : i32
      %dma_wait3A_443 = tpu.memref_slice %arg7[%dma_wait3A_442] : memref<10240xf32, #tpu.memory_space<vmem_shared>> -> memref<10240xf32, #tpu.memory_space<vmem_shared>>
      tpu.wait_indirect_dma semaphore(%arg8 : memref<!tpu.dma_semaphore, #tpu.memory_space<semaphore_mem>>) src(%arg5 : memref<128xf32, #tpu.memory_space<vmem>>) dst(%dma_wait3A_443 : memref<10240xf32, #tpu.memory_space<vmem_shared>>)
    }
    %scan3A_295 = arith.constant 10 : i32
    %barrier3A_296 = arith.constant 0 : index
    tpu.barrier barrier_id(%barrier3A_296)
    %mul3A_297 = arith.constant 640 : i32
    %mul3A_298 = arith.muli %arg1, %mul3A_297 : i32
    %mul3A_299 = arith.constant 640 : i32
    %mul3A_300 = arith.muli %arg1, %mul3A_299 : i32
    "tpu.region"() ({
      %run_scoped3A = tpu.sem_alloc : memref<!tpu.dma_semaphore, #tpu.memory_space<semaphore_mem>>
      %dma_start3A = tpu.memref_slice %arg3[%arg0, %mul3A_300] : memref<2x10240xf32, #tpu.memory_space<hbm>> -> memref<1x640xf32, #tpu.memory_space<hbm>>
      %dma_start3A_301 = tpu.memref_squeeze %dma_start3A : memref<1x640xf32, #tpu.memory_space<hbm>> -> memref<640xf32, #tpu.memory_space<hbm>>
      %dma_start3A_302 = tpu.memref_slice %arg7[%mul3A_298] : memref<10240xf32, #tpu.memory_space<vmem_shared>> -> memref<640xf32, #tpu.memory_space<vmem_shared>>
      tpu.enqueue_dma source(%dma_start3A_302 : memref<640xf32, #tpu.memory_space<vmem_shared>>) target(%dma_start3A_301 : memref<640xf32, #tpu.memory_space<hbm>>) target_semaphore(%run_scoped3A : memref<!tpu.dma_semaphore, #tpu.memory_space<semaphore_mem>>)
      %dma_wait3A = tpu.memref_slice %arg3[%arg0, %mul3A_300] : memref<2x10240xf32, #tpu.memory_space<hbm>> -> memref<1x640xf32, #tpu.memory_space<hbm>>
      %dma_wait3A_303 = tpu.memref_squeeze %dma_wait3A : memref<1x640xf32, #tpu.memory_space<hbm>> -> memref<640xf32, #tpu.memory_space<hbm>>
      %dma_wait3A_304 = tpu.memref_slice %arg7[%mul3A_298] : memref<10240xf32, #tpu.memory_space<vmem_shared>> -> memref<640xf32, #tpu.memory_space<vmem_shared>>
      tpu.wait_dma2 semaphore(%run_scoped3A : memref<!tpu.dma_semaphore, #tpu.memory_space<semaphore_mem>>) src(%dma_wait3A_304 : memref<640xf32, #tpu.memory_space<vmem_shared>>) dst(%dma_wait3A_303 : memref<640xf32, #tpu.memory_space<hbm>>)
      tpu.yield
    }) : () -> ()
    return
  }
}

#map = affine_map<(d0, d1) -> (0, 0, 0, 0)>
#map1 = affine_map<(d0, d1) -> (0, 0)>
#map2 = affine_map<(d0, d1) -> (0, 0, 0)>
module attributes {stable_mosaic.version = 14 : i64} {
  func.func @_seg_body(%arg0: i32, %arg1: i32, %arg2: memref<32x5x18x112xi32, #tpu.memory_space<hbm>>, %arg3: memref<32x5x18x112xi32, #tpu.memory_space<hbm>>, %arg4: memref<10240x128xf32, #tpu.memory_space<hbm>>, %arg5: memref<2x10240x128xf32, #tpu.memory_space<hbm>>, %arg6: memref<18x112xi32, #tpu.memory_space<vmem>>, %arg7: memref<18x112xi32, #tpu.memory_space<vmem>>, %arg8: memref<112x128xf32, #tpu.memory_space<vmem>>, %arg9: memref<112x128xf32, #tpu.memory_space<vmem>>, %arg10: memref<112x128xf32, #tpu.memory_space<vmem>>, %arg11: memref<10240x128xf32, #tpu.memory_space<vmem_shared>>, %arg12: memref<!tpu.dma_semaphore, #tpu.memory_space<semaphore_mem>>, %arg13: memref<!tpu.dma_semaphore, #tpu.memory_space<semaphore_mem>>, %arg14: memref<!tpu.dma_semaphore, #tpu.memory_space<semaphore_mem>>) attributes {dimension_semantics = [#tpu.dimension_semantics<core_parallel>, #tpu.dimension_semantics<subcore_parallel>], iteration_bounds = array<i64: 2, 16>, scalar_prefetch = 0 : i64, scratch_operands = 9 : i64, tpu.core_type = #tpu.core_type<sc_vector_subcore>, window_params = [{transform_indices = #map}, {transform_indices = #map}, {transform_indices = #map1}, {transform_indices = #map2}]} {
    %mul3A = arith.constant 16 : i32
    %mul3A_0 = arith.muli %arg0, %mul3A : i32
    %add3A = arith.addi %mul3A_0, %arg1 : i32
    %scan3A = arith.constant 0 : i32
    %scan3A_1 = arith.constant 0 : i32
    %scan3A_2 = arith.constant 112 : i32
    %scan3A_3 = arith.addi %scan3A_1, %scan3A_2 : i32
    %scan3A_4 = arith.constant 1 : i32
    scf.for %scan3A_143 = %scan3A_1 to %scan3A_3 step %scan3A_4  : i32 {
      %broadcast_in_dim3A = arith.constant 0.000000e+00 : f32
      %broadcast_in_dim3A_144 = vector.broadcast %broadcast_in_dim3A : f32 to vector<16xf32>
      %swap3A = arith.index_cast %scan3A_143 : i32 to index
      %swap3A_145 = arith.constant 0 : index
      %swap3A_146 = tpu.vector_load %arg8[%swap3A, %swap3A_145] {strides = array<i32>} : memref<112x128xf32, #tpu.memory_space<vmem>>, vector<1x16xf32>,
      %swap3A_147 = vector.shape_cast %swap3A_146 : vector<1x16xf32> to vector<16xf32>
      %swap3A_148 = vector.shape_cast %broadcast_in_dim3A_144 : vector<16xf32> to vector<1x16xf32>
      tpu.vector_store %arg8[%swap3A, %swap3A_145], %swap3A_148 {strides = array<i32>} : memref<112x128xf32, #tpu.memory_space<vmem>>, vector<1x16xf32>,
      %broadcast_in_dim3A_149 = arith.constant 0.000000e+00 : f32
      %broadcast_in_dim3A_150 = vector.broadcast %broadcast_in_dim3A_149 : f32 to vector<16xf32>
      %swap3A_151 = arith.index_cast %scan3A_143 : i32 to index
      %swap3A_152 = arith.constant 16 : index
      %swap3A_153 = tpu.vector_load %arg8[%swap3A_151, %swap3A_152] {strides = array<i32>} : memref<112x128xf32, #tpu.memory_space<vmem>>, vector<1x16xf32>,
      %swap3A_154 = vector.shape_cast %swap3A_153 : vector<1x16xf32> to vector<16xf32>
      %swap3A_155 = vector.shape_cast %broadcast_in_dim3A_150 : vector<16xf32> to vector<1x16xf32>
      tpu.vector_store %arg8[%swap3A_151, %swap3A_152], %swap3A_155 {strides = array<i32>} : memref<112x128xf32, #tpu.memory_space<vmem>>, vector<1x16xf32>,
      %broadcast_in_dim3A_156 = arith.constant 0.000000e+00 : f32
      %broadcast_in_dim3A_157 = vector.broadcast %broadcast_in_dim3A_156 : f32 to vector<16xf32>
      %swap3A_158 = arith.index_cast %scan3A_143 : i32 to index
      %swap3A_159 = arith.constant 32 : index
      %swap3A_160 = tpu.vector_load %arg8[%swap3A_158, %swap3A_159] {strides = array<i32>} : memref<112x128xf32, #tpu.memory_space<vmem>>, vector<1x16xf32>,
      %swap3A_161 = vector.shape_cast %swap3A_160 : vector<1x16xf32> to vector<16xf32>
      %swap3A_162 = vector.shape_cast %broadcast_in_dim3A_157 : vector<16xf32> to vector<1x16xf32>
      tpu.vector_store %arg8[%swap3A_158, %swap3A_159], %swap3A_162 {strides = array<i32>} : memref<112x128xf32, #tpu.memory_space<vmem>>, vector<1x16xf32>,
      %broadcast_in_dim3A_163 = arith.constant 0.000000e+00 : f32
      %broadcast_in_dim3A_164 = vector.broadcast %broadcast_in_dim3A_163 : f32 to vector<16xf32>
      %swap3A_165 = arith.index_cast %scan3A_143 : i32 to index
      %swap3A_166 = arith.constant 48 : index
      %swap3A_167 = tpu.vector_load %arg8[%swap3A_165, %swap3A_166] {strides = array<i32>} : memref<112x128xf32, #tpu.memory_space<vmem>>, vector<1x16xf32>,
      %swap3A_168 = vector.shape_cast %swap3A_167 : vector<1x16xf32> to vector<16xf32>
      %swap3A_169 = vector.shape_cast %broadcast_in_dim3A_164 : vector<16xf32> to vector<1x16xf32>
      tpu.vector_store %arg8[%swap3A_165, %swap3A_166], %swap3A_169 {strides = array<i32>} : memref<112x128xf32, #tpu.memory_space<vmem>>, vector<1x16xf32>,
      %broadcast_in_dim3A_170 = arith.constant 0.000000e+00 : f32
      %broadcast_in_dim3A_171 = vector.broadcast %broadcast_in_dim3A_170 : f32 to vector<16xf32>
      %swap3A_172 = arith.index_cast %scan3A_143 : i32 to index
      %swap3A_173 = arith.constant 64 : index
      %swap3A_174 = tpu.vector_load %arg8[%swap3A_172, %swap3A_173] {strides = array<i32>} : memref<112x128xf32, #tpu.memory_space<vmem>>, vector<1x16xf32>,
      %swap3A_175 = vector.shape_cast %swap3A_174 : vector<1x16xf32> to vector<16xf32>
      %swap3A_176 = vector.shape_cast %broadcast_in_dim3A_171 : vector<16xf32> to vector<1x16xf32>
      tpu.vector_store %arg8[%swap3A_172, %swap3A_173], %swap3A_176 {strides = array<i32>} : memref<112x128xf32, #tpu.memory_space<vmem>>, vector<1x16xf32>,
      %broadcast_in_dim3A_177 = arith.constant 0.000000e+00 : f32
      %broadcast_in_dim3A_178 = vector.broadcast %broadcast_in_dim3A_177 : f32 to vector<16xf32>
      %swap3A_179 = arith.index_cast %scan3A_143 : i32 to index
      %swap3A_180 = arith.constant 80 : index
      %swap3A_181 = tpu.vector_load %arg8[%swap3A_179, %swap3A_180] {strides = array<i32>} : memref<112x128xf32, #tpu.memory_space<vmem>>, vector<1x16xf32>,
      %swap3A_182 = vector.shape_cast %swap3A_181 : vector<1x16xf32> to vector<16xf32>
      %swap3A_183 = vector.shape_cast %broadcast_in_dim3A_178 : vector<16xf32> to vector<1x16xf32>
      tpu.vector_store %arg8[%swap3A_179, %swap3A_180], %swap3A_183 {strides = array<i32>} : memref<112x128xf32, #tpu.memory_space<vmem>>, vector<1x16xf32>,
      %broadcast_in_dim3A_184 = arith.constant 0.000000e+00 : f32
      %broadcast_in_dim3A_185 = vector.broadcast %broadcast_in_dim3A_184 : f32 to vector<16xf32>
      %swap3A_186 = arith.index_cast %scan3A_143 : i32 to index
      %swap3A_187 = arith.constant 96 : index
      %swap3A_188 = tpu.vector_load %arg8[%swap3A_186, %swap3A_187] {strides = array<i32>} : memref<112x128xf32, #tpu.memory_space<vmem>>, vector<1x16xf32>,
      %swap3A_189 = vector.shape_cast %swap3A_188 : vector<1x16xf32> to vector<16xf32>
      %swap3A_190 = vector.shape_cast %broadcast_in_dim3A_185 : vector<16xf32> to vector<1x16xf32>
      tpu.vector_store %arg8[%swap3A_186, %swap3A_187], %swap3A_190 {strides = array<i32>} : memref<112x128xf32, #tpu.memory_space<vmem>>, vector<1x16xf32>,
      %broadcast_in_dim3A_191 = arith.constant 0.000000e+00 : f32
      %broadcast_in_dim3A_192 = vector.broadcast %broadcast_in_dim3A_191 : f32 to vector<16xf32>
      %swap3A_193 = arith.index_cast %scan3A_143 : i32 to index
      %swap3A_194 = arith.constant 112 : index
      %swap3A_195 = tpu.vector_load %arg8[%swap3A_193, %swap3A_194] {strides = array<i32>} : memref<112x128xf32, #tpu.memory_space<vmem>>, vector<1x16xf32>,
      %swap3A_196 = vector.shape_cast %swap3A_195 : vector<1x16xf32> to vector<16xf32>
      %swap3A_197 = vector.shape_cast %broadcast_in_dim3A_192 : vector<16xf32> to vector<1x16xf32>
      tpu.vector_store %arg8[%swap3A_193, %swap3A_194], %swap3A_197 {strides = array<i32>} : memref<112x128xf32, #tpu.memory_space<vmem>>, vector<1x16xf32>,
    }
    %scan3A_5 = arith.constant 112 : i32
    %mul3A_6 = arith.constant 640 : i32
    %mul3A_7 = arith.muli %arg1, %mul3A_6 : i32
    %add3A_8 = arith.constant 0 : i32
    %add3A_9 = arith.addi %mul3A_7, %add3A_8 : i32
    "tpu.region"() ({
      %run_scoped3A_143 = tpu.sem_alloc : memref<!tpu.dma_semaphore, #tpu.memory_space<semaphore_mem>>
      %dma_start3A_144 = arith.constant 0 : i32
      %dma_start3A_145 = tpu.memref_slice %arg11[%add3A_9, %dma_start3A_144] : memref<10240x128xf32, #tpu.memory_space<vmem_shared>> -> memref<112x128xf32, #tpu.memory_space<vmem_shared>>
      %dma_start3A_146 = arith.constant 0 : i32
      %dma_start3A_147 = tpu.memref_slice %arg11[%add3A_9, %dma_start3A_146] : memref<10240x128xf32, #tpu.memory_space<vmem_shared>> -> memref<112x128xf32, #tpu.memory_space<vmem_shared>>
      tpu.enqueue_dma source(%arg8 : memref<112x128xf32, #tpu.memory_space<vmem>>) target(%dma_start3A_147 : memref<112x128xf32, #tpu.memory_space<vmem_shared>>) target_semaphore(%run_scoped3A_143 : memref<!tpu.dma_semaphore, #tpu.memory_space<semaphore_mem>>)
      %dma_wait3A = arith.constant 0 : i32
      %dma_wait3A_148 = tpu.memref_slice %arg11[%add3A_9, %dma_wait3A] : memref<10240x128xf32, #tpu.memory_space<vmem_shared>> -> memref<112x128xf32, #tpu.memory_space<vmem_shared>>
      %dma_wait3A_149 = arith.constant 0 : i32
      %dma_wait3A_150 = tpu.memref_slice %arg11[%add3A_9, %dma_wait3A_149] : memref<10240x128xf32, #tpu.memory_space<vmem_shared>> -> memref<112x128xf32, #tpu.memory_space<vmem_shared>>
      tpu.wait_dma2 semaphore(%run_scoped3A_143 : memref<!tpu.dma_semaphore, #tpu.memory_space<semaphore_mem>>) src(%arg8 : memref<112x128xf32, #tpu.memory_space<vmem>>) dst(%dma_wait3A_150 : memref<112x128xf32, #tpu.memory_space<vmem_shared>>)
      tpu.yield
    }) : () -> ()
    %mul3A_10 = arith.constant 640 : i32
    %mul3A_11 = arith.muli %arg1, %mul3A_10 : i32
    %add3A_12 = arith.constant 112 : i32
    %add3A_13 = arith.addi %mul3A_11, %add3A_12 : i32
    "tpu.region"() ({
      %run_scoped3A_143 = tpu.sem_alloc : memref<!tpu.dma_semaphore, #tpu.memory_space<semaphore_mem>>
      %dma_start3A_144 = arith.constant 0 : i32
      %dma_start3A_145 = tpu.memref_slice %arg11[%add3A_13, %dma_start3A_144] : memref<10240x128xf32, #tpu.memory_space<vmem_shared>> -> memref<112x128xf32, #tpu.memory_space<vmem_shared>>
      %dma_start3A_146 = arith.constant 0 : i32
      %dma_start3A_147 = tpu.memref_slice %arg11[%add3A_13, %dma_start3A_146] : memref<10240x128xf32, #tpu.memory_space<vmem_shared>> -> memref<112x128xf32, #tpu.memory_space<vmem_shared>>
      tpu.enqueue_dma source(%arg8 : memref<112x128xf32, #tpu.memory_space<vmem>>) target(%dma_start3A_147 : memref<112x128xf32, #tpu.memory_space<vmem_shared>>) target_semaphore(%run_scoped3A_143 : memref<!tpu.dma_semaphore, #tpu.memory_space<semaphore_mem>>)
      %dma_wait3A = arith.constant 0 : i32
      %dma_wait3A_148 = tpu.memref_slice %arg11[%add3A_13, %dma_wait3A] : memref<10240x128xf32, #tpu.memory_space<vmem_shared>> -> memref<112x128xf32, #tpu.memory_space<vmem_shared>>
      %dma_wait3A_149 = arith.constant 0 : i32
      %dma_wait3A_150 = tpu.memref_slice %arg11[%add3A_13, %dma_wait3A_149] : memref<10240x128xf32, #tpu.memory_space<vmem_shared>> -> memref<112x128xf32, #tpu.memory_space<vmem_shared>>
      tpu.wait_dma2 semaphore(%run_scoped3A_143 : memref<!tpu.dma_semaphore, #tpu.memory_space<semaphore_mem>>) src(%arg8 : memref<112x128xf32, #tpu.memory_space<vmem>>) dst(%dma_wait3A_150 : memref<112x128xf32, #tpu.memory_space<vmem_shared>>)
      tpu.yield
    }) : () -> ()
    %mul3A_14 = arith.constant 640 : i32
    %mul3A_15 = arith.muli %arg1, %mul3A_14 : i32
    %add3A_16 = arith.constant 224 : i32
    %add3A_17 = arith.addi %mul3A_15, %add3A_16 : i32
    "tpu.region"() ({
      %run_scoped3A_143 = tpu.sem_alloc : memref<!tpu.dma_semaphore, #tpu.memory_space<semaphore_mem>>
      %dma_start3A_144 = arith.constant 0 : i32
      %dma_start3A_145 = tpu.memref_slice %arg11[%add3A_17, %dma_start3A_144] : memref<10240x128xf32, #tpu.memory_space<vmem_shared>> -> memref<112x128xf32, #tpu.memory_space<vmem_shared>>
      %dma_start3A_146 = arith.constant 0 : i32
      %dma_start3A_147 = tpu.memref_slice %arg11[%add3A_17, %dma_start3A_146] : memref<10240x128xf32, #tpu.memory_space<vmem_shared>> -> memref<112x128xf32, #tpu.memory_space<vmem_shared>>
      tpu.enqueue_dma source(%arg8 : memref<112x128xf32, #tpu.memory_space<vmem>>) target(%dma_start3A_147 : memref<112x128xf32, #tpu.memory_space<vmem_shared>>) target_semaphore(%run_scoped3A_143 : memref<!tpu.dma_semaphore, #tpu.memory_space<semaphore_mem>>)
      %dma_wait3A = arith.constant 0 : i32
      %dma_wait3A_148 = tpu.memref_slice %arg11[%add3A_17, %dma_wait3A] : memref<10240x128xf32, #tpu.memory_space<vmem_shared>> -> memref<112x128xf32, #tpu.memory_space<vmem_shared>>
      %dma_wait3A_149 = arith.constant 0 : i32
      %dma_wait3A_150 = tpu.memref_slice %arg11[%add3A_17, %dma_wait3A_149] : memref<10240x128xf32, #tpu.memory_space<vmem_shared>> -> memref<112x128xf32, #tpu.memory_space<vmem_shared>>
      tpu.wait_dma2 semaphore(%run_scoped3A_143 : memref<!tpu.dma_semaphore, #tpu.memory_space<semaphore_mem>>) src(%arg8 : memref<112x128xf32, #tpu.memory_space<vmem>>) dst(%dma_wait3A_150 : memref<112x128xf32, #tpu.memory_space<vmem_shared>>)
      tpu.yield
    }) : () -> ()
    %mul3A_18 = arith.constant 640 : i32
    %mul3A_19 = arith.muli %arg1, %mul3A_18 : i32
    %add3A_20 = arith.constant 336 : i32
    %add3A_21 = arith.addi %mul3A_19, %add3A_20 : i32
    "tpu.region"() ({
      %run_scoped3A_143 = tpu.sem_alloc : memref<!tpu.dma_semaphore, #tpu.memory_space<semaphore_mem>>
      %dma_start3A_144 = arith.constant 0 : i32
      %dma_start3A_145 = tpu.memref_slice %arg11[%add3A_21, %dma_start3A_144] : memref<10240x128xf32, #tpu.memory_space<vmem_shared>> -> memref<112x128xf32, #tpu.memory_space<vmem_shared>>
      %dma_start3A_146 = arith.constant 0 : i32
      %dma_start3A_147 = tpu.memref_slice %arg11[%add3A_21, %dma_start3A_146] : memref<10240x128xf32, #tpu.memory_space<vmem_shared>> -> memref<112x128xf32, #tpu.memory_space<vmem_shared>>
      tpu.enqueue_dma source(%arg8 : memref<112x128xf32, #tpu.memory_space<vmem>>) target(%dma_start3A_147 : memref<112x128xf32, #tpu.memory_space<vmem_shared>>) target_semaphore(%run_scoped3A_143 : memref<!tpu.dma_semaphore, #tpu.memory_space<semaphore_mem>>)
      %dma_wait3A = arith.constant 0 : i32
      %dma_wait3A_148 = tpu.memref_slice %arg11[%add3A_21, %dma_wait3A] : memref<10240x128xf32, #tpu.memory_space<vmem_shared>> -> memref<112x128xf32, #tpu.memory_space<vmem_shared>>
      %dma_wait3A_149 = arith.constant 0 : i32
      %dma_wait3A_150 = tpu.memref_slice %arg11[%add3A_21, %dma_wait3A_149] : memref<10240x128xf32, #tpu.memory_space<vmem_shared>> -> memref<112x128xf32, #tpu.memory_space<vmem_shared>>
      tpu.wait_dma2 semaphore(%run_scoped3A_143 : memref<!tpu.dma_semaphore, #tpu.memory_space<semaphore_mem>>) src(%arg8 : memref<112x128xf32, #tpu.memory_space<vmem>>) dst(%dma_wait3A_150 : memref<112x128xf32, #tpu.memory_space<vmem_shared>>)
      tpu.yield
    }) : () -> ()
    %mul3A_22 = arith.constant 640 : i32
    %mul3A_23 = arith.muli %arg1, %mul3A_22 : i32
    %add3A_24 = arith.constant 448 : i32
    %add3A_25 = arith.addi %mul3A_23, %add3A_24 : i32
    "tpu.region"() ({
      %run_scoped3A_143 = tpu.sem_alloc : memref<!tpu.dma_semaphore, #tpu.memory_space<semaphore_mem>>
      %dma_start3A_144 = arith.constant 0 : i32
      %dma_start3A_145 = tpu.memref_slice %arg11[%add3A_25, %dma_start3A_144] : memref<10240x128xf32, #tpu.memory_space<vmem_shared>> -> memref<112x128xf32, #tpu.memory_space<vmem_shared>>
      %dma_start3A_146 = arith.constant 0 : i32
      %dma_start3A_147 = tpu.memref_slice %arg11[%add3A_25, %dma_start3A_146] : memref<10240x128xf32, #tpu.memory_space<vmem_shared>> -> memref<112x128xf32, #tpu.memory_space<vmem_shared>>
      tpu.enqueue_dma source(%arg8 : memref<112x128xf32, #tpu.memory_space<vmem>>) target(%dma_start3A_147 : memref<112x128xf32, #tpu.memory_space<vmem_shared>>) target_semaphore(%run_scoped3A_143 : memref<!tpu.dma_semaphore, #tpu.memory_space<semaphore_mem>>)
      %dma_wait3A = arith.constant 0 : i32
      %dma_wait3A_148 = tpu.memref_slice %arg11[%add3A_25, %dma_wait3A] : memref<10240x128xf32, #tpu.memory_space<vmem_shared>> -> memref<112x128xf32, #tpu.memory_space<vmem_shared>>
      %dma_wait3A_149 = arith.constant 0 : i32
      %dma_wait3A_150 = tpu.memref_slice %arg11[%add3A_25, %dma_wait3A_149] : memref<10240x128xf32, #tpu.memory_space<vmem_shared>> -> memref<112x128xf32, #tpu.memory_space<vmem_shared>>
      tpu.wait_dma2 semaphore(%run_scoped3A_143 : memref<!tpu.dma_semaphore, #tpu.memory_space<semaphore_mem>>) src(%arg8 : memref<112x128xf32, #tpu.memory_space<vmem>>) dst(%dma_wait3A_150 : memref<112x128xf32, #tpu.memory_space<vmem_shared>>)
      tpu.yield
    }) : () -> ()
    %mul3A_26 = arith.constant 640 : i32
    %mul3A_27 = arith.muli %arg1, %mul3A_26 : i32
    %add3A_28 = arith.constant 560 : i32
    %add3A_29 = arith.addi %mul3A_27, %add3A_28 : i32
    "tpu.region"() ({
      %run_scoped3A_143 = tpu.sem_alloc : memref<!tpu.dma_semaphore, #tpu.memory_space<semaphore_mem>>
      %dma_start3A_144 = arith.constant 0 : i32
      %dma_start3A_145 = arith.constant 0 : i32
      %dma_start3A_146 = tpu.memref_slice %arg8[%dma_start3A_144, %dma_start3A_145] : memref<112x128xf32, #tpu.memory_space<vmem>> -> memref<80x128xf32, #tpu.memory_space<vmem>>
      %dma_start3A_147 = arith.constant 0 : i32
      %dma_start3A_148 = tpu.memref_slice %arg11[%add3A_29, %dma_start3A_147] : memref<10240x128xf32, #tpu.memory_space<vmem_shared>> -> memref<80x128xf32, #tpu.memory_space<vmem_shared>>
      %dma_start3A_149 = arith.constant 0 : i32
      %dma_start3A_150 = tpu.memref_slice %arg11[%add3A_29, %dma_start3A_149] : memref<10240x128xf32, #tpu.memory_space<vmem_shared>> -> memref<80x128xf32, #tpu.memory_space<vmem_shared>>
      %dma_start3A_151 = arith.constant 0 : i32
      %dma_start3A_152 = arith.constant 0 : i32
      %dma_start3A_153 = tpu.memref_slice %arg8[%dma_start3A_151, %dma_start3A_152] : memref<112x128xf32, #tpu.memory_space<vmem>> -> memref<80x128xf32, #tpu.memory_space<vmem>>
      tpu.enqueue_dma source(%dma_start3A_153 : memref<80x128xf32, #tpu.memory_space<vmem>>) target(%dma_start3A_150 : memref<80x128xf32, #tpu.memory_space<vmem_shared>>) target_semaphore(%run_scoped3A_143 : memref<!tpu.dma_semaphore, #tpu.memory_space<semaphore_mem>>)
      %dma_wait3A = arith.constant 0 : i32
      %dma_wait3A_154 = arith.constant 0 : i32
      %dma_wait3A_155 = tpu.memref_slice %arg8[%dma_wait3A, %dma_wait3A_154] : memref<112x128xf32, #tpu.memory_space<vmem>> -> memref<80x128xf32, #tpu.memory_space<vmem>>
      %dma_wait3A_156 = arith.constant 0 : i32
      %dma_wait3A_157 = tpu.memref_slice %arg11[%add3A_29, %dma_wait3A_156] : memref<10240x128xf32, #tpu.memory_space<vmem_shared>> -> memref<80x128xf32, #tpu.memory_space<vmem_shared>>
      %dma_wait3A_158 = arith.constant 0 : i32
      %dma_wait3A_159 = tpu.memref_slice %arg11[%add3A_29, %dma_wait3A_158] : memref<10240x128xf32, #tpu.memory_space<vmem_shared>> -> memref<80x128xf32, #tpu.memory_space<vmem_shared>>
      %dma_wait3A_160 = arith.constant 0 : i32
      %dma_wait3A_161 = arith.constant 0 : i32
      %dma_wait3A_162 = tpu.memref_slice %arg8[%dma_wait3A_160, %dma_wait3A_161] : memref<112x128xf32, #tpu.memory_space<vmem>> -> memref<80x128xf32, #tpu.memory_space<vmem>>
      tpu.wait_dma2 semaphore(%run_scoped3A_143 : memref<!tpu.dma_semaphore, #tpu.memory_space<semaphore_mem>>) src(%dma_wait3A_162 : memref<80x128xf32, #tpu.memory_space<vmem>>) dst(%dma_wait3A_159 : memref<80x128xf32, #tpu.memory_space<vmem_shared>>)
      tpu.yield
    }) : () -> ()
    %barrier3A = arith.constant 0 : index
    tpu.barrier barrier_id(%barrier3A)
    %run_scoped3A = arith.constant 0 : i32
    "tpu.region"() ({
      %run_scoped3A_143 = tpu.sem_alloc : memref<!tpu.dma_semaphore, #tpu.memory_space<semaphore_mem>>
      %dma_start3A_144 = arith.constant 0 : i32
      %dma_start3A_145 = arith.constant 0 : i32
      %dma_start3A_146 = tpu.memref_slice %arg2[%add3A, %run_scoped3A, %dma_start3A_144, %dma_start3A_145] : memref<32x5x18x112xi32, #tpu.memory_space<hbm>> -> memref<1x1x18x112xi32, #tpu.memory_space<hbm>>
      %dma_start3A_147 = tpu.memref_squeeze %dma_start3A_146 : memref<1x1x18x112xi32, #tpu.memory_space<hbm>> -> memref<18x112xi32, #tpu.memory_space<hbm>>
      %dma_start3A_148 = arith.constant 0 : i32
      %dma_start3A_149 = arith.constant 0 : i32
      %dma_start3A_150 = tpu.memref_slice %arg2[%add3A, %run_scoped3A, %dma_start3A_148, %dma_start3A_149] : memref<32x5x18x112xi32, #tpu.memory_space<hbm>> -> memref<1x1x18x112xi32, #tpu.memory_space<hbm>>
      %dma_start3A_151 = tpu.memref_squeeze %dma_start3A_150 : memref<1x1x18x112xi32, #tpu.memory_space<hbm>> -> memref<18x112xi32, #tpu.memory_space<hbm>>
      tpu.enqueue_dma source(%dma_start3A_151 : memref<18x112xi32, #tpu.memory_space<hbm>>) target(%arg6 : memref<18x112xi32, #tpu.memory_space<vmem>>) target_semaphore(%run_scoped3A_143 : memref<!tpu.dma_semaphore, #tpu.memory_space<semaphore_mem>>)
      %dma_wait3A = arith.constant 0 : i32
      %dma_wait3A_152 = arith.constant 0 : i32
      %dma_wait3A_153 = tpu.memref_slice %arg2[%add3A, %run_scoped3A, %dma_wait3A, %dma_wait3A_152] : memref<32x5x18x112xi32, #tpu.memory_space<hbm>> -> memref<1x1x18x112xi32, #tpu.memory_space<hbm>>
      %dma_wait3A_154 = tpu.memref_squeeze %dma_wait3A_153 : memref<1x1x18x112xi32, #tpu.memory_space<hbm>> -> memref<18x112xi32, #tpu.memory_space<hbm>>
      %dma_wait3A_155 = arith.constant 0 : i32
      %dma_wait3A_156 = arith.constant 0 : i32
      %dma_wait3A_157 = tpu.memref_slice %arg2[%add3A, %run_scoped3A, %dma_wait3A_155, %dma_wait3A_156] : memref<32x5x18x112xi32, #tpu.memory_space<hbm>> -> memref<1x1x18x112xi32, #tpu.memory_space<hbm>>
      %dma_wait3A_158 = tpu.memref_squeeze %dma_wait3A_157 : memref<1x1x18x112xi32, #tpu.memory_space<hbm>> -> memref<18x112xi32, #tpu.memory_space<hbm>>
      tpu.wait_dma2 semaphore(%run_scoped3A_143 : memref<!tpu.dma_semaphore, #tpu.memory_space<semaphore_mem>>) src(%dma_wait3A_158 : memref<18x112xi32, #tpu.memory_space<hbm>>) dst(%arg6 : memref<18x112xi32, #tpu.memory_space<vmem>>)
      tpu.yield
    }) : () -> ()
    %run_scoped3A_30 = arith.constant 0 : i32
    "tpu.region"() ({
      %run_scoped3A_143 = tpu.sem_alloc : memref<!tpu.dma_semaphore, #tpu.memory_space<semaphore_mem>>
      %dma_start3A_144 = arith.constant 0 : i32
      %dma_start3A_145 = arith.constant 0 : i32
      %dma_start3A_146 = tpu.memref_slice %arg3[%add3A, %run_scoped3A_30, %dma_start3A_144, %dma_start3A_145] : memref<32x5x18x112xi32, #tpu.memory_space<hbm>> -> memref<1x1x18x112xi32, #tpu.memory_space<hbm>>
      %dma_start3A_147 = tpu.memref_squeeze %dma_start3A_146 : memref<1x1x18x112xi32, #tpu.memory_space<hbm>> -> memref<18x112xi32, #tpu.memory_space<hbm>>
      %dma_start3A_148 = arith.constant 0 : i32
      %dma_start3A_149 = arith.constant 0 : i32
      %dma_start3A_150 = tpu.memref_slice %arg3[%add3A, %run_scoped3A_30, %dma_start3A_148, %dma_start3A_149] : memref<32x5x18x112xi32, #tpu.memory_space<hbm>> -> memref<1x1x18x112xi32, #tpu.memory_space<hbm>>
      %dma_start3A_151 = tpu.memref_squeeze %dma_start3A_150 : memref<1x1x18x112xi32, #tpu.memory_space<hbm>> -> memref<18x112xi32, #tpu.memory_space<hbm>>
      tpu.enqueue_dma source(%dma_start3A_151 : memref<18x112xi32, #tpu.memory_space<hbm>>) target(%arg7 : memref<18x112xi32, #tpu.memory_space<vmem>>) target_semaphore(%run_scoped3A_143 : memref<!tpu.dma_semaphore, #tpu.memory_space<semaphore_mem>>)
      %dma_wait3A = arith.constant 0 : i32
      %dma_wait3A_152 = arith.constant 0 : i32
      %dma_wait3A_153 = tpu.memref_slice %arg3[%add3A, %run_scoped3A_30, %dma_wait3A, %dma_wait3A_152] : memref<32x5x18x112xi32, #tpu.memory_space<hbm>> -> memref<1x1x18x112xi32, #tpu.memory_space<hbm>>
      %dma_wait3A_154 = tpu.memref_squeeze %dma_wait3A_153 : memref<1x1x18x112xi32, #tpu.memory_space<hbm>> -> memref<18x112xi32, #tpu.memory_space<hbm>>
      %dma_wait3A_155 = arith.constant 0 : i32
      %dma_wait3A_156 = arith.constant 0 : i32
      %dma_wait3A_157 = tpu.memref_slice %arg3[%add3A, %run_scoped3A_30, %dma_wait3A_155, %dma_wait3A_156] : memref<32x5x18x112xi32, #tpu.memory_space<hbm>> -> memref<1x1x18x112xi32, #tpu.memory_space<hbm>>
      %dma_wait3A_158 = tpu.memref_squeeze %dma_wait3A_157 : memref<1x1x18x112xi32, #tpu.memory_space<hbm>> -> memref<18x112xi32, #tpu.memory_space<hbm>>
      tpu.wait_dma2 semaphore(%run_scoped3A_143 : memref<!tpu.dma_semaphore, #tpu.memory_space<semaphore_mem>>) src(%dma_wait3A_158 : memref<18x112xi32, #tpu.memory_space<hbm>>) dst(%arg7 : memref<18x112xi32, #tpu.memory_space<vmem>>)
      tpu.yield
    }) : () -> ()
    %dma_start3A = arith.constant 0 : i32
    %dma_start3A_31 = arith.constant 0 : i32
    %dma_start3A_32 = tpu.memref_slice %arg6[%dma_start3A, %dma_start3A_31] : memref<18x112xi32, #tpu.memory_space<vmem>> -> memref<1x112xi32, #tpu.memory_space<vmem>>
    %dma_start3A_33 = tpu.memref_squeeze %dma_start3A_32 : memref<1x112xi32, #tpu.memory_space<vmem>> -> memref<112xi32, #tpu.memory_space<vmem>>
    %dma_start3A_34 = arith.constant 0 : i32
    %dma_start3A_35 = arith.constant 0 : i32
    %dma_start3A_36 = tpu.memref_slice %arg4[%dma_start3A_34, %dma_start3A_35] : memref<10240x128xf32, #tpu.memory_space<hbm>> -> memref<10240x128xf32, #tpu.memory_space<hbm>>
    tpu.enqueue_indirect_dma source(%dma_start3A_36 : memref<10240x128xf32, #tpu.memory_space<hbm>>) target(%arg8 : memref<112x128xf32, #tpu.memory_space<vmem>>) offsets(%dma_start3A_33 : memref<112xi32, #tpu.memory_space<vmem>>) semaphore(%arg12 : memref<!tpu.dma_semaphore, #tpu.memory_space<semaphore_mem>>)
    %dma_start3A_37 = arith.constant 1 : i32
    %dma_start3A_38 = arith.constant 0 : i32
    %dma_start3A_39 = tpu.memref_slice %arg6[%dma_start3A_37, %dma_start3A_38] : memref<18x112xi32, #tpu.memory_space<vmem>> -> memref<1x112xi32, #tpu.memory_space<vmem>>
    %dma_start3A_40 = tpu.memref_squeeze %dma_start3A_39 : memref<1x112xi32, #tpu.memory_space<vmem>> -> memref<112xi32, #tpu.memory_space<vmem>>
    %dma_start3A_41 = arith.constant 0 : i32
    %dma_start3A_42 = arith.constant 0 : i32
    %dma_start3A_43 = tpu.memref_slice %arg4[%dma_start3A_41, %dma_start3A_42] : memref<10240x128xf32, #tpu.memory_space<hbm>> -> memref<10240x128xf32, #tpu.memory_space<hbm>>
    tpu.enqueue_indirect_dma source(%dma_start3A_43 : memref<10240x128xf32, #tpu.memory_space<hbm>>) target(%arg9 : memref<112x128xf32, #tpu.memory_space<vmem>>) offsets(%dma_start3A_40 : memref<112xi32, #tpu.memory_space<vmem>>) semaphore(%arg13 : memref<!tpu.dma_semaphore, #tpu.memory_space<semaphore_mem>>)
    %scan3A_44 = arith.constant 0 : i32
    %scan3A_45 = arith.constant 0 : i32
    %scan3A_46 = arith.constant 6 : i32
    %scan3A_47 = arith.addi %scan3A_45, %scan3A_46 : i32
    %scan3A_48 = arith.constant 1 : i32
    scf.for %scan3A_143 = %scan3A_45 to %scan3A_47 step %scan3A_48  : i32 {
      %mul3A_144 = arith.constant 3 : i32
      %mul3A_145 = arith.muli %scan3A_143, %mul3A_144 : i32
      %add3A_146 = arith.constant 0 : i32
      %add3A_147 = arith.addi %mul3A_145, %add3A_146 : i32
      %add3A_148 = arith.constant 2 : i32
      %add3A_149 = arith.addi %add3A_147, %add3A_148 : i32
      %dma_wait3A = arith.constant 0 : i32
      %dma_wait3A_150 = tpu.memref_slice %arg6[%add3A_147, %dma_wait3A] : memref<18x112xi32, #tpu.memory_space<vmem>> -> memref<1x112xi32, #tpu.memory_space<vmem>>
      %dma_wait3A_151 = tpu.memref_squeeze %dma_wait3A_150 : memref<1x112xi32, #tpu.memory_space<vmem>> -> memref<112xi32, #tpu.memory_space<vmem>>
      %dma_wait3A_152 = arith.constant 0 : i32
      %dma_wait3A_153 = arith.constant 0 : i32
      %dma_wait3A_154 = tpu.memref_slice %arg4[%dma_wait3A_152, %dma_wait3A_153] : memref<10240x128xf32, #tpu.memory_space<hbm>> -> memref<10240x128xf32, #tpu.memory_space<hbm>>
      tpu.wait_indirect_dma semaphore(%arg12 : memref<!tpu.dma_semaphore, #tpu.memory_space<semaphore_mem>>) src(%dma_wait3A_154 : memref<10240x128xf32, #tpu.memory_space<hbm>>) dst(%arg8 : memref<112x128xf32, #tpu.memory_space<vmem>>)
      %lt3A = arith.constant 18 : i32
      %lt3A_155 = arith.cmpi slt, %add3A_149, %lt3A : i32
      %convert_element_type3A = arith.extui %lt3A_155 : i1 to i32
      %cond3A = arith.constant 0 : i32
      %cond3A_156 = arith.cmpi ne, %convert_element_type3A, %cond3A : i32
      scf.if %cond3A_156 {
        %dma_start3A_191 = arith.constant 0 : i32
        %dma_start3A_192 = tpu.memref_slice %arg6[%add3A_149, %dma_start3A_191] : memref<18x112xi32, #tpu.memory_space<vmem>> -> memref<1x112xi32, #tpu.memory_space<vmem>>
        %dma_start3A_193 = tpu.memref_squeeze %dma_start3A_192 : memref<1x112xi32, #tpu.memory_space<vmem>> -> memref<112xi32, #tpu.memory_space<vmem>>
        %dma_start3A_194 = arith.constant 0 : i32
        %dma_start3A_195 = arith.constant 0 : i32
        %dma_start3A_196 = tpu.memref_slice %arg4[%dma_start3A_194, %dma_start3A_195] : memref<10240x128xf32, #tpu.memory_space<hbm>> -> memref<10240x128xf32, #tpu.memory_space<hbm>>
        tpu.enqueue_indirect_dma source(%dma_start3A_196 : memref<10240x128xf32, #tpu.memory_space<hbm>>) target(%arg10 : memref<112x128xf32, #tpu.memory_space<vmem>>) offsets(%dma_start3A_193 : memref<112xi32, #tpu.memory_space<vmem>>) semaphore(%arg14 : memref<!tpu.dma_semaphore, #tpu.memory_space<semaphore_mem>>)
      } else {
      }
      "tpu.region"() ({
        %run_scoped3A_191 = tpu.sem_alloc : memref<!tpu.dma_semaphore, #tpu.memory_space<semaphore_mem>>
        %dma_start3A_192 = arith.constant 0 : i32
        %dma_start3A_193 = tpu.memref_slice %arg7[%add3A_147, %dma_start3A_192] : memref<18x112xi32, #tpu.memory_space<vmem>> -> memref<1x112xi32, #tpu.memory_space<vmem>>
        %dma_start3A_194 = tpu.memref_squeeze %dma_start3A_193 : memref<1x112xi32, #tpu.memory_space<vmem>> -> memref<112xi32, #tpu.memory_space<vmem>>
        %dma_start3A_195 = arith.constant 0 : i32
        %dma_start3A_196 = arith.constant 0 : i32
        %dma_start3A_197 = tpu.memref_slice %arg11[%dma_start3A_195, %dma_start3A_196] : memref<10240x128xf32, #tpu.memory_space<vmem_shared>> -> memref<10240x128xf32, #tpu.memory_space<vmem_shared>>
        tpu.enqueue_indirect_dma source(%arg8 : memref<112x128xf32, #tpu.memory_space<vmem>>) target(%dma_start3A_197 : memref<10240x128xf32, #tpu.memory_space<vmem_shared>>) offsets(%dma_start3A_194 : memref<112xi32, #tpu.memory_space<vmem>>) semaphore(%run_scoped3A_191 : memref<!tpu.dma_semaphore, #tpu.memory_space<semaphore_mem>>) {add = true}
        %dma_wait3A_198 = arith.constant 0 : i32
        %dma_wait3A_199 = tpu.memref_slice %arg7[%add3A_147, %dma_wait3A_198] : memref<18x112xi32, #tpu.memory_space<vmem>> -> memref<1x112xi32, #tpu.memory_space<vmem>>
        %dma_wait3A_200 = tpu.memref_squeeze %dma_wait3A_199 : memref<1x112xi32, #tpu.memory_space<vmem>> -> memref<112xi32, #tpu.memory_space<vmem>>
        %dma_wait3A_201 = arith.constant 0 : i32
        %dma_wait3A_202 = arith.constant 0 : i32
        %dma_wait3A_203 = tpu.memref_slice %arg11[%dma_wait3A_201, %dma_wait3A_202] : memref<10240x128xf32, #tpu.memory_space<vmem_shared>> -> memref<10240x128xf32, #tpu.memory_space<vmem_shared>>
        tpu.wait_indirect_dma semaphore(%run_scoped3A_191 : memref<!tpu.dma_semaphore, #tpu.memory_space<semaphore_mem>>) src(%arg8 : memref<112x128xf32, #tpu.memory_space<vmem>>) dst(%dma_wait3A_203 : memref<10240x128xf32, #tpu.memory_space<vmem_shared>>)
        tpu.yield
      }) : () -> ()
      %mul3A_157 = arith.constant 3 : i32
      %mul3A_158 = arith.muli %scan3A_143, %mul3A_157 : i32
      %add3A_159 = arith.constant 1 : i32
      %add3A_160 = arith.addi %mul3A_158, %add3A_159 : i32
      %add3A_161 = arith.constant 2 : i32
      %add3A_162 = arith.addi %add3A_160, %add3A_161 : i32
      %dma_wait3A_163 = arith.constant 0 : i32
      %dma_wait3A_164 = tpu.memref_slice %arg6[%add3A_160, %dma_wait3A_163] : memref<18x112xi32, #tpu.memory_space<vmem>> -> memref<1x112xi32, #tpu.memory_space<vmem>>
      %dma_wait3A_165 = tpu.memref_squeeze %dma_wait3A_164 : memref<1x112xi32, #tpu.memory_space<vmem>> -> memref<112xi32, #tpu.memory_space<vmem>>
      %dma_wait3A_166 = arith.constant 0 : i32
      %dma_wait3A_167 = arith.constant 0 : i32
      %dma_wait3A_168 = tpu.memref_slice %arg4[%dma_wait3A_166, %dma_wait3A_167] : memref<10240x128xf32, #tpu.memory_space<hbm>> -> memref<10240x128xf32, #tpu.memory_space<hbm>>
      tpu.wait_indirect_dma semaphore(%arg13 : memref<!tpu.dma_semaphore, #tpu.memory_space<semaphore_mem>>) src(%dma_wait3A_168 : memref<10240x128xf32, #tpu.memory_space<hbm>>) dst(%arg9 : memref<112x128xf32, #tpu.memory_space<vmem>>)
      %lt3A_169 = arith.constant 18 : i32
      %lt3A_170 = arith.cmpi slt, %add3A_162, %lt3A_169 : i32
      %convert_element_type3A_171 = arith.extui %lt3A_170 : i1 to i32
      %cond3A_172 = arith.constant 0 : i32
      %cond3A_173 = arith.cmpi ne, %convert_element_type3A_171, %cond3A_172 : i32
      scf.if %cond3A_173 {
        %dma_start3A_191 = arith.constant 0 : i32
        %dma_start3A_192 = tpu.memref_slice %arg6[%add3A_162, %dma_start3A_191] : memref<18x112xi32, #tpu.memory_space<vmem>> -> memref<1x112xi32, #tpu.memory_space<vmem>>
        %dma_start3A_193 = tpu.memref_squeeze %dma_start3A_192 : memref<1x112xi32, #tpu.memory_space<vmem>> -> memref<112xi32, #tpu.memory_space<vmem>>
        %dma_start3A_194 = arith.constant 0 : i32
        %dma_start3A_195 = arith.constant 0 : i32
        %dma_start3A_196 = tpu.memref_slice %arg4[%dma_start3A_194, %dma_start3A_195] : memref<10240x128xf32, #tpu.memory_space<hbm>> -> memref<10240x128xf32, #tpu.memory_space<hbm>>
        tpu.enqueue_indirect_dma source(%dma_start3A_196 : memref<10240x128xf32, #tpu.memory_space<hbm>>) target(%arg8 : memref<112x128xf32, #tpu.memory_space<vmem>>) offsets(%dma_start3A_193 : memref<112xi32, #tpu.memory_space<vmem>>) semaphore(%arg12 : memref<!tpu.dma_semaphore, #tpu.memory_space<semaphore_mem>>)
      } else {
      }
      "tpu.region"() ({
        %run_scoped3A_191 = tpu.sem_alloc : memref<!tpu.dma_semaphore, #tpu.memory_space<semaphore_mem>>
        %dma_start3A_192 = arith.constant 0 : i32
        %dma_start3A_193 = tpu.memref_slice %arg7[%add3A_160, %dma_start3A_192] : memref<18x112xi32, #tpu.memory_space<vmem>> -> memref<1x112xi32, #tpu.memory_space<vmem>>
        %dma_start3A_194 = tpu.memref_squeeze %dma_start3A_193 : memref<1x112xi32, #tpu.memory_space<vmem>> -> memref<112xi32, #tpu.memory_space<vmem>>
        %dma_start3A_195 = arith.constant 0 : i32
        %dma_start3A_196 = arith.constant 0 : i32
        %dma_start3A_197 = tpu.memref_slice %arg11[%dma_start3A_195, %dma_start3A_196] : memref<10240x128xf32, #tpu.memory_space<vmem_shared>> -> memref<10240x128xf32, #tpu.memory_space<vmem_shared>>
        tpu.enqueue_indirect_dma source(%arg9 : memref<112x128xf32, #tpu.memory_space<vmem>>) target(%dma_start3A_197 : memref<10240x128xf32, #tpu.memory_space<vmem_shared>>) offsets(%dma_start3A_194 : memref<112xi32, #tpu.memory_space<vmem>>) semaphore(%run_scoped3A_191 : memref<!tpu.dma_semaphore, #tpu.memory_space<semaphore_mem>>) {add = true}
        %dma_wait3A_198 = arith.constant 0 : i32
        %dma_wait3A_199 = tpu.memref_slice %arg7[%add3A_160, %dma_wait3A_198] : memref<18x112xi32, #tpu.memory_space<vmem>> -> memref<1x112xi32, #tpu.memory_space<vmem>>
        %dma_wait3A_200 = tpu.memref_squeeze %dma_wait3A_199 : memref<1x112xi32, #tpu.memory_space<vmem>> -> memref<112xi32, #tpu.memory_space<vmem>>
        %dma_wait3A_201 = arith.constant 0 : i32
        %dma_wait3A_202 = arith.constant 0 : i32
        %dma_wait3A_203 = tpu.memref_slice %arg11[%dma_wait3A_201, %dma_wait3A_202] : memref<10240x128xf32, #tpu.memory_space<vmem_shared>> -> memref<10240x128xf32, #tpu.memory_space<vmem_shared>>
        tpu.wait_indirect_dma semaphore(%run_scoped3A_191 : memref<!tpu.dma_semaphore, #tpu.memory_space<semaphore_mem>>) src(%arg9 : memref<112x128xf32, #tpu.memory_space<vmem>>) dst(%dma_wait3A_203 : memref<10240x128xf32, #tpu.memory_space<vmem_shared>>)
        tpu.yield
      }) : () -> ()
      %mul3A_174 = arith.constant 3 : i32
      %mul3A_175 = arith.muli %scan3A_143, %mul3A_174 : i32
      %add3A_176 = arith.constant 2 : i32
      %add3A_177 = arith.addi %mul3A_175, %add3A_176 : i32
      %add3A_178 = arith.constant 2 : i32
      %add3A_179 = arith.addi %add3A_177, %add3A_178 : i32
      %dma_wait3A_180 = arith.constant 0 : i32
      %dma_wait3A_181 = tpu.memref_slice %arg6[%add3A_177, %dma_wait3A_180] : memref<18x112xi32, #tpu.memory_space<vmem>> -> memref<1x112xi32, #tpu.memory_space<vmem>>
      %dma_wait3A_182 = tpu.memref_squeeze %dma_wait3A_181 : memref<1x112xi32, #tpu.memory_space<vmem>> -> memref<112xi32, #tpu.memory_space<vmem>>
      %dma_wait3A_183 = arith.constant 0 : i32
      %dma_wait3A_184 = arith.constant 0 : i32
      %dma_wait3A_185 = tpu.memref_slice %arg4[%dma_wait3A_183, %dma_wait3A_184] : memref<10240x128xf32, #tpu.memory_space<hbm>> -> memref<10240x128xf32, #tpu.memory_space<hbm>>
      tpu.wait_indirect_dma semaphore(%arg14 : memref<!tpu.dma_semaphore, #tpu.memory_space<semaphore_mem>>) src(%dma_wait3A_185 : memref<10240x128xf32, #tpu.memory_space<hbm>>) dst(%arg10 : memref<112x128xf32, #tpu.memory_space<vmem>>)
      %lt3A_186 = arith.constant 18 : i32
      %lt3A_187 = arith.cmpi slt, %add3A_179, %lt3A_186 : i32
      %convert_element_type3A_188 = arith.extui %lt3A_187 : i1 to i32
      %cond3A_189 = arith.constant 0 : i32
      %cond3A_190 = arith.cmpi ne, %convert_element_type3A_188, %cond3A_189 : i32
      scf.if %cond3A_190 {
        %dma_start3A_191 = arith.constant 0 : i32
        %dma_start3A_192 = tpu.memref_slice %arg6[%add3A_179, %dma_start3A_191] : memref<18x112xi32, #tpu.memory_space<vmem>> -> memref<1x112xi32, #tpu.memory_space<vmem>>
        %dma_start3A_193 = tpu.memref_squeeze %dma_start3A_192 : memref<1x112xi32, #tpu.memory_space<vmem>> -> memref<112xi32, #tpu.memory_space<vmem>>
        %dma_start3A_194 = arith.constant 0 : i32
        %dma_start3A_195 = arith.constant 0 : i32
        %dma_start3A_196 = tpu.memref_slice %arg4[%dma_start3A_194, %dma_start3A_195] : memref<10240x128xf32, #tpu.memory_space<hbm>> -> memref<10240x128xf32, #tpu.memory_space<hbm>>
        tpu.enqueue_indirect_dma source(%dma_start3A_196 : memref<10240x128xf32, #tpu.memory_space<hbm>>) target(%arg9 : memref<112x128xf32, #tpu.memory_space<vmem>>) offsets(%dma_start3A_193 : memref<112xi32, #tpu.memory_space<vmem>>) semaphore(%arg13 : memref<!tpu.dma_semaphore, #tpu.memory_space<semaphore_mem>>)
      } else {
      }
      "tpu.region"() ({
        %run_scoped3A_191 = tpu.sem_alloc : memref<!tpu.dma_semaphore, #tpu.memory_space<semaphore_mem>>
        %dma_start3A_192 = arith.constant 0 : i32
        %dma_start3A_193 = tpu.memref_slice %arg7[%add3A_177, %dma_start3A_192] : memref<18x112xi32, #tpu.memory_space<vmem>> -> memref<1x112xi32, #tpu.memory_space<vmem>>
        %dma_start3A_194 = tpu.memref_squeeze %dma_start3A_193 : memref<1x112xi32, #tpu.memory_space<vmem>> -> memref<112xi32, #tpu.memory_space<vmem>>
        %dma_start3A_195 = arith.constant 0 : i32
        %dma_start3A_196 = arith.constant 0 : i32
        %dma_start3A_197 = tpu.memref_slice %arg11[%dma_start3A_195, %dma_start3A_196] : memref<10240x128xf32, #tpu.memory_space<vmem_shared>> -> memref<10240x128xf32, #tpu.memory_space<vmem_shared>>
        tpu.enqueue_indirect_dma source(%arg10 : memref<112x128xf32, #tpu.memory_space<vmem>>) target(%dma_start3A_197 : memref<10240x128xf32, #tpu.memory_space<vmem_shared>>) offsets(%dma_start3A_194 : memref<112xi32, #tpu.memory_space<vmem>>) semaphore(%run_scoped3A_191 : memref<!tpu.dma_semaphore, #tpu.memory_space<semaphore_mem>>) {add = true}
        %dma_wait3A_198 = arith.constant 0 : i32
        %dma_wait3A_199 = tpu.memref_slice %arg7[%add3A_177, %dma_wait3A_198] : memref<18x112xi32, #tpu.memory_space<vmem>> -> memref<1x112xi32, #tpu.memory_space<vmem>>
        %dma_wait3A_200 = tpu.memref_squeeze %dma_wait3A_199 : memref<1x112xi32, #tpu.memory_space<vmem>> -> memref<112xi32, #tpu.memory_space<vmem>>
        %dma_wait3A_201 = arith.constant 0 : i32
        %dma_wait3A_202 = arith.constant 0 : i32
        %dma_wait3A_203 = tpu.memref_slice %arg11[%dma_wait3A_201, %dma_wait3A_202] : memref<10240x128xf32, #tpu.memory_space<vmem_shared>> -> memref<10240x128xf32, #tpu.memory_space<vmem_shared>>
        tpu.wait_indirect_dma semaphore(%run_scoped3A_191 : memref<!tpu.dma_semaphore, #tpu.memory_space<semaphore_mem>>) src(%arg10 : memref<112x128xf32, #tpu.memory_space<vmem>>) dst(%dma_wait3A_203 : memref<10240x128xf32, #tpu.memory_space<vmem_shared>>)
        tpu.yield
      }) : () -> ()
    }
    %scan3A_49 = arith.constant 6 : i32
    %run_scoped3A_50 = arith.constant 1 : i32
    "tpu.region"() ({
      %run_scoped3A_143 = tpu.sem_alloc : memref<!tpu.dma_semaphore, #tpu.memory_space<semaphore_mem>>
      %dma_start3A_144 = arith.constant 0 : i32
      %dma_start3A_145 = arith.constant 0 : i32
      %dma_start3A_146 = tpu.memref_slice %arg2[%add3A, %run_scoped3A_50, %dma_start3A_144, %dma_start3A_145] : memref<32x5x18x112xi32, #tpu.memory_space<hbm>> -> memref<1x1x18x112xi32, #tpu.memory_space<hbm>>
      %dma_start3A_147 = tpu.memref_squeeze %dma_start3A_146 : memref<1x1x18x112xi32, #tpu.memory_space<hbm>> -> memref<18x112xi32, #tpu.memory_space<hbm>>
      %dma_start3A_148 = arith.constant 0 : i32
      %dma_start3A_149 = arith.constant 0 : i32
      %dma_start3A_150 = tpu.memref_slice %arg2[%add3A, %run_scoped3A_50, %dma_start3A_148, %dma_start3A_149] : memref<32x5x18x112xi32, #tpu.memory_space<hbm>> -> memref<1x1x18x112xi32, #tpu.memory_space<hbm>>
      %dma_start3A_151 = tpu.memref_squeeze %dma_start3A_150 : memref<1x1x18x112xi32, #tpu.memory_space<hbm>> -> memref<18x112xi32, #tpu.memory_space<hbm>>
      tpu.enqueue_dma source(%dma_start3A_151 : memref<18x112xi32, #tpu.memory_space<hbm>>) target(%arg6 : memref<18x112xi32, #tpu.memory_space<vmem>>) target_semaphore(%run_scoped3A_143 : memref<!tpu.dma_semaphore, #tpu.memory_space<semaphore_mem>>)
      %dma_wait3A = arith.constant 0 : i32
      %dma_wait3A_152 = arith.constant 0 : i32
      %dma_wait3A_153 = tpu.memref_slice %arg2[%add3A, %run_scoped3A_50, %dma_wait3A, %dma_wait3A_152] : memref<32x5x18x112xi32, #tpu.memory_space<hbm>> -> memref<1x1x18x112xi32, #tpu.memory_space<hbm>>
      %dma_wait3A_154 = tpu.memref_squeeze %dma_wait3A_153 : memref<1x1x18x112xi32, #tpu.memory_space<hbm>> -> memref<18x112xi32, #tpu.memory_space<hbm>>
      %dma_wait3A_155 = arith.constant 0 : i32
      %dma_wait3A_156 = arith.constant 0 : i32
      %dma_wait3A_157 = tpu.memref_slice %arg2[%add3A, %run_scoped3A_50, %dma_wait3A_155, %dma_wait3A_156] : memref<32x5x18x112xi32, #tpu.memory_space<hbm>> -> memref<1x1x18x112xi32, #tpu.memory_space<hbm>>
      %dma_wait3A_158 = tpu.memref_squeeze %dma_wait3A_157 : memref<1x1x18x112xi32, #tpu.memory_space<hbm>> -> memref<18x112xi32, #tpu.memory_space<hbm>>
      tpu.wait_dma2 semaphore(%run_scoped3A_143 : memref<!tpu.dma_semaphore, #tpu.memory_space<semaphore_mem>>) src(%dma_wait3A_158 : memref<18x112xi32, #tpu.memory_space<hbm>>) dst(%arg6 : memref<18x112xi32, #tpu.memory_space<vmem>>)
      tpu.yield
    }) : () -> ()
    %run_scoped3A_51 = arith.constant 1 : i32
    "tpu.region"() ({
      %run_scoped3A_143 = tpu.sem_alloc : memref<!tpu.dma_semaphore, #tpu.memory_space<semaphore_mem>>
      %dma_start3A_144 = arith.constant 0 : i32
      %dma_start3A_145 = arith.constant 0 : i32
      %dma_start3A_146 = tpu.memref_slice %arg3[%add3A, %run_scoped3A_51, %dma_start3A_144, %dma_start3A_145] : memref<32x5x18x112xi32, #tpu.memory_space<hbm>> -> memref<1x1x18x112xi32, #tpu.memory_space<hbm>>
      %dma_start3A_147 = tpu.memref_squeeze %dma_start3A_146 : memref<1x1x18x112xi32, #tpu.memory_space<hbm>> -> memref<18x112xi32, #tpu.memory_space<hbm>>
      %dma_start3A_148 = arith.constant 0 : i32
      %dma_start3A_149 = arith.constant 0 : i32
      %dma_start3A_150 = tpu.memref_slice %arg3[%add3A, %run_scoped3A_51, %dma_start3A_148, %dma_start3A_149] : memref<32x5x18x112xi32, #tpu.memory_space<hbm>> -> memref<1x1x18x112xi32, #tpu.memory_space<hbm>>
      %dma_start3A_151 = tpu.memref_squeeze %dma_start3A_150 : memref<1x1x18x112xi32, #tpu.memory_space<hbm>> -> memref<18x112xi32, #tpu.memory_space<hbm>>
      tpu.enqueue_dma source(%dma_start3A_151 : memref<18x112xi32, #tpu.memory_space<hbm>>) target(%arg7 : memref<18x112xi32, #tpu.memory_space<vmem>>) target_semaphore(%run_scoped3A_143 : memref<!tpu.dma_semaphore, #tpu.memory_space<semaphore_mem>>)
      %dma_wait3A = arith.constant 0 : i32
      %dma_wait3A_152 = arith.constant 0 : i32
      %dma_wait3A_153 = tpu.memref_slice %arg3[%add3A, %run_scoped3A_51, %dma_wait3A, %dma_wait3A_152] : memref<32x5x18x112xi32, #tpu.memory_space<hbm>> -> memref<1x1x18x112xi32, #tpu.memory_space<hbm>>
      %dma_wait3A_154 = tpu.memref_squeeze %dma_wait3A_153 : memref<1x1x18x112xi32, #tpu.memory_space<hbm>> -> memref<18x112xi32, #tpu.memory_space<hbm>>
      %dma_wait3A_155 = arith.constant 0 : i32
      %dma_wait3A_156 = arith.constant 0 : i32
      %dma_wait3A_157 = tpu.memref_slice %arg3[%add3A, %run_scoped3A_51, %dma_wait3A_155, %dma_wait3A_156] : memref<32x5x18x112xi32, #tpu.memory_space<hbm>> -> memref<1x1x18x112xi32, #tpu.memory_space<hbm>>
      %dma_wait3A_158 = tpu.memref_squeeze %dma_wait3A_157 : memref<1x1x18x112xi32, #tpu.memory_space<hbm>> -> memref<18x112xi32, #tpu.memory_space<hbm>>
      tpu.wait_dma2 semaphore(%run_scoped3A_143 : memref<!tpu.dma_semaphore, #tpu.memory_space<semaphore_mem>>) src(%dma_wait3A_158 : memref<18x112xi32, #tpu.memory_space<hbm>>) dst(%arg7 : memref<18x112xi32, #tpu.memory_space<vmem>>)
      tpu.yield
    }) : () -> ()
    %dma_start3A_52 = arith.constant 0 : i32
    %dma_start3A_53 = arith.constant 0 : i32
    %dma_start3A_54 = tpu.memref_slice %arg6[%dma_start3A_52, %dma_start3A_53] : memref<18x112xi32, #tpu.memory_space<vmem>> -> memref<1x112xi32, #tpu.memory_space<vmem>>
    %dma_start3A_55 = tpu.memref_squeeze %dma_start3A_54 : memref<1x112xi32, #tpu.memory_space<vmem>> -> memref<112xi32, #tpu.memory_space<vmem>>
    %dma_start3A_56 = arith.constant 0 : i32
    %dma_start3A_57 = arith.constant 0 : i32
    %dma_start3A_58 = tpu.memref_slice %arg4[%dma_start3A_56, %dma_start3A_57] : memref<10240x128xf32, #tpu.memory_space<hbm>> -> memref<10240x128xf32, #tpu.memory_space<hbm>>
    tpu.enqueue_indirect_dma source(%dma_start3A_58 : memref<10240x128xf32, #tpu.memory_space<hbm>>) target(%arg8 : memref<112x128xf32, #tpu.memory_space<vmem>>) offsets(%dma_start3A_55 : memref<112xi32, #tpu.memory_space<vmem>>) semaphore(%arg12 : memref<!tpu.dma_semaphore, #tpu.memory_space<semaphore_mem>>)
    %dma_start3A_59 = arith.constant 1 : i32
    %dma_start3A_60 = arith.constant 0 : i32
    %dma_start3A_61 = tpu.memref_slice %arg6[%dma_start3A_59, %dma_start3A_60] : memref<18x112xi32, #tpu.memory_space<vmem>> -> memref<1x112xi32, #tpu.memory_space<vmem>>
    %dma_start3A_62 = tpu.memref_squeeze %dma_start3A_61 : memref<1x112xi32, #tpu.memory_space<vmem>> -> memref<112xi32, #tpu.memory_space<vmem>>
    %dma_start3A_63 = arith.constant 0 : i32
    %dma_start3A_64 = arith.constant 0 : i32
    %dma_start3A_65 = tpu.memref_slice %arg4[%dma_start3A_63, %dma_start3A_64] : memref<10240x128xf32, #tpu.memory_space<hbm>> -> memref<10240x128xf32, #tpu.memory_space<hbm>>
    tpu.enqueue_indirect_dma source(%dma_start3A_65 : memref<10240x128xf32, #tpu.memory_space<hbm>>) target(%arg9 : memref<112x128xf32, #tpu.memory_space<vmem>>) offsets(%dma_start3A_62 : memref<112xi32, #tpu.memory_space<vmem>>) semaphore(%arg13 : memref<!tpu.dma_semaphore, #tpu.memory_space<semaphore_mem>>)
    %scan3A_66 = arith.constant 0 : i32
    %scan3A_67 = arith.constant 0 : i32
    %scan3A_68 = arith.constant 6 : i32
    %scan3A_69 = arith.addi %scan3A_67, %scan3A_68 : i32
    %scan3A_70 = arith.constant 1 : i32
    scf.for %scan3A_143 = %scan3A_67 to %scan3A_69 step %scan3A_70  : i32 {
      %mul3A_144 = arith.constant 3 : i32
      %mul3A_145 = arith.muli %scan3A_143, %mul3A_144 : i32
      %add3A_146 = arith.constant 0 : i32
      %add3A_147 = arith.addi %mul3A_145, %add3A_146 : i32
      %add3A_148 = arith.constant 2 : i32
      %add3A_149 = arith.addi %add3A_147, %add3A_148 : i32
      %dma_wait3A = arith.constant 0 : i32
      %dma_wait3A_150 = tpu.memref_slice %arg6[%add3A_147, %dma_wait3A] : memref<18x112xi32, #tpu.memory_space<vmem>> -> memref<1x112xi32, #tpu.memory_space<vmem>>
      %dma_wait3A_151 = tpu.memref_squeeze %dma_wait3A_150 : memref<1x112xi32, #tpu.memory_space<vmem>> -> memref<112xi32, #tpu.memory_space<vmem>>
      %dma_wait3A_152 = arith.constant 0 : i32
      %dma_wait3A_153 = arith.constant 0 : i32
      %dma_wait3A_154 = tpu.memref_slice %arg4[%dma_wait3A_152, %dma_wait3A_153] : memref<10240x128xf32, #tpu.memory_space<hbm>> -> memref<10240x128xf32, #tpu.memory_space<hbm>>
      tpu.wait_indirect_dma semaphore(%arg12 : memref<!tpu.dma_semaphore, #tpu.memory_space<semaphore_mem>>) src(%dma_wait3A_154 : memref<10240x128xf32, #tpu.memory_space<hbm>>) dst(%arg8 : memref<112x128xf32, #tpu.memory_space<vmem>>)
      %lt3A = arith.constant 18 : i32
      %lt3A_155 = arith.cmpi slt, %add3A_149, %lt3A : i32
      %convert_element_type3A = arith.extui %lt3A_155 : i1 to i32
      %cond3A = arith.constant 0 : i32
      %cond3A_156 = arith.cmpi ne, %convert_element_type3A, %cond3A : i32
      scf.if %cond3A_156 {
        %dma_start3A_191 = arith.constant 0 : i32
        %dma_start3A_192 = tpu.memref_slice %arg6[%add3A_149, %dma_start3A_191] : memref<18x112xi32, #tpu.memory_space<vmem>> -> memref<1x112xi32, #tpu.memory_space<vmem>>
        %dma_start3A_193 = tpu.memref_squeeze %dma_start3A_192 : memref<1x112xi32, #tpu.memory_space<vmem>> -> memref<112xi32, #tpu.memory_space<vmem>>
        %dma_start3A_194 = arith.constant 0 : i32
        %dma_start3A_195 = arith.constant 0 : i32
        %dma_start3A_196 = tpu.memref_slice %arg4[%dma_start3A_194, %dma_start3A_195] : memref<10240x128xf32, #tpu.memory_space<hbm>> -> memref<10240x128xf32, #tpu.memory_space<hbm>>
        tpu.enqueue_indirect_dma source(%dma_start3A_196 : memref<10240x128xf32, #tpu.memory_space<hbm>>) target(%arg10 : memref<112x128xf32, #tpu.memory_space<vmem>>) offsets(%dma_start3A_193 : memref<112xi32, #tpu.memory_space<vmem>>) semaphore(%arg14 : memref<!tpu.dma_semaphore, #tpu.memory_space<semaphore_mem>>)
      } else {
      }
      "tpu.region"() ({
        %run_scoped3A_191 = tpu.sem_alloc : memref<!tpu.dma_semaphore, #tpu.memory_space<semaphore_mem>>
        %dma_start3A_192 = arith.constant 0 : i32
        %dma_start3A_193 = tpu.memref_slice %arg7[%add3A_147, %dma_start3A_192] : memref<18x112xi32, #tpu.memory_space<vmem>> -> memref<1x112xi32, #tpu.memory_space<vmem>>
        %dma_start3A_194 = tpu.memref_squeeze %dma_start3A_193 : memref<1x112xi32, #tpu.memory_space<vmem>> -> memref<112xi32, #tpu.memory_space<vmem>>
        %dma_start3A_195 = arith.constant 0 : i32
        %dma_start3A_196 = arith.constant 0 : i32
        %dma_start3A_197 = tpu.memref_slice %arg11[%dma_start3A_195, %dma_start3A_196] : memref<10240x128xf32, #tpu.memory_space<vmem_shared>> -> memref<10240x128xf32, #tpu.memory_space<vmem_shared>>
        tpu.enqueue_indirect_dma source(%arg8 : memref<112x128xf32, #tpu.memory_space<vmem>>) target(%dma_start3A_197 : memref<10240x128xf32, #tpu.memory_space<vmem_shared>>) offsets(%dma_start3A_194 : memref<112xi32, #tpu.memory_space<vmem>>) semaphore(%run_scoped3A_191 : memref<!tpu.dma_semaphore, #tpu.memory_space<semaphore_mem>>) {add = true}
        %dma_wait3A_198 = arith.constant 0 : i32
        %dma_wait3A_199 = tpu.memref_slice %arg7[%add3A_147, %dma_wait3A_198] : memref<18x112xi32, #tpu.memory_space<vmem>> -> memref<1x112xi32, #tpu.memory_space<vmem>>
        %dma_wait3A_200 = tpu.memref_squeeze %dma_wait3A_199 : memref<1x112xi32, #tpu.memory_space<vmem>> -> memref<112xi32, #tpu.memory_space<vmem>>
        %dma_wait3A_201 = arith.constant 0 : i32
        %dma_wait3A_202 = arith.constant 0 : i32
        %dma_wait3A_203 = tpu.memref_slice %arg11[%dma_wait3A_201, %dma_wait3A_202] : memref<10240x128xf32, #tpu.memory_space<vmem_shared>> -> memref<10240x128xf32, #tpu.memory_space<vmem_shared>>
        tpu.wait_indirect_dma semaphore(%run_scoped3A_191 : memref<!tpu.dma_semaphore, #tpu.memory_space<semaphore_mem>>) src(%arg8 : memref<112x128xf32, #tpu.memory_space<vmem>>) dst(%dma_wait3A_203 : memref<10240x128xf32, #tpu.memory_space<vmem_shared>>)
        tpu.yield
      }) : () -> ()
      %mul3A_157 = arith.constant 3 : i32
      %mul3A_158 = arith.muli %scan3A_143, %mul3A_157 : i32
      %add3A_159 = arith.constant 1 : i32
      %add3A_160 = arith.addi %mul3A_158, %add3A_159 : i32
      %add3A_161 = arith.constant 2 : i32
      %add3A_162 = arith.addi %add3A_160, %add3A_161 : i32
      %dma_wait3A_163 = arith.constant 0 : i32
      %dma_wait3A_164 = tpu.memref_slice %arg6[%add3A_160, %dma_wait3A_163] : memref<18x112xi32, #tpu.memory_space<vmem>> -> memref<1x112xi32, #tpu.memory_space<vmem>>
      %dma_wait3A_165 = tpu.memref_squeeze %dma_wait3A_164 : memref<1x112xi32, #tpu.memory_space<vmem>> -> memref<112xi32, #tpu.memory_space<vmem>>
      %dma_wait3A_166 = arith.constant 0 : i32
      %dma_wait3A_167 = arith.constant 0 : i32
      %dma_wait3A_168 = tpu.memref_slice %arg4[%dma_wait3A_166, %dma_wait3A_167] : memref<10240x128xf32, #tpu.memory_space<hbm>> -> memref<10240x128xf32, #tpu.memory_space<hbm>>
      tpu.wait_indirect_dma semaphore(%arg13 : memref<!tpu.dma_semaphore, #tpu.memory_space<semaphore_mem>>) src(%dma_wait3A_168 : memref<10240x128xf32, #tpu.memory_space<hbm>>) dst(%arg9 : memref<112x128xf32, #tpu.memory_space<vmem>>)
      %lt3A_169 = arith.constant 18 : i32
      %lt3A_170 = arith.cmpi slt, %add3A_162, %lt3A_169 : i32
      %convert_element_type3A_171 = arith.extui %lt3A_170 : i1 to i32
      %cond3A_172 = arith.constant 0 : i32
      %cond3A_173 = arith.cmpi ne, %convert_element_type3A_171, %cond3A_172 : i32
      scf.if %cond3A_173 {
        %dma_start3A_191 = arith.constant 0 : i32
        %dma_start3A_192 = tpu.memref_slice %arg6[%add3A_162, %dma_start3A_191] : memref<18x112xi32, #tpu.memory_space<vmem>> -> memref<1x112xi32, #tpu.memory_space<vmem>>
        %dma_start3A_193 = tpu.memref_squeeze %dma_start3A_192 : memref<1x112xi32, #tpu.memory_space<vmem>> -> memref<112xi32, #tpu.memory_space<vmem>>
        %dma_start3A_194 = arith.constant 0 : i32
        %dma_start3A_195 = arith.constant 0 : i32
        %dma_start3A_196 = tpu.memref_slice %arg4[%dma_start3A_194, %dma_start3A_195] : memref<10240x128xf32, #tpu.memory_space<hbm>> -> memref<10240x128xf32, #tpu.memory_space<hbm>>
        tpu.enqueue_indirect_dma source(%dma_start3A_196 : memref<10240x128xf32, #tpu.memory_space<hbm>>) target(%arg8 : memref<112x128xf32, #tpu.memory_space<vmem>>) offsets(%dma_start3A_193 : memref<112xi32, #tpu.memory_space<vmem>>) semaphore(%arg12 : memref<!tpu.dma_semaphore, #tpu.memory_space<semaphore_mem>>)
      } else {
      }
      "tpu.region"() ({
        %run_scoped3A_191 = tpu.sem_alloc : memref<!tpu.dma_semaphore, #tpu.memory_space<semaphore_mem>>
        %dma_start3A_192 = arith.constant 0 : i32
        %dma_start3A_193 = tpu.memref_slice %arg7[%add3A_160, %dma_start3A_192] : memref<18x112xi32, #tpu.memory_space<vmem>> -> memref<1x112xi32, #tpu.memory_space<vmem>>
        %dma_start3A_194 = tpu.memref_squeeze %dma_start3A_193 : memref<1x112xi32, #tpu.memory_space<vmem>> -> memref<112xi32, #tpu.memory_space<vmem>>
        %dma_start3A_195 = arith.constant 0 : i32
        %dma_start3A_196 = arith.constant 0 : i32
        %dma_start3A_197 = tpu.memref_slice %arg11[%dma_start3A_195, %dma_start3A_196] : memref<10240x128xf32, #tpu.memory_space<vmem_shared>> -> memref<10240x128xf32, #tpu.memory_space<vmem_shared>>
        tpu.enqueue_indirect_dma source(%arg9 : memref<112x128xf32, #tpu.memory_space<vmem>>) target(%dma_start3A_197 : memref<10240x128xf32, #tpu.memory_space<vmem_shared>>) offsets(%dma_start3A_194 : memref<112xi32, #tpu.memory_space<vmem>>) semaphore(%run_scoped3A_191 : memref<!tpu.dma_semaphore, #tpu.memory_space<semaphore_mem>>) {add = true}
        %dma_wait3A_198 = arith.constant 0 : i32
        %dma_wait3A_199 = tpu.memref_slice %arg7[%add3A_160, %dma_wait3A_198] : memref<18x112xi32, #tpu.memory_space<vmem>> -> memref<1x112xi32, #tpu.memory_space<vmem>>
        %dma_wait3A_200 = tpu.memref_squeeze %dma_wait3A_199 : memref<1x112xi32, #tpu.memory_space<vmem>> -> memref<112xi32, #tpu.memory_space<vmem>>
        %dma_wait3A_201 = arith.constant 0 : i32
        %dma_wait3A_202 = arith.constant 0 : i32
        %dma_wait3A_203 = tpu.memref_slice %arg11[%dma_wait3A_201, %dma_wait3A_202] : memref<10240x128xf32, #tpu.memory_space<vmem_shared>> -> memref<10240x128xf32, #tpu.memory_space<vmem_shared>>
        tpu.wait_indirect_dma semaphore(%run_scoped3A_191 : memref<!tpu.dma_semaphore, #tpu.memory_space<semaphore_mem>>) src(%arg9 : memref<112x128xf32, #tpu.memory_space<vmem>>) dst(%dma_wait3A_203 : memref<10240x128xf32, #tpu.memory_space<vmem_shared>>)
        tpu.yield
      }) : () -> ()
      %mul3A_174 = arith.constant 3 : i32
      %mul3A_175 = arith.muli %scan3A_143, %mul3A_174 : i32
      %add3A_176 = arith.constant 2 : i32
      %add3A_177 = arith.addi %mul3A_175, %add3A_176 : i32
      %add3A_178 = arith.constant 2 : i32
      %add3A_179 = arith.addi %add3A_177, %add3A_178 : i32
      %dma_wait3A_180 = arith.constant 0 : i32
      %dma_wait3A_181 = tpu.memref_slice %arg6[%add3A_177, %dma_wait3A_180] : memref<18x112xi32, #tpu.memory_space<vmem>> -> memref<1x112xi32, #tpu.memory_space<vmem>>
      %dma_wait3A_182 = tpu.memref_squeeze %dma_wait3A_181 : memref<1x112xi32, #tpu.memory_space<vmem>> -> memref<112xi32, #tpu.memory_space<vmem>>
      %dma_wait3A_183 = arith.constant 0 : i32
      %dma_wait3A_184 = arith.constant 0 : i32
      %dma_wait3A_185 = tpu.memref_slice %arg4[%dma_wait3A_183, %dma_wait3A_184] : memref<10240x128xf32, #tpu.memory_space<hbm>> -> memref<10240x128xf32, #tpu.memory_space<hbm>>
      tpu.wait_indirect_dma semaphore(%arg14 : memref<!tpu.dma_semaphore, #tpu.memory_space<semaphore_mem>>) src(%dma_wait3A_185 : memref<10240x128xf32, #tpu.memory_space<hbm>>) dst(%arg10 : memref<112x128xf32, #tpu.memory_space<vmem>>)
      %lt3A_186 = arith.constant 18 : i32
      %lt3A_187 = arith.cmpi slt, %add3A_179, %lt3A_186 : i32
      %convert_element_type3A_188 = arith.extui %lt3A_187 : i1 to i32
      %cond3A_189 = arith.constant 0 : i32
      %cond3A_190 = arith.cmpi ne, %convert_element_type3A_188, %cond3A_189 : i32
      scf.if %cond3A_190 {
        %dma_start3A_191 = arith.constant 0 : i32
        %dma_start3A_192 = tpu.memref_slice %arg6[%add3A_179, %dma_start3A_191] : memref<18x112xi32, #tpu.memory_space<vmem>> -> memref<1x112xi32, #tpu.memory_space<vmem>>
        %dma_start3A_193 = tpu.memref_squeeze %dma_start3A_192 : memref<1x112xi32, #tpu.memory_space<vmem>> -> memref<112xi32, #tpu.memory_space<vmem>>
        %dma_start3A_194 = arith.constant 0 : i32
        %dma_start3A_195 = arith.constant 0 : i32
        %dma_start3A_196 = tpu.memref_slice %arg4[%dma_start3A_194, %dma_start3A_195] : memref<10240x128xf32, #tpu.memory_space<hbm>> -> memref<10240x128xf32, #tpu.memory_space<hbm>>
        tpu.enqueue_indirect_dma source(%dma_start3A_196 : memref<10240x128xf32, #tpu.memory_space<hbm>>) target(%arg9 : memref<112x128xf32, #tpu.memory_space<vmem>>) offsets(%dma_start3A_193 : memref<112xi32, #tpu.memory_space<vmem>>) semaphore(%arg13 : memref<!tpu.dma_semaphore, #tpu.memory_space<semaphore_mem>>)
      } else {
      }
      "tpu.region"() ({
        %run_scoped3A_191 = tpu.sem_alloc : memref<!tpu.dma_semaphore, #tpu.memory_space<semaphore_mem>>
        %dma_start3A_192 = arith.constant 0 : i32
        %dma_start3A_193 = tpu.memref_slice %arg7[%add3A_177, %dma_start3A_192] : memref<18x112xi32, #tpu.memory_space<vmem>> -> memref<1x112xi32, #tpu.memory_space<vmem>>
        %dma_start3A_194 = tpu.memref_squeeze %dma_start3A_193 : memref<1x112xi32, #tpu.memory_space<vmem>> -> memref<112xi32, #tpu.memory_space<vmem>>
        %dma_start3A_195 = arith.constant 0 : i32
        %dma_start3A_196 = arith.constant 0 : i32
        %dma_start3A_197 = tpu.memref_slice %arg11[%dma_start3A_195, %dma_start3A_196] : memref<10240x128xf32, #tpu.memory_space<vmem_shared>> -> memref<10240x128xf32, #tpu.memory_space<vmem_shared>>
        tpu.enqueue_indirect_dma source(%arg10 : memref<112x128xf32, #tpu.memory_space<vmem>>) target(%dma_start3A_197 : memref<10240x128xf32, #tpu.memory_space<vmem_shared>>) offsets(%dma_start3A_194 : memref<112xi32, #tpu.memory_space<vmem>>) semaphore(%run_scoped3A_191 : memref<!tpu.dma_semaphore, #tpu.memory_space<semaphore_mem>>) {add = true}
        %dma_wait3A_198 = arith.constant 0 : i32
        %dma_wait3A_199 = tpu.memref_slice %arg7[%add3A_177, %dma_wait3A_198] : memref<18x112xi32, #tpu.memory_space<vmem>> -> memref<1x112xi32, #tpu.memory_space<vmem>>
        %dma_wait3A_200 = tpu.memref_squeeze %dma_wait3A_199 : memref<1x112xi32, #tpu.memory_space<vmem>> -> memref<112xi32, #tpu.memory_space<vmem>>
        %dma_wait3A_201 = arith.constant 0 : i32
        %dma_wait3A_202 = arith.constant 0 : i32
        %dma_wait3A_203 = tpu.memref_slice %arg11[%dma_wait3A_201, %dma_wait3A_202] : memref<10240x128xf32, #tpu.memory_space<vmem_shared>> -> memref<10240x128xf32, #tpu.memory_space<vmem_shared>>
        tpu.wait_indirect_dma semaphore(%run_scoped3A_191 : memref<!tpu.dma_semaphore, #tpu.memory_space<semaphore_mem>>) src(%arg10 : memref<112x128xf32, #tpu.memory_space<vmem>>) dst(%dma_wait3A_203 : memref<10240x128xf32, #tpu.memory_space<vmem_shared>>)
        tpu.yield
      }) : () -> ()
    }
    %scan3A_71 = arith.constant 6 : i32
    %run_scoped3A_72 = arith.constant 2 : i32
    "tpu.region"() ({
      %run_scoped3A_143 = tpu.sem_alloc : memref<!tpu.dma_semaphore, #tpu.memory_space<semaphore_mem>>
      %dma_start3A_144 = arith.constant 0 : i32
      %dma_start3A_145 = arith.constant 0 : i32
      %dma_start3A_146 = tpu.memref_slice %arg2[%add3A, %run_scoped3A_72, %dma_start3A_144, %dma_start3A_145] : memref<32x5x18x112xi32, #tpu.memory_space<hbm>> -> memref<1x1x18x112xi32, #tpu.memory_space<hbm>>
      %dma_start3A_147 = tpu.memref_squeeze %dma_start3A_146 : memref<1x1x18x112xi32, #tpu.memory_space<hbm>> -> memref<18x112xi32, #tpu.memory_space<hbm>>
      %dma_start3A_148 = arith.constant 0 : i32
      %dma_start3A_149 = arith.constant 0 : i32
      %dma_start3A_150 = tpu.memref_slice %arg2[%add3A, %run_scoped3A_72, %dma_start3A_148, %dma_start3A_149] : memref<32x5x18x112xi32, #tpu.memory_space<hbm>> -> memref<1x1x18x112xi32, #tpu.memory_space<hbm>>
      %dma_start3A_151 = tpu.memref_squeeze %dma_start3A_150 : memref<1x1x18x112xi32, #tpu.memory_space<hbm>> -> memref<18x112xi32, #tpu.memory_space<hbm>>
      tpu.enqueue_dma source(%dma_start3A_151 : memref<18x112xi32, #tpu.memory_space<hbm>>) target(%arg6 : memref<18x112xi32, #tpu.memory_space<vmem>>) target_semaphore(%run_scoped3A_143 : memref<!tpu.dma_semaphore, #tpu.memory_space<semaphore_mem>>)
      %dma_wait3A = arith.constant 0 : i32
      %dma_wait3A_152 = arith.constant 0 : i32
      %dma_wait3A_153 = tpu.memref_slice %arg2[%add3A, %run_scoped3A_72, %dma_wait3A, %dma_wait3A_152] : memref<32x5x18x112xi32, #tpu.memory_space<hbm>> -> memref<1x1x18x112xi32, #tpu.memory_space<hbm>>
      %dma_wait3A_154 = tpu.memref_squeeze %dma_wait3A_153 : memref<1x1x18x112xi32, #tpu.memory_space<hbm>> -> memref<18x112xi32, #tpu.memory_space<hbm>>
      %dma_wait3A_155 = arith.constant 0 : i32
      %dma_wait3A_156 = arith.constant 0 : i32
      %dma_wait3A_157 = tpu.memref_slice %arg2[%add3A, %run_scoped3A_72, %dma_wait3A_155, %dma_wait3A_156] : memref<32x5x18x112xi32, #tpu.memory_space<hbm>> -> memref<1x1x18x112xi32, #tpu.memory_space<hbm>>
      %dma_wait3A_158 = tpu.memref_squeeze %dma_wait3A_157 : memref<1x1x18x112xi32, #tpu.memory_space<hbm>> -> memref<18x112xi32, #tpu.memory_space<hbm>>
      tpu.wait_dma2 semaphore(%run_scoped3A_143 : memref<!tpu.dma_semaphore, #tpu.memory_space<semaphore_mem>>) src(%dma_wait3A_158 : memref<18x112xi32, #tpu.memory_space<hbm>>) dst(%arg6 : memref<18x112xi32, #tpu.memory_space<vmem>>)
      tpu.yield
    }) : () -> ()
    %run_scoped3A_73 = arith.constant 2 : i32
    "tpu.region"() ({
      %run_scoped3A_143 = tpu.sem_alloc : memref<!tpu.dma_semaphore, #tpu.memory_space<semaphore_mem>>
      %dma_start3A_144 = arith.constant 0 : i32
      %dma_start3A_145 = arith.constant 0 : i32
      %dma_start3A_146 = tpu.memref_slice %arg3[%add3A, %run_scoped3A_73, %dma_start3A_144, %dma_start3A_145] : memref<32x5x18x112xi32, #tpu.memory_space<hbm>> -> memref<1x1x18x112xi32, #tpu.memory_space<hbm>>
      %dma_start3A_147 = tpu.memref_squeeze %dma_start3A_146 : memref<1x1x18x112xi32, #tpu.memory_space<hbm>> -> memref<18x112xi32, #tpu.memory_space<hbm>>
      %dma_start3A_148 = arith.constant 0 : i32
      %dma_start3A_149 = arith.constant 0 : i32
      %dma_start3A_150 = tpu.memref_slice %arg3[%add3A, %run_scoped3A_73, %dma_start3A_148, %dma_start3A_149] : memref<32x5x18x112xi32, #tpu.memory_space<hbm>> -> memref<1x1x18x112xi32, #tpu.memory_space<hbm>>
      %dma_start3A_151 = tpu.memref_squeeze %dma_start3A_150 : memref<1x1x18x112xi32, #tpu.memory_space<hbm>> -> memref<18x112xi32, #tpu.memory_space<hbm>>
      tpu.enqueue_dma source(%dma_start3A_151 : memref<18x112xi32, #tpu.memory_space<hbm>>) target(%arg7 : memref<18x112xi32, #tpu.memory_space<vmem>>) target_semaphore(%run_scoped3A_143 : memref<!tpu.dma_semaphore, #tpu.memory_space<semaphore_mem>>)
      %dma_wait3A = arith.constant 0 : i32
      %dma_wait3A_152 = arith.constant 0 : i32
      %dma_wait3A_153 = tpu.memref_slice %arg3[%add3A, %run_scoped3A_73, %dma_wait3A, %dma_wait3A_152] : memref<32x5x18x112xi32, #tpu.memory_space<hbm>> -> memref<1x1x18x112xi32, #tpu.memory_space<hbm>>
      %dma_wait3A_154 = tpu.memref_squeeze %dma_wait3A_153 : memref<1x1x18x112xi32, #tpu.memory_space<hbm>> -> memref<18x112xi32, #tpu.memory_space<hbm>>
      %dma_wait3A_155 = arith.constant 0 : i32
      %dma_wait3A_156 = arith.constant 0 : i32
      %dma_wait3A_157 = tpu.memref_slice %arg3[%add3A, %run_scoped3A_73, %dma_wait3A_155, %dma_wait3A_156] : memref<32x5x18x112xi32, #tpu.memory_space<hbm>> -> memref<1x1x18x112xi32, #tpu.memory_space<hbm>>
      %dma_wait3A_158 = tpu.memref_squeeze %dma_wait3A_157 : memref<1x1x18x112xi32, #tpu.memory_space<hbm>> -> memref<18x112xi32, #tpu.memory_space<hbm>>
      tpu.wait_dma2 semaphore(%run_scoped3A_143 : memref<!tpu.dma_semaphore, #tpu.memory_space<semaphore_mem>>) src(%dma_wait3A_158 : memref<18x112xi32, #tpu.memory_space<hbm>>) dst(%arg7 : memref<18x112xi32, #tpu.memory_space<vmem>>)
      tpu.yield
    }) : () -> ()
    %dma_start3A_74 = arith.constant 0 : i32
    %dma_start3A_75 = arith.constant 0 : i32
    %dma_start3A_76 = tpu.memref_slice %arg6[%dma_start3A_74, %dma_start3A_75] : memref<18x112xi32, #tpu.memory_space<vmem>> -> memref<1x112xi32, #tpu.memory_space<vmem>>
    %dma_start3A_77 = tpu.memref_squeeze %dma_start3A_76 : memref<1x112xi32, #tpu.memory_space<vmem>> -> memref<112xi32, #tpu.memory_space<vmem>>
    %dma_start3A_78 = arith.constant 0 : i32
    %dma_start3A_79 = arith.constant 0 : i32
    %dma_start3A_80 = tpu.memref_slice %arg4[%dma_start3A_78, %dma_start3A_79] : memref<10240x128xf32, #tpu.memory_space<hbm>> -> memref<10240x128xf32, #tpu.memory_space<hbm>>
    tpu.enqueue_indirect_dma source(%dma_start3A_80 : memref<10240x128xf32, #tpu.memory_space<hbm>>) target(%arg8 : memref<112x128xf32, #tpu.memory_space<vmem>>) offsets(%dma_start3A_77 : memref<112xi32, #tpu.memory_space<vmem>>) semaphore(%arg12 : memref<!tpu.dma_semaphore, #tpu.memory_space<semaphore_mem>>)
    %dma_start3A_81 = arith.constant 1 : i32
    %dma_start3A_82 = arith.constant 0 : i32
    %dma_start3A_83 = tpu.memref_slice %arg6[%dma_start3A_81, %dma_start3A_82] : memref<18x112xi32, #tpu.memory_space<vmem>> -> memref<1x112xi32, #tpu.memory_space<vmem>>
    %dma_start3A_84 = tpu.memref_squeeze %dma_start3A_83 : memref<1x112xi32, #tpu.memory_space<vmem>> -> memref<112xi32, #tpu.memory_space<vmem>>
    %dma_start3A_85 = arith.constant 0 : i32
    %dma_start3A_86 = arith.constant 0 : i32
    %dma_start3A_87 = tpu.memref_slice %arg4[%dma_start3A_85, %dma_start3A_86] : memref<10240x128xf32, #tpu.memory_space<hbm>> -> memref<10240x128xf32, #tpu.memory_space<hbm>>
    tpu.enqueue_indirect_dma source(%dma_start3A_87 : memref<10240x128xf32, #tpu.memory_space<hbm>>) target(%arg9 : memref<112x128xf32, #tpu.memory_space<vmem>>) offsets(%dma_start3A_84 : memref<112xi32, #tpu.memory_space<vmem>>) semaphore(%arg13 : memref<!tpu.dma_semaphore, #tpu.memory_space<semaphore_mem>>)
    %scan3A_88 = arith.constant 0 : i32
    %scan3A_89 = arith.constant 0 : i32
    %scan3A_90 = arith.constant 6 : i32
    %scan3A_91 = arith.addi %scan3A_89, %scan3A_90 : i32
    %scan3A_92 = arith.constant 1 : i32
    scf.for %scan3A_143 = %scan3A_89 to %scan3A_91 step %scan3A_92  : i32 {
      %mul3A_144 = arith.constant 3 : i32
      %mul3A_145 = arith.muli %scan3A_143, %mul3A_144 : i32
      %add3A_146 = arith.constant 0 : i32
      %add3A_147 = arith.addi %mul3A_145, %add3A_146 : i32
      %add3A_148 = arith.constant 2 : i32
      %add3A_149 = arith.addi %add3A_147, %add3A_148 : i32
      %dma_wait3A = arith.constant 0 : i32
      %dma_wait3A_150 = tpu.memref_slice %arg6[%add3A_147, %dma_wait3A] : memref<18x112xi32, #tpu.memory_space<vmem>> -> memref<1x112xi32, #tpu.memory_space<vmem>>
      %dma_wait3A_151 = tpu.memref_squeeze %dma_wait3A_150 : memref<1x112xi32, #tpu.memory_space<vmem>> -> memref<112xi32, #tpu.memory_space<vmem>>
      %dma_wait3A_152 = arith.constant 0 : i32
      %dma_wait3A_153 = arith.constant 0 : i32
      %dma_wait3A_154 = tpu.memref_slice %arg4[%dma_wait3A_152, %dma_wait3A_153] : memref<10240x128xf32, #tpu.memory_space<hbm>> -> memref<10240x128xf32, #tpu.memory_space<hbm>>
      tpu.wait_indirect_dma semaphore(%arg12 : memref<!tpu.dma_semaphore, #tpu.memory_space<semaphore_mem>>) src(%dma_wait3A_154 : memref<10240x128xf32, #tpu.memory_space<hbm>>) dst(%arg8 : memref<112x128xf32, #tpu.memory_space<vmem>>)
      %lt3A = arith.constant 18 : i32
      %lt3A_155 = arith.cmpi slt, %add3A_149, %lt3A : i32
      %convert_element_type3A = arith.extui %lt3A_155 : i1 to i32
      %cond3A = arith.constant 0 : i32
      %cond3A_156 = arith.cmpi ne, %convert_element_type3A, %cond3A : i32
      scf.if %cond3A_156 {
        %dma_start3A_191 = arith.constant 0 : i32
        %dma_start3A_192 = tpu.memref_slice %arg6[%add3A_149, %dma_start3A_191] : memref<18x112xi32, #tpu.memory_space<vmem>> -> memref<1x112xi32, #tpu.memory_space<vmem>>
        %dma_start3A_193 = tpu.memref_squeeze %dma_start3A_192 : memref<1x112xi32, #tpu.memory_space<vmem>> -> memref<112xi32, #tpu.memory_space<vmem>>
        %dma_start3A_194 = arith.constant 0 : i32
        %dma_start3A_195 = arith.constant 0 : i32
        %dma_start3A_196 = tpu.memref_slice %arg4[%dma_start3A_194, %dma_start3A_195] : memref<10240x128xf32, #tpu.memory_space<hbm>> -> memref<10240x128xf32, #tpu.memory_space<hbm>>
        tpu.enqueue_indirect_dma source(%dma_start3A_196 : memref<10240x128xf32, #tpu.memory_space<hbm>>) target(%arg10 : memref<112x128xf32, #tpu.memory_space<vmem>>) offsets(%dma_start3A_193 : memref<112xi32, #tpu.memory_space<vmem>>) semaphore(%arg14 : memref<!tpu.dma_semaphore, #tpu.memory_space<semaphore_mem>>)
      } else {
      }
      "tpu.region"() ({
        %run_scoped3A_191 = tpu.sem_alloc : memref<!tpu.dma_semaphore, #tpu.memory_space<semaphore_mem>>
        %dma_start3A_192 = arith.constant 0 : i32
        %dma_start3A_193 = tpu.memref_slice %arg7[%add3A_147, %dma_start3A_192] : memref<18x112xi32, #tpu.memory_space<vmem>> -> memref<1x112xi32, #tpu.memory_space<vmem>>
        %dma_start3A_194 = tpu.memref_squeeze %dma_start3A_193 : memref<1x112xi32, #tpu.memory_space<vmem>> -> memref<112xi32, #tpu.memory_space<vmem>>
        %dma_start3A_195 = arith.constant 0 : i32
        %dma_start3A_196 = arith.constant 0 : i32
        %dma_start3A_197 = tpu.memref_slice %arg11[%dma_start3A_195, %dma_start3A_196] : memref<10240x128xf32, #tpu.memory_space<vmem_shared>> -> memref<10240x128xf32, #tpu.memory_space<vmem_shared>>
        tpu.enqueue_indirect_dma source(%arg8 : memref<112x128xf32, #tpu.memory_space<vmem>>) target(%dma_start3A_197 : memref<10240x128xf32, #tpu.memory_space<vmem_shared>>) offsets(%dma_start3A_194 : memref<112xi32, #tpu.memory_space<vmem>>) semaphore(%run_scoped3A_191 : memref<!tpu.dma_semaphore, #tpu.memory_space<semaphore_mem>>) {add = true}
        %dma_wait3A_198 = arith.constant 0 : i32
        %dma_wait3A_199 = tpu.memref_slice %arg7[%add3A_147, %dma_wait3A_198] : memref<18x112xi32, #tpu.memory_space<vmem>> -> memref<1x112xi32, #tpu.memory_space<vmem>>
        %dma_wait3A_200 = tpu.memref_squeeze %dma_wait3A_199 : memref<1x112xi32, #tpu.memory_space<vmem>> -> memref<112xi32, #tpu.memory_space<vmem>>
        %dma_wait3A_201 = arith.constant 0 : i32
        %dma_wait3A_202 = arith.constant 0 : i32
        %dma_wait3A_203 = tpu.memref_slice %arg11[%dma_wait3A_201, %dma_wait3A_202] : memref<10240x128xf32, #tpu.memory_space<vmem_shared>> -> memref<10240x128xf32, #tpu.memory_space<vmem_shared>>
        tpu.wait_indirect_dma semaphore(%run_scoped3A_191 : memref<!tpu.dma_semaphore, #tpu.memory_space<semaphore_mem>>) src(%arg8 : memref<112x128xf32, #tpu.memory_space<vmem>>) dst(%dma_wait3A_203 : memref<10240x128xf32, #tpu.memory_space<vmem_shared>>)
        tpu.yield
      }) : () -> ()
      %mul3A_157 = arith.constant 3 : i32
      %mul3A_158 = arith.muli %scan3A_143, %mul3A_157 : i32
      %add3A_159 = arith.constant 1 : i32
      %add3A_160 = arith.addi %mul3A_158, %add3A_159 : i32
      %add3A_161 = arith.constant 2 : i32
      %add3A_162 = arith.addi %add3A_160, %add3A_161 : i32
      %dma_wait3A_163 = arith.constant 0 : i32
      %dma_wait3A_164 = tpu.memref_slice %arg6[%add3A_160, %dma_wait3A_163] : memref<18x112xi32, #tpu.memory_space<vmem>> -> memref<1x112xi32, #tpu.memory_space<vmem>>
      %dma_wait3A_165 = tpu.memref_squeeze %dma_wait3A_164 : memref<1x112xi32, #tpu.memory_space<vmem>> -> memref<112xi32, #tpu.memory_space<vmem>>
      %dma_wait3A_166 = arith.constant 0 : i32
      %dma_wait3A_167 = arith.constant 0 : i32
      %dma_wait3A_168 = tpu.memref_slice %arg4[%dma_wait3A_166, %dma_wait3A_167] : memref<10240x128xf32, #tpu.memory_space<hbm>> -> memref<10240x128xf32, #tpu.memory_space<hbm>>
      tpu.wait_indirect_dma semaphore(%arg13 : memref<!tpu.dma_semaphore, #tpu.memory_space<semaphore_mem>>) src(%dma_wait3A_168 : memref<10240x128xf32, #tpu.memory_space<hbm>>) dst(%arg9 : memref<112x128xf32, #tpu.memory_space<vmem>>)
      %lt3A_169 = arith.constant 18 : i32
      %lt3A_170 = arith.cmpi slt, %add3A_162, %lt3A_169 : i32
      %convert_element_type3A_171 = arith.extui %lt3A_170 : i1 to i32
      %cond3A_172 = arith.constant 0 : i32
      %cond3A_173 = arith.cmpi ne, %convert_element_type3A_171, %cond3A_172 : i32
      scf.if %cond3A_173 {
        %dma_start3A_191 = arith.constant 0 : i32
        %dma_start3A_192 = tpu.memref_slice %arg6[%add3A_162, %dma_start3A_191] : memref<18x112xi32, #tpu.memory_space<vmem>> -> memref<1x112xi32, #tpu.memory_space<vmem>>
        %dma_start3A_193 = tpu.memref_squeeze %dma_start3A_192 : memref<1x112xi32, #tpu.memory_space<vmem>> -> memref<112xi32, #tpu.memory_space<vmem>>
        %dma_start3A_194 = arith.constant 0 : i32
        %dma_start3A_195 = arith.constant 0 : i32
        %dma_start3A_196 = tpu.memref_slice %arg4[%dma_start3A_194, %dma_start3A_195] : memref<10240x128xf32, #tpu.memory_space<hbm>> -> memref<10240x128xf32, #tpu.memory_space<hbm>>
        tpu.enqueue_indirect_dma source(%dma_start3A_196 : memref<10240x128xf32, #tpu.memory_space<hbm>>) target(%arg8 : memref<112x128xf32, #tpu.memory_space<vmem>>) offsets(%dma_start3A_193 : memref<112xi32, #tpu.memory_space<vmem>>) semaphore(%arg12 : memref<!tpu.dma_semaphore, #tpu.memory_space<semaphore_mem>>)
      } else {
      }
      "tpu.region"() ({
        %run_scoped3A_191 = tpu.sem_alloc : memref<!tpu.dma_semaphore, #tpu.memory_space<semaphore_mem>>
        %dma_start3A_192 = arith.constant 0 : i32
        %dma_start3A_193 = tpu.memref_slice %arg7[%add3A_160, %dma_start3A_192] : memref<18x112xi32, #tpu.memory_space<vmem>> -> memref<1x112xi32, #tpu.memory_space<vmem>>
        %dma_start3A_194 = tpu.memref_squeeze %dma_start3A_193 : memref<1x112xi32, #tpu.memory_space<vmem>> -> memref<112xi32, #tpu.memory_space<vmem>>
        %dma_start3A_195 = arith.constant 0 : i32
        %dma_start3A_196 = arith.constant 0 : i32
        %dma_start3A_197 = tpu.memref_slice %arg11[%dma_start3A_195, %dma_start3A_196] : memref<10240x128xf32, #tpu.memory_space<vmem_shared>> -> memref<10240x128xf32, #tpu.memory_space<vmem_shared>>
        tpu.enqueue_indirect_dma source(%arg9 : memref<112x128xf32, #tpu.memory_space<vmem>>) target(%dma_start3A_197 : memref<10240x128xf32, #tpu.memory_space<vmem_shared>>) offsets(%dma_start3A_194 : memref<112xi32, #tpu.memory_space<vmem>>) semaphore(%run_scoped3A_191 : memref<!tpu.dma_semaphore, #tpu.memory_space<semaphore_mem>>) {add = true}
        %dma_wait3A_198 = arith.constant 0 : i32
        %dma_wait3A_199 = tpu.memref_slice %arg7[%add3A_160, %dma_wait3A_198] : memref<18x112xi32, #tpu.memory_space<vmem>> -> memref<1x112xi32, #tpu.memory_space<vmem>>
        %dma_wait3A_200 = tpu.memref_squeeze %dma_wait3A_199 : memref<1x112xi32, #tpu.memory_space<vmem>> -> memref<112xi32, #tpu.memory_space<vmem>>
        %dma_wait3A_201 = arith.constant 0 : i32
        %dma_wait3A_202 = arith.constant 0 : i32
        %dma_wait3A_203 = tpu.memref_slice %arg11[%dma_wait3A_201, %dma_wait3A_202] : memref<10240x128xf32, #tpu.memory_space<vmem_shared>> -> memref<10240x128xf32, #tpu.memory_space<vmem_shared>>
        tpu.wait_indirect_dma semaphore(%run_scoped3A_191 : memref<!tpu.dma_semaphore, #tpu.memory_space<semaphore_mem>>) src(%arg9 : memref<112x128xf32, #tpu.memory_space<vmem>>) dst(%dma_wait3A_203 : memref<10240x128xf32, #tpu.memory_space<vmem_shared>>)
        tpu.yield
      }) : () -> ()
      %mul3A_174 = arith.constant 3 : i32
      %mul3A_175 = arith.muli %scan3A_143, %mul3A_174 : i32
      %add3A_176 = arith.constant 2 : i32
      %add3A_177 = arith.addi %mul3A_175, %add3A_176 : i32
      %add3A_178 = arith.constant 2 : i32
      %add3A_179 = arith.addi %add3A_177, %add3A_178 : i32
      %dma_wait3A_180 = arith.constant 0 : i32
      %dma_wait3A_181 = tpu.memref_slice %arg6[%add3A_177, %dma_wait3A_180] : memref<18x112xi32, #tpu.memory_space<vmem>> -> memref<1x112xi32, #tpu.memory_space<vmem>>
      %dma_wait3A_182 = tpu.memref_squeeze %dma_wait3A_181 : memref<1x112xi32, #tpu.memory_space<vmem>> -> memref<112xi32, #tpu.memory_space<vmem>>
      %dma_wait3A_183 = arith.constant 0 : i32
      %dma_wait3A_184 = arith.constant 0 : i32
      %dma_wait3A_185 = tpu.memref_slice %arg4[%dma_wait3A_183, %dma_wait3A_184] : memref<10240x128xf32, #tpu.memory_space<hbm>> -> memref<10240x128xf32, #tpu.memory_space<hbm>>
      tpu.wait_indirect_dma semaphore(%arg14 : memref<!tpu.dma_semaphore, #tpu.memory_space<semaphore_mem>>) src(%dma_wait3A_185 : memref<10240x128xf32, #tpu.memory_space<hbm>>) dst(%arg10 : memref<112x128xf32, #tpu.memory_space<vmem>>)
      %lt3A_186 = arith.constant 18 : i32
      %lt3A_187 = arith.cmpi slt, %add3A_179, %lt3A_186 : i32
      %convert_element_type3A_188 = arith.extui %lt3A_187 : i1 to i32
      %cond3A_189 = arith.constant 0 : i32
      %cond3A_190 = arith.cmpi ne, %convert_element_type3A_188, %cond3A_189 : i32
      scf.if %cond3A_190 {
        %dma_start3A_191 = arith.constant 0 : i32
        %dma_start3A_192 = tpu.memref_slice %arg6[%add3A_179, %dma_start3A_191] : memref<18x112xi32, #tpu.memory_space<vmem>> -> memref<1x112xi32, #tpu.memory_space<vmem>>
        %dma_start3A_193 = tpu.memref_squeeze %dma_start3A_192 : memref<1x112xi32, #tpu.memory_space<vmem>> -> memref<112xi32, #tpu.memory_space<vmem>>
        %dma_start3A_194 = arith.constant 0 : i32
        %dma_start3A_195 = arith.constant 0 : i32
        %dma_start3A_196 = tpu.memref_slice %arg4[%dma_start3A_194, %dma_start3A_195] : memref<10240x128xf32, #tpu.memory_space<hbm>> -> memref<10240x128xf32, #tpu.memory_space<hbm>>
        tpu.enqueue_indirect_dma source(%dma_start3A_196 : memref<10240x128xf32, #tpu.memory_space<hbm>>) target(%arg9 : memref<112x128xf32, #tpu.memory_space<vmem>>) offsets(%dma_start3A_193 : memref<112xi32, #tpu.memory_space<vmem>>) semaphore(%arg13 : memref<!tpu.dma_semaphore, #tpu.memory_space<semaphore_mem>>)
      } else {
      }
      "tpu.region"() ({
        %run_scoped3A_191 = tpu.sem_alloc : memref<!tpu.dma_semaphore, #tpu.memory_space<semaphore_mem>>
        %dma_start3A_192 = arith.constant 0 : i32
        %dma_start3A_193 = tpu.memref_slice %arg7[%add3A_177, %dma_start3A_192] : memref<18x112xi32, #tpu.memory_space<vmem>> -> memref<1x112xi32, #tpu.memory_space<vmem>>
        %dma_start3A_194 = tpu.memref_squeeze %dma_start3A_193 : memref<1x112xi32, #tpu.memory_space<vmem>> -> memref<112xi32, #tpu.memory_space<vmem>>
        %dma_start3A_195 = arith.constant 0 : i32
        %dma_start3A_196 = arith.constant 0 : i32
        %dma_start3A_197 = tpu.memref_slice %arg11[%dma_start3A_195, %dma_start3A_196] : memref<10240x128xf32, #tpu.memory_space<vmem_shared>> -> memref<10240x128xf32, #tpu.memory_space<vmem_shared>>
        tpu.enqueue_indirect_dma source(%arg10 : memref<112x128xf32, #tpu.memory_space<vmem>>) target(%dma_start3A_197 : memref<10240x128xf32, #tpu.memory_space<vmem_shared>>) offsets(%dma_start3A_194 : memref<112xi32, #tpu.memory_space<vmem>>) semaphore(%run_scoped3A_191 : memref<!tpu.dma_semaphore, #tpu.memory_space<semaphore_mem>>) {add = true}
        %dma_wait3A_198 = arith.constant 0 : i32
        %dma_wait3A_199 = tpu.memref_slice %arg7[%add3A_177, %dma_wait3A_198] : memref<18x112xi32, #tpu.memory_space<vmem>> -> memref<1x112xi32, #tpu.memory_space<vmem>>
        %dma_wait3A_200 = tpu.memref_squeeze %dma_wait3A_199 : memref<1x112xi32, #tpu.memory_space<vmem>> -> memref<112xi32, #tpu.memory_space<vmem>>
        %dma_wait3A_201 = arith.constant 0 : i32
        %dma_wait3A_202 = arith.constant 0 : i32
        %dma_wait3A_203 = tpu.memref_slice %arg11[%dma_wait3A_201, %dma_wait3A_202] : memref<10240x128xf32, #tpu.memory_space<vmem_shared>> -> memref<10240x128xf32, #tpu.memory_space<vmem_shared>>
        tpu.wait_indirect_dma semaphore(%run_scoped3A_191 : memref<!tpu.dma_semaphore, #tpu.memory_space<semaphore_mem>>) src(%arg10 : memref<112x128xf32, #tpu.memory_space<vmem>>) dst(%dma_wait3A_203 : memref<10240x128xf32, #tpu.memory_space<vmem_shared>>)
        tpu.yield
      }) : () -> ()
    }
    %scan3A_93 = arith.constant 6 : i32
    %run_scoped3A_94 = arith.constant 3 : i32
    "tpu.region"() ({
      %run_scoped3A_143 = tpu.sem_alloc : memref<!tpu.dma_semaphore, #tpu.memory_space<semaphore_mem>>
      %dma_start3A_144 = arith.constant 0 : i32
      %dma_start3A_145 = arith.constant 0 : i32
      %dma_start3A_146 = tpu.memref_slice %arg2[%add3A, %run_scoped3A_94, %dma_start3A_144, %dma_start3A_145] : memref<32x5x18x112xi32, #tpu.memory_space<hbm>> -> memref<1x1x18x112xi32, #tpu.memory_space<hbm>>
      %dma_start3A_147 = tpu.memref_squeeze %dma_start3A_146 : memref<1x1x18x112xi32, #tpu.memory_space<hbm>> -> memref<18x112xi32, #tpu.memory_space<hbm>>
      %dma_start3A_148 = arith.constant 0 : i32
      %dma_start3A_149 = arith.constant 0 : i32
      %dma_start3A_150 = tpu.memref_slice %arg2[%add3A, %run_scoped3A_94, %dma_start3A_148, %dma_start3A_149] : memref<32x5x18x112xi32, #tpu.memory_space<hbm>> -> memref<1x1x18x112xi32, #tpu.memory_space<hbm>>
      %dma_start3A_151 = tpu.memref_squeeze %dma_start3A_150 : memref<1x1x18x112xi32, #tpu.memory_space<hbm>> -> memref<18x112xi32, #tpu.memory_space<hbm>>
      tpu.enqueue_dma source(%dma_start3A_151 : memref<18x112xi32, #tpu.memory_space<hbm>>) target(%arg6 : memref<18x112xi32, #tpu.memory_space<vmem>>) target_semaphore(%run_scoped3A_143 : memref<!tpu.dma_semaphore, #tpu.memory_space<semaphore_mem>>)
      %dma_wait3A = arith.constant 0 : i32
      %dma_wait3A_152 = arith.constant 0 : i32
      %dma_wait3A_153 = tpu.memref_slice %arg2[%add3A, %run_scoped3A_94, %dma_wait3A, %dma_wait3A_152] : memref<32x5x18x112xi32, #tpu.memory_space<hbm>> -> memref<1x1x18x112xi32, #tpu.memory_space<hbm>>
      %dma_wait3A_154 = tpu.memref_squeeze %dma_wait3A_153 : memref<1x1x18x112xi32, #tpu.memory_space<hbm>> -> memref<18x112xi32, #tpu.memory_space<hbm>>
      %dma_wait3A_155 = arith.constant 0 : i32
      %dma_wait3A_156 = arith.constant 0 : i32
      %dma_wait3A_157 = tpu.memref_slice %arg2[%add3A, %run_scoped3A_94, %dma_wait3A_155, %dma_wait3A_156] : memref<32x5x18x112xi32, #tpu.memory_space<hbm>> -> memref<1x1x18x112xi32, #tpu.memory_space<hbm>>
      %dma_wait3A_158 = tpu.memref_squeeze %dma_wait3A_157 : memref<1x1x18x112xi32, #tpu.memory_space<hbm>> -> memref<18x112xi32, #tpu.memory_space<hbm>>
      tpu.wait_dma2 semaphore(%run_scoped3A_143 : memref<!tpu.dma_semaphore, #tpu.memory_space<semaphore_mem>>) src(%dma_wait3A_158 : memref<18x112xi32, #tpu.memory_space<hbm>>) dst(%arg6 : memref<18x112xi32, #tpu.memory_space<vmem>>)
      tpu.yield
    }) : () -> ()
    %run_scoped3A_95 = arith.constant 3 : i32
    "tpu.region"() ({
      %run_scoped3A_143 = tpu.sem_alloc : memref<!tpu.dma_semaphore, #tpu.memory_space<semaphore_mem>>
      %dma_start3A_144 = arith.constant 0 : i32
      %dma_start3A_145 = arith.constant 0 : i32
      %dma_start3A_146 = tpu.memref_slice %arg3[%add3A, %run_scoped3A_95, %dma_start3A_144, %dma_start3A_145] : memref<32x5x18x112xi32, #tpu.memory_space<hbm>> -> memref<1x1x18x112xi32, #tpu.memory_space<hbm>>
      %dma_start3A_147 = tpu.memref_squeeze %dma_start3A_146 : memref<1x1x18x112xi32, #tpu.memory_space<hbm>> -> memref<18x112xi32, #tpu.memory_space<hbm>>
      %dma_start3A_148 = arith.constant 0 : i32
      %dma_start3A_149 = arith.constant 0 : i32
      %dma_start3A_150 = tpu.memref_slice %arg3[%add3A, %run_scoped3A_95, %dma_start3A_148, %dma_start3A_149] : memref<32x5x18x112xi32, #tpu.memory_space<hbm>> -> memref<1x1x18x112xi32, #tpu.memory_space<hbm>>
      %dma_start3A_151 = tpu.memref_squeeze %dma_start3A_150 : memref<1x1x18x112xi32, #tpu.memory_space<hbm>> -> memref<18x112xi32, #tpu.memory_space<hbm>>
      tpu.enqueue_dma source(%dma_start3A_151 : memref<18x112xi32, #tpu.memory_space<hbm>>) target(%arg7 : memref<18x112xi32, #tpu.memory_space<vmem>>) target_semaphore(%run_scoped3A_143 : memref<!tpu.dma_semaphore, #tpu.memory_space<semaphore_mem>>)
      %dma_wait3A = arith.constant 0 : i32
      %dma_wait3A_152 = arith.constant 0 : i32
      %dma_wait3A_153 = tpu.memref_slice %arg3[%add3A, %run_scoped3A_95, %dma_wait3A, %dma_wait3A_152] : memref<32x5x18x112xi32, #tpu.memory_space<hbm>> -> memref<1x1x18x112xi32, #tpu.memory_space<hbm>>
      %dma_wait3A_154 = tpu.memref_squeeze %dma_wait3A_153 : memref<1x1x18x112xi32, #tpu.memory_space<hbm>> -> memref<18x112xi32, #tpu.memory_space<hbm>>
      %dma_wait3A_155 = arith.constant 0 : i32
      %dma_wait3A_156 = arith.constant 0 : i32
      %dma_wait3A_157 = tpu.memref_slice %arg3[%add3A, %run_scoped3A_95, %dma_wait3A_155, %dma_wait3A_156] : memref<32x5x18x112xi32, #tpu.memory_space<hbm>> -> memref<1x1x18x112xi32, #tpu.memory_space<hbm>>
      %dma_wait3A_158 = tpu.memref_squeeze %dma_wait3A_157 : memref<1x1x18x112xi32, #tpu.memory_space<hbm>> -> memref<18x112xi32, #tpu.memory_space<hbm>>
      tpu.wait_dma2 semaphore(%run_scoped3A_143 : memref<!tpu.dma_semaphore, #tpu.memory_space<semaphore_mem>>) src(%dma_wait3A_158 : memref<18x112xi32, #tpu.memory_space<hbm>>) dst(%arg7 : memref<18x112xi32, #tpu.memory_space<vmem>>)
      tpu.yield
    }) : () -> ()
    %dma_start3A_96 = arith.constant 0 : i32
    %dma_start3A_97 = arith.constant 0 : i32
    %dma_start3A_98 = tpu.memref_slice %arg6[%dma_start3A_96, %dma_start3A_97] : memref<18x112xi32, #tpu.memory_space<vmem>> -> memref<1x112xi32, #tpu.memory_space<vmem>>
    %dma_start3A_99 = tpu.memref_squeeze %dma_start3A_98 : memref<1x112xi32, #tpu.memory_space<vmem>> -> memref<112xi32, #tpu.memory_space<vmem>>
    %dma_start3A_100 = arith.constant 0 : i32
    %dma_start3A_101 = arith.constant 0 : i32
    %dma_start3A_102 = tpu.memref_slice %arg4[%dma_start3A_100, %dma_start3A_101] : memref<10240x128xf32, #tpu.memory_space<hbm>> -> memref<10240x128xf32, #tpu.memory_space<hbm>>
    tpu.enqueue_indirect_dma source(%dma_start3A_102 : memref<10240x128xf32, #tpu.memory_space<hbm>>) target(%arg8 : memref<112x128xf32, #tpu.memory_space<vmem>>) offsets(%dma_start3A_99 : memref<112xi32, #tpu.memory_space<vmem>>) semaphore(%arg12 : memref<!tpu.dma_semaphore, #tpu.memory_space<semaphore_mem>>)
    %dma_start3A_103 = arith.constant 1 : i32
    %dma_start3A_104 = arith.constant 0 : i32
    %dma_start3A_105 = tpu.memref_slice %arg6[%dma_start3A_103, %dma_start3A_104] : memref<18x112xi32, #tpu.memory_space<vmem>> -> memref<1x112xi32, #tpu.memory_space<vmem>>
    %dma_start3A_106 = tpu.memref_squeeze %dma_start3A_105 : memref<1x112xi32, #tpu.memory_space<vmem>> -> memref<112xi32, #tpu.memory_space<vmem>>
    %dma_start3A_107 = arith.constant 0 : i32
    %dma_start3A_108 = arith.constant 0 : i32
    %dma_start3A_109 = tpu.memref_slice %arg4[%dma_start3A_107, %dma_start3A_108] : memref<10240x128xf32, #tpu.memory_space<hbm>> -> memref<10240x128xf32, #tpu.memory_space<hbm>>
    tpu.enqueue_indirect_dma source(%dma_start3A_109 : memref<10240x128xf32, #tpu.memory_space<hbm>>) target(%arg9 : memref<112x128xf32, #tpu.memory_space<vmem>>) offsets(%dma_start3A_106 : memref<112xi32, #tpu.memory_space<vmem>>) semaphore(%arg13 : memref<!tpu.dma_semaphore, #tpu.memory_space<semaphore_mem>>)
    %scan3A_110 = arith.constant 0 : i32
    %scan3A_111 = arith.constant 0 : i32
    %scan3A_112 = arith.constant 6 : i32
    %scan3A_113 = arith.addi %scan3A_111, %scan3A_112 : i32
    %scan3A_114 = arith.constant 1 : i32
    scf.for %scan3A_143 = %scan3A_111 to %scan3A_113 step %scan3A_114  : i32 {
      %mul3A_144 = arith.constant 3 : i32
      %mul3A_145 = arith.muli %scan3A_143, %mul3A_144 : i32
      %add3A_146 = arith.constant 0 : i32
      %add3A_147 = arith.addi %mul3A_145, %add3A_146 : i32
      %add3A_148 = arith.constant 2 : i32
      %add3A_149 = arith.addi %add3A_147, %add3A_148 : i32
      %dma_wait3A = arith.constant 0 : i32
      %dma_wait3A_150 = tpu.memref_slice %arg6[%add3A_147, %dma_wait3A] : memref<18x112xi32, #tpu.memory_space<vmem>> -> memref<1x112xi32, #tpu.memory_space<vmem>>
      %dma_wait3A_151 = tpu.memref_squeeze %dma_wait3A_150 : memref<1x112xi32, #tpu.memory_space<vmem>> -> memref<112xi32, #tpu.memory_space<vmem>>
      %dma_wait3A_152 = arith.constant 0 : i32
      %dma_wait3A_153 = arith.constant 0 : i32
      %dma_wait3A_154 = tpu.memref_slice %arg4[%dma_wait3A_152, %dma_wait3A_153] : memref<10240x128xf32, #tpu.memory_space<hbm>> -> memref<10240x128xf32, #tpu.memory_space<hbm>>
      tpu.wait_indirect_dma semaphore(%arg12 : memref<!tpu.dma_semaphore, #tpu.memory_space<semaphore_mem>>) src(%dma_wait3A_154 : memref<10240x128xf32, #tpu.memory_space<hbm>>) dst(%arg8 : memref<112x128xf32, #tpu.memory_space<vmem>>)
      %lt3A = arith.constant 18 : i32
      %lt3A_155 = arith.cmpi slt, %add3A_149, %lt3A : i32
      %convert_element_type3A = arith.extui %lt3A_155 : i1 to i32
      %cond3A = arith.constant 0 : i32
      %cond3A_156 = arith.cmpi ne, %convert_element_type3A, %cond3A : i32
      scf.if %cond3A_156 {
        %dma_start3A_191 = arith.constant 0 : i32
        %dma_start3A_192 = tpu.memref_slice %arg6[%add3A_149, %dma_start3A_191] : memref<18x112xi32, #tpu.memory_space<vmem>> -> memref<1x112xi32, #tpu.memory_space<vmem>>
        %dma_start3A_193 = tpu.memref_squeeze %dma_start3A_192 : memref<1x112xi32, #tpu.memory_space<vmem>> -> memref<112xi32, #tpu.memory_space<vmem>>
        %dma_start3A_194 = arith.constant 0 : i32
        %dma_start3A_195 = arith.constant 0 : i32
        %dma_start3A_196 = tpu.memref_slice %arg4[%dma_start3A_194, %dma_start3A_195] : memref<10240x128xf32, #tpu.memory_space<hbm>> -> memref<10240x128xf32, #tpu.memory_space<hbm>>
        tpu.enqueue_indirect_dma source(%dma_start3A_196 : memref<10240x128xf32, #tpu.memory_space<hbm>>) target(%arg10 : memref<112x128xf32, #tpu.memory_space<vmem>>) offsets(%dma_start3A_193 : memref<112xi32, #tpu.memory_space<vmem>>) semaphore(%arg14 : memref<!tpu.dma_semaphore, #tpu.memory_space<semaphore_mem>>)
      } else {
      }
      "tpu.region"() ({
        %run_scoped3A_191 = tpu.sem_alloc : memref<!tpu.dma_semaphore, #tpu.memory_space<semaphore_mem>>
        %dma_start3A_192 = arith.constant 0 : i32
        %dma_start3A_193 = tpu.memref_slice %arg7[%add3A_147, %dma_start3A_192] : memref<18x112xi32, #tpu.memory_space<vmem>> -> memref<1x112xi32, #tpu.memory_space<vmem>>
        %dma_start3A_194 = tpu.memref_squeeze %dma_start3A_193 : memref<1x112xi32, #tpu.memory_space<vmem>> -> memref<112xi32, #tpu.memory_space<vmem>>
        %dma_start3A_195 = arith.constant 0 : i32
        %dma_start3A_196 = arith.constant 0 : i32
        %dma_start3A_197 = tpu.memref_slice %arg11[%dma_start3A_195, %dma_start3A_196] : memref<10240x128xf32, #tpu.memory_space<vmem_shared>> -> memref<10240x128xf32, #tpu.memory_space<vmem_shared>>
        tpu.enqueue_indirect_dma source(%arg8 : memref<112x128xf32, #tpu.memory_space<vmem>>) target(%dma_start3A_197 : memref<10240x128xf32, #tpu.memory_space<vmem_shared>>) offsets(%dma_start3A_194 : memref<112xi32, #tpu.memory_space<vmem>>) semaphore(%run_scoped3A_191 : memref<!tpu.dma_semaphore, #tpu.memory_space<semaphore_mem>>) {add = true}
        %dma_wait3A_198 = arith.constant 0 : i32
        %dma_wait3A_199 = tpu.memref_slice %arg7[%add3A_147, %dma_wait3A_198] : memref<18x112xi32, #tpu.memory_space<vmem>> -> memref<1x112xi32, #tpu.memory_space<vmem>>
        %dma_wait3A_200 = tpu.memref_squeeze %dma_wait3A_199 : memref<1x112xi32, #tpu.memory_space<vmem>> -> memref<112xi32, #tpu.memory_space<vmem>>
        %dma_wait3A_201 = arith.constant 0 : i32
        %dma_wait3A_202 = arith.constant 0 : i32
        %dma_wait3A_203 = tpu.memref_slice %arg11[%dma_wait3A_201, %dma_wait3A_202] : memref<10240x128xf32, #tpu.memory_space<vmem_shared>> -> memref<10240x128xf32, #tpu.memory_space<vmem_shared>>
        tpu.wait_indirect_dma semaphore(%run_scoped3A_191 : memref<!tpu.dma_semaphore, #tpu.memory_space<semaphore_mem>>) src(%arg8 : memref<112x128xf32, #tpu.memory_space<vmem>>) dst(%dma_wait3A_203 : memref<10240x128xf32, #tpu.memory_space<vmem_shared>>)
        tpu.yield
      }) : () -> ()
      %mul3A_157 = arith.constant 3 : i32
      %mul3A_158 = arith.muli %scan3A_143, %mul3A_157 : i32
      %add3A_159 = arith.constant 1 : i32
      %add3A_160 = arith.addi %mul3A_158, %add3A_159 : i32
      %add3A_161 = arith.constant 2 : i32
      %add3A_162 = arith.addi %add3A_160, %add3A_161 : i32
      %dma_wait3A_163 = arith.constant 0 : i32
      %dma_wait3A_164 = tpu.memref_slice %arg6[%add3A_160, %dma_wait3A_163] : memref<18x112xi32, #tpu.memory_space<vmem>> -> memref<1x112xi32, #tpu.memory_space<vmem>>
      %dma_wait3A_165 = tpu.memref_squeeze %dma_wait3A_164 : memref<1x112xi32, #tpu.memory_space<vmem>> -> memref<112xi32, #tpu.memory_space<vmem>>
      %dma_wait3A_166 = arith.constant 0 : i32
      %dma_wait3A_167 = arith.constant 0 : i32
      %dma_wait3A_168 = tpu.memref_slice %arg4[%dma_wait3A_166, %dma_wait3A_167] : memref<10240x128xf32, #tpu.memory_space<hbm>> -> memref<10240x128xf32, #tpu.memory_space<hbm>>
      tpu.wait_indirect_dma semaphore(%arg13 : memref<!tpu.dma_semaphore, #tpu.memory_space<semaphore_mem>>) src(%dma_wait3A_168 : memref<10240x128xf32, #tpu.memory_space<hbm>>) dst(%arg9 : memref<112x128xf32, #tpu.memory_space<vmem>>)
      %lt3A_169 = arith.constant 18 : i32
      %lt3A_170 = arith.cmpi slt, %add3A_162, %lt3A_169 : i32
      %convert_element_type3A_171 = arith.extui %lt3A_170 : i1 to i32
      %cond3A_172 = arith.constant 0 : i32
      %cond3A_173 = arith.cmpi ne, %convert_element_type3A_171, %cond3A_172 : i32
      scf.if %cond3A_173 {
        %dma_start3A_191 = arith.constant 0 : i32
        %dma_start3A_192 = tpu.memref_slice %arg6[%add3A_162, %dma_start3A_191] : memref<18x112xi32, #tpu.memory_space<vmem>> -> memref<1x112xi32, #tpu.memory_space<vmem>>
        %dma_start3A_193 = tpu.memref_squeeze %dma_start3A_192 : memref<1x112xi32, #tpu.memory_space<vmem>> -> memref<112xi32, #tpu.memory_space<vmem>>
        %dma_start3A_194 = arith.constant 0 : i32
        %dma_start3A_195 = arith.constant 0 : i32
        %dma_start3A_196 = tpu.memref_slice %arg4[%dma_start3A_194, %dma_start3A_195] : memref<10240x128xf32, #tpu.memory_space<hbm>> -> memref<10240x128xf32, #tpu.memory_space<hbm>>
        tpu.enqueue_indirect_dma source(%dma_start3A_196 : memref<10240x128xf32, #tpu.memory_space<hbm>>) target(%arg8 : memref<112x128xf32, #tpu.memory_space<vmem>>) offsets(%dma_start3A_193 : memref<112xi32, #tpu.memory_space<vmem>>) semaphore(%arg12 : memref<!tpu.dma_semaphore, #tpu.memory_space<semaphore_mem>>)
      } else {
      }
      "tpu.region"() ({
        %run_scoped3A_191 = tpu.sem_alloc : memref<!tpu.dma_semaphore, #tpu.memory_space<semaphore_mem>>
        %dma_start3A_192 = arith.constant 0 : i32
        %dma_start3A_193 = tpu.memref_slice %arg7[%add3A_160, %dma_start3A_192] : memref<18x112xi32, #tpu.memory_space<vmem>> -> memref<1x112xi32, #tpu.memory_space<vmem>>
        %dma_start3A_194 = tpu.memref_squeeze %dma_start3A_193 : memref<1x112xi32, #tpu.memory_space<vmem>> -> memref<112xi32, #tpu.memory_space<vmem>>
        %dma_start3A_195 = arith.constant 0 : i32
        %dma_start3A_196 = arith.constant 0 : i32
        %dma_start3A_197 = tpu.memref_slice %arg11[%dma_start3A_195, %dma_start3A_196] : memref<10240x128xf32, #tpu.memory_space<vmem_shared>> -> memref<10240x128xf32, #tpu.memory_space<vmem_shared>>
        tpu.enqueue_indirect_dma source(%arg9 : memref<112x128xf32, #tpu.memory_space<vmem>>) target(%dma_start3A_197 : memref<10240x128xf32, #tpu.memory_space<vmem_shared>>) offsets(%dma_start3A_194 : memref<112xi32, #tpu.memory_space<vmem>>) semaphore(%run_scoped3A_191 : memref<!tpu.dma_semaphore, #tpu.memory_space<semaphore_mem>>) {add = true}
        %dma_wait3A_198 = arith.constant 0 : i32
        %dma_wait3A_199 = tpu.memref_slice %arg7[%add3A_160, %dma_wait3A_198] : memref<18x112xi32, #tpu.memory_space<vmem>> -> memref<1x112xi32, #tpu.memory_space<vmem>>
        %dma_wait3A_200 = tpu.memref_squeeze %dma_wait3A_199 : memref<1x112xi32, #tpu.memory_space<vmem>> -> memref<112xi32, #tpu.memory_space<vmem>>
        %dma_wait3A_201 = arith.constant 0 : i32
        %dma_wait3A_202 = arith.constant 0 : i32
        %dma_wait3A_203 = tpu.memref_slice %arg11[%dma_wait3A_201, %dma_wait3A_202] : memref<10240x128xf32, #tpu.memory_space<vmem_shared>> -> memref<10240x128xf32, #tpu.memory_space<vmem_shared>>
        tpu.wait_indirect_dma semaphore(%run_scoped3A_191 : memref<!tpu.dma_semaphore, #tpu.memory_space<semaphore_mem>>) src(%arg9 : memref<112x128xf32, #tpu.memory_space<vmem>>) dst(%dma_wait3A_203 : memref<10240x128xf32, #tpu.memory_space<vmem_shared>>)
        tpu.yield
      }) : () -> ()
      %mul3A_174 = arith.constant 3 : i32
      %mul3A_175 = arith.muli %scan3A_143, %mul3A_174 : i32
      %add3A_176 = arith.constant 2 : i32
      %add3A_177 = arith.addi %mul3A_175, %add3A_176 : i32
      %add3A_178 = arith.constant 2 : i32
      %add3A_179 = arith.addi %add3A_177, %add3A_178 : i32
      %dma_wait3A_180 = arith.constant 0 : i32
      %dma_wait3A_181 = tpu.memref_slice %arg6[%add3A_177, %dma_wait3A_180] : memref<18x112xi32, #tpu.memory_space<vmem>> -> memref<1x112xi32, #tpu.memory_space<vmem>>
      %dma_wait3A_182 = tpu.memref_squeeze %dma_wait3A_181 : memref<1x112xi32, #tpu.memory_space<vmem>> -> memref<112xi32, #tpu.memory_space<vmem>>
      %dma_wait3A_183 = arith.constant 0 : i32
      %dma_wait3A_184 = arith.constant 0 : i32
      %dma_wait3A_185 = tpu.memref_slice %arg4[%dma_wait3A_183, %dma_wait3A_184] : memref<10240x128xf32, #tpu.memory_space<hbm>> -> memref<10240x128xf32, #tpu.memory_space<hbm>>
      tpu.wait_indirect_dma semaphore(%arg14 : memref<!tpu.dma_semaphore, #tpu.memory_space<semaphore_mem>>) src(%dma_wait3A_185 : memref<10240x128xf32, #tpu.memory_space<hbm>>) dst(%arg10 : memref<112x128xf32, #tpu.memory_space<vmem>>)
      %lt3A_186 = arith.constant 18 : i32
      %lt3A_187 = arith.cmpi slt, %add3A_179, %lt3A_186 : i32
      %convert_element_type3A_188 = arith.extui %lt3A_187 : i1 to i32
      %cond3A_189 = arith.constant 0 : i32
      %cond3A_190 = arith.cmpi ne, %convert_element_type3A_188, %cond3A_189 : i32
      scf.if %cond3A_190 {
        %dma_start3A_191 = arith.constant 0 : i32
        %dma_start3A_192 = tpu.memref_slice %arg6[%add3A_179, %dma_start3A_191] : memref<18x112xi32, #tpu.memory_space<vmem>> -> memref<1x112xi32, #tpu.memory_space<vmem>>
        %dma_start3A_193 = tpu.memref_squeeze %dma_start3A_192 : memref<1x112xi32, #tpu.memory_space<vmem>> -> memref<112xi32, #tpu.memory_space<vmem>>
        %dma_start3A_194 = arith.constant 0 : i32
        %dma_start3A_195 = arith.constant 0 : i32
        %dma_start3A_196 = tpu.memref_slice %arg4[%dma_start3A_194, %dma_start3A_195] : memref<10240x128xf32, #tpu.memory_space<hbm>> -> memref<10240x128xf32, #tpu.memory_space<hbm>>
        tpu.enqueue_indirect_dma source(%dma_start3A_196 : memref<10240x128xf32, #tpu.memory_space<hbm>>) target(%arg9 : memref<112x128xf32, #tpu.memory_space<vmem>>) offsets(%dma_start3A_193 : memref<112xi32, #tpu.memory_space<vmem>>) semaphore(%arg13 : memref<!tpu.dma_semaphore, #tpu.memory_space<semaphore_mem>>)
      } else {
      }
      "tpu.region"() ({
        %run_scoped3A_191 = tpu.sem_alloc : memref<!tpu.dma_semaphore, #tpu.memory_space<semaphore_mem>>
        %dma_start3A_192 = arith.constant 0 : i32
        %dma_start3A_193 = tpu.memref_slice %arg7[%add3A_177, %dma_start3A_192] : memref<18x112xi32, #tpu.memory_space<vmem>> -> memref<1x112xi32, #tpu.memory_space<vmem>>
        %dma_start3A_194 = tpu.memref_squeeze %dma_start3A_193 : memref<1x112xi32, #tpu.memory_space<vmem>> -> memref<112xi32, #tpu.memory_space<vmem>>
        %dma_start3A_195 = arith.constant 0 : i32
        %dma_start3A_196 = arith.constant 0 : i32
        %dma_start3A_197 = tpu.memref_slice %arg11[%dma_start3A_195, %dma_start3A_196] : memref<10240x128xf32, #tpu.memory_space<vmem_shared>> -> memref<10240x128xf32, #tpu.memory_space<vmem_shared>>
        tpu.enqueue_indirect_dma source(%arg10 : memref<112x128xf32, #tpu.memory_space<vmem>>) target(%dma_start3A_197 : memref<10240x128xf32, #tpu.memory_space<vmem_shared>>) offsets(%dma_start3A_194 : memref<112xi32, #tpu.memory_space<vmem>>) semaphore(%run_scoped3A_191 : memref<!tpu.dma_semaphore, #tpu.memory_space<semaphore_mem>>) {add = true}
        %dma_wait3A_198 = arith.constant 0 : i32
        %dma_wait3A_199 = tpu.memref_slice %arg7[%add3A_177, %dma_wait3A_198] : memref<18x112xi32, #tpu.memory_space<vmem>> -> memref<1x112xi32, #tpu.memory_space<vmem>>
        %dma_wait3A_200 = tpu.memref_squeeze %dma_wait3A_199 : memref<1x112xi32, #tpu.memory_space<vmem>> -> memref<112xi32, #tpu.memory_space<vmem>>
        %dma_wait3A_201 = arith.constant 0 : i32
        %dma_wait3A_202 = arith.constant 0 : i32
        %dma_wait3A_203 = tpu.memref_slice %arg11[%dma_wait3A_201, %dma_wait3A_202] : memref<10240x128xf32, #tpu.memory_space<vmem_shared>> -> memref<10240x128xf32, #tpu.memory_space<vmem_shared>>
        tpu.wait_indirect_dma semaphore(%run_scoped3A_191 : memref<!tpu.dma_semaphore, #tpu.memory_space<semaphore_mem>>) src(%arg10 : memref<112x128xf32, #tpu.memory_space<vmem>>) dst(%dma_wait3A_203 : memref<10240x128xf32, #tpu.memory_space<vmem_shared>>)
        tpu.yield
      }) : () -> ()
    }
    %scan3A_115 = arith.constant 6 : i32
    %run_scoped3A_116 = arith.constant 4 : i32
    "tpu.region"() ({
      %run_scoped3A_143 = tpu.sem_alloc : memref<!tpu.dma_semaphore, #tpu.memory_space<semaphore_mem>>
      %dma_start3A_144 = arith.constant 0 : i32
      %dma_start3A_145 = arith.constant 0 : i32
      %dma_start3A_146 = tpu.memref_slice %arg2[%add3A, %run_scoped3A_116, %dma_start3A_144, %dma_start3A_145] : memref<32x5x18x112xi32, #tpu.memory_space<hbm>> -> memref<1x1x18x112xi32, #tpu.memory_space<hbm>>
      %dma_start3A_147 = tpu.memref_squeeze %dma_start3A_146 : memref<1x1x18x112xi32, #tpu.memory_space<hbm>> -> memref<18x112xi32, #tpu.memory_space<hbm>>
      %dma_start3A_148 = arith.constant 0 : i32
      %dma_start3A_149 = arith.constant 0 : i32
      %dma_start3A_150 = tpu.memref_slice %arg2[%add3A, %run_scoped3A_116, %dma_start3A_148, %dma_start3A_149] : memref<32x5x18x112xi32, #tpu.memory_space<hbm>> -> memref<1x1x18x112xi32, #tpu.memory_space<hbm>>
      %dma_start3A_151 = tpu.memref_squeeze %dma_start3A_150 : memref<1x1x18x112xi32, #tpu.memory_space<hbm>> -> memref<18x112xi32, #tpu.memory_space<hbm>>
      tpu.enqueue_dma source(%dma_start3A_151 : memref<18x112xi32, #tpu.memory_space<hbm>>) target(%arg6 : memref<18x112xi32, #tpu.memory_space<vmem>>) target_semaphore(%run_scoped3A_143 : memref<!tpu.dma_semaphore, #tpu.memory_space<semaphore_mem>>)
      %dma_wait3A = arith.constant 0 : i32
      %dma_wait3A_152 = arith.constant 0 : i32
      %dma_wait3A_153 = tpu.memref_slice %arg2[%add3A, %run_scoped3A_116, %dma_wait3A, %dma_wait3A_152] : memref<32x5x18x112xi32, #tpu.memory_space<hbm>> -> memref<1x1x18x112xi32, #tpu.memory_space<hbm>>
      %dma_wait3A_154 = tpu.memref_squeeze %dma_wait3A_153 : memref<1x1x18x112xi32, #tpu.memory_space<hbm>> -> memref<18x112xi32, #tpu.memory_space<hbm>>
      %dma_wait3A_155 = arith.constant 0 : i32
      %dma_wait3A_156 = arith.constant 0 : i32
      %dma_wait3A_157 = tpu.memref_slice %arg2[%add3A, %run_scoped3A_116, %dma_wait3A_155, %dma_wait3A_156] : memref<32x5x18x112xi32, #tpu.memory_space<hbm>> -> memref<1x1x18x112xi32, #tpu.memory_space<hbm>>
      %dma_wait3A_158 = tpu.memref_squeeze %dma_wait3A_157 : memref<1x1x18x112xi32, #tpu.memory_space<hbm>> -> memref<18x112xi32, #tpu.memory_space<hbm>>
      tpu.wait_dma2 semaphore(%run_scoped3A_143 : memref<!tpu.dma_semaphore, #tpu.memory_space<semaphore_mem>>) src(%dma_wait3A_158 : memref<18x112xi32, #tpu.memory_space<hbm>>) dst(%arg6 : memref<18x112xi32, #tpu.memory_space<vmem>>)
      tpu.yield
    }) : () -> ()
    %run_scoped3A_117 = arith.constant 4 : i32
    "tpu.region"() ({
      %run_scoped3A_143 = tpu.sem_alloc : memref<!tpu.dma_semaphore, #tpu.memory_space<semaphore_mem>>
      %dma_start3A_144 = arith.constant 0 : i32
      %dma_start3A_145 = arith.constant 0 : i32
      %dma_start3A_146 = tpu.memref_slice %arg3[%add3A, %run_scoped3A_117, %dma_start3A_144, %dma_start3A_145] : memref<32x5x18x112xi32, #tpu.memory_space<hbm>> -> memref<1x1x18x112xi32, #tpu.memory_space<hbm>>
      %dma_start3A_147 = tpu.memref_squeeze %dma_start3A_146 : memref<1x1x18x112xi32, #tpu.memory_space<hbm>> -> memref<18x112xi32, #tpu.memory_space<hbm>>
      %dma_start3A_148 = arith.constant 0 : i32
      %dma_start3A_149 = arith.constant 0 : i32
      %dma_start3A_150 = tpu.memref_slice %arg3[%add3A, %run_scoped3A_117, %dma_start3A_148, %dma_start3A_149] : memref<32x5x18x112xi32, #tpu.memory_space<hbm>> -> memref<1x1x18x112xi32, #tpu.memory_space<hbm>>
      %dma_start3A_151 = tpu.memref_squeeze %dma_start3A_150 : memref<1x1x18x112xi32, #tpu.memory_space<hbm>> -> memref<18x112xi32, #tpu.memory_space<hbm>>
      tpu.enqueue_dma source(%dma_start3A_151 : memref<18x112xi32, #tpu.memory_space<hbm>>) target(%arg7 : memref<18x112xi32, #tpu.memory_space<vmem>>) target_semaphore(%run_scoped3A_143 : memref<!tpu.dma_semaphore, #tpu.memory_space<semaphore_mem>>)
      %dma_wait3A = arith.constant 0 : i32
      %dma_wait3A_152 = arith.constant 0 : i32
      %dma_wait3A_153 = tpu.memref_slice %arg3[%add3A, %run_scoped3A_117, %dma_wait3A, %dma_wait3A_152] : memref<32x5x18x112xi32, #tpu.memory_space<hbm>> -> memref<1x1x18x112xi32, #tpu.memory_space<hbm>>
      %dma_wait3A_154 = tpu.memref_squeeze %dma_wait3A_153 : memref<1x1x18x112xi32, #tpu.memory_space<hbm>> -> memref<18x112xi32, #tpu.memory_space<hbm>>
      %dma_wait3A_155 = arith.constant 0 : i32
      %dma_wait3A_156 = arith.constant 0 : i32
      %dma_wait3A_157 = tpu.memref_slice %arg3[%add3A, %run_scoped3A_117, %dma_wait3A_155, %dma_wait3A_156] : memref<32x5x18x112xi32, #tpu.memory_space<hbm>> -> memref<1x1x18x112xi32, #tpu.memory_space<hbm>>
      %dma_wait3A_158 = tpu.memref_squeeze %dma_wait3A_157 : memref<1x1x18x112xi32, #tpu.memory_space<hbm>> -> memref<18x112xi32, #tpu.memory_space<hbm>>
      tpu.wait_dma2 semaphore(%run_scoped3A_143 : memref<!tpu.dma_semaphore, #tpu.memory_space<semaphore_mem>>) src(%dma_wait3A_158 : memref<18x112xi32, #tpu.memory_space<hbm>>) dst(%arg7 : memref<18x112xi32, #tpu.memory_space<vmem>>)
      tpu.yield
    }) : () -> ()
    %dma_start3A_118 = arith.constant 0 : i32
    %dma_start3A_119 = arith.constant 0 : i32
    %dma_start3A_120 = tpu.memref_slice %arg6[%dma_start3A_118, %dma_start3A_119] : memref<18x112xi32, #tpu.memory_space<vmem>> -> memref<1x112xi32, #tpu.memory_space<vmem>>
    %dma_start3A_121 = tpu.memref_squeeze %dma_start3A_120 : memref<1x112xi32, #tpu.memory_space<vmem>> -> memref<112xi32, #tpu.memory_space<vmem>>
    %dma_start3A_122 = arith.constant 0 : i32
    %dma_start3A_123 = arith.constant 0 : i32
    %dma_start3A_124 = tpu.memref_slice %arg4[%dma_start3A_122, %dma_start3A_123] : memref<10240x128xf32, #tpu.memory_space<hbm>> -> memref<10240x128xf32, #tpu.memory_space<hbm>>
    tpu.enqueue_indirect_dma source(%dma_start3A_124 : memref<10240x128xf32, #tpu.memory_space<hbm>>) target(%arg8 : memref<112x128xf32, #tpu.memory_space<vmem>>) offsets(%dma_start3A_121 : memref<112xi32, #tpu.memory_space<vmem>>) semaphore(%arg12 : memref<!tpu.dma_semaphore, #tpu.memory_space<semaphore_mem>>)
    %dma_start3A_125 = arith.constant 1 : i32
    %dma_start3A_126 = arith.constant 0 : i32
    %dma_start3A_127 = tpu.memref_slice %arg6[%dma_start3A_125, %dma_start3A_126] : memref<18x112xi32, #tpu.memory_space<vmem>> -> memref<1x112xi32, #tpu.memory_space<vmem>>
    %dma_start3A_128 = tpu.memref_squeeze %dma_start3A_127 : memref<1x112xi32, #tpu.memory_space<vmem>> -> memref<112xi32, #tpu.memory_space<vmem>>
    %dma_start3A_129 = arith.constant 0 : i32
    %dma_start3A_130 = arith.constant 0 : i32
    %dma_start3A_131 = tpu.memref_slice %arg4[%dma_start3A_129, %dma_start3A_130] : memref<10240x128xf32, #tpu.memory_space<hbm>> -> memref<10240x128xf32, #tpu.memory_space<hbm>>
    tpu.enqueue_indirect_dma source(%dma_start3A_131 : memref<10240x128xf32, #tpu.memory_space<hbm>>) target(%arg9 : memref<112x128xf32, #tpu.memory_space<vmem>>) offsets(%dma_start3A_128 : memref<112xi32, #tpu.memory_space<vmem>>) semaphore(%arg13 : memref<!tpu.dma_semaphore, #tpu.memory_space<semaphore_mem>>)
    %scan3A_132 = arith.constant 0 : i32
    %scan3A_133 = arith.constant 0 : i32
    %scan3A_134 = arith.constant 6 : i32
    %scan3A_135 = arith.addi %scan3A_133, %scan3A_134 : i32
    %scan3A_136 = arith.constant 1 : i32
    scf.for %scan3A_143 = %scan3A_133 to %scan3A_135 step %scan3A_136  : i32 {
      %mul3A_144 = arith.constant 3 : i32
      %mul3A_145 = arith.muli %scan3A_143, %mul3A_144 : i32
      %add3A_146 = arith.constant 0 : i32
      %add3A_147 = arith.addi %mul3A_145, %add3A_146 : i32
      %add3A_148 = arith.constant 2 : i32
      %add3A_149 = arith.addi %add3A_147, %add3A_148 : i32
      %dma_wait3A = arith.constant 0 : i32
      %dma_wait3A_150 = tpu.memref_slice %arg6[%add3A_147, %dma_wait3A] : memref<18x112xi32, #tpu.memory_space<vmem>> -> memref<1x112xi32, #tpu.memory_space<vmem>>
      %dma_wait3A_151 = tpu.memref_squeeze %dma_wait3A_150 : memref<1x112xi32, #tpu.memory_space<vmem>> -> memref<112xi32, #tpu.memory_space<vmem>>
      %dma_wait3A_152 = arith.constant 0 : i32
      %dma_wait3A_153 = arith.constant 0 : i32
      %dma_wait3A_154 = tpu.memref_slice %arg4[%dma_wait3A_152, %dma_wait3A_153] : memref<10240x128xf32, #tpu.memory_space<hbm>> -> memref<10240x128xf32, #tpu.memory_space<hbm>>
      tpu.wait_indirect_dma semaphore(%arg12 : memref<!tpu.dma_semaphore, #tpu.memory_space<semaphore_mem>>) src(%dma_wait3A_154 : memref<10240x128xf32, #tpu.memory_space<hbm>>) dst(%arg8 : memref<112x128xf32, #tpu.memory_space<vmem>>)
      %lt3A = arith.constant 18 : i32
      %lt3A_155 = arith.cmpi slt, %add3A_149, %lt3A : i32
      %convert_element_type3A = arith.extui %lt3A_155 : i1 to i32
      %cond3A = arith.constant 0 : i32
      %cond3A_156 = arith.cmpi ne, %convert_element_type3A, %cond3A : i32
      scf.if %cond3A_156 {
        %dma_start3A_191 = arith.constant 0 : i32
        %dma_start3A_192 = tpu.memref_slice %arg6[%add3A_149, %dma_start3A_191] : memref<18x112xi32, #tpu.memory_space<vmem>> -> memref<1x112xi32, #tpu.memory_space<vmem>>
        %dma_start3A_193 = tpu.memref_squeeze %dma_start3A_192 : memref<1x112xi32, #tpu.memory_space<vmem>> -> memref<112xi32, #tpu.memory_space<vmem>>
        %dma_start3A_194 = arith.constant 0 : i32
        %dma_start3A_195 = arith.constant 0 : i32
        %dma_start3A_196 = tpu.memref_slice %arg4[%dma_start3A_194, %dma_start3A_195] : memref<10240x128xf32, #tpu.memory_space<hbm>> -> memref<10240x128xf32, #tpu.memory_space<hbm>>
        tpu.enqueue_indirect_dma source(%dma_start3A_196 : memref<10240x128xf32, #tpu.memory_space<hbm>>) target(%arg10 : memref<112x128xf32, #tpu.memory_space<vmem>>) offsets(%dma_start3A_193 : memref<112xi32, #tpu.memory_space<vmem>>) semaphore(%arg14 : memref<!tpu.dma_semaphore, #tpu.memory_space<semaphore_mem>>)
      } else {
      }
      "tpu.region"() ({
        %run_scoped3A_191 = tpu.sem_alloc : memref<!tpu.dma_semaphore, #tpu.memory_space<semaphore_mem>>
        %dma_start3A_192 = arith.constant 0 : i32
        %dma_start3A_193 = tpu.memref_slice %arg7[%add3A_147, %dma_start3A_192] : memref<18x112xi32, #tpu.memory_space<vmem>> -> memref<1x112xi32, #tpu.memory_space<vmem>>
        %dma_start3A_194 = tpu.memref_squeeze %dma_start3A_193 : memref<1x112xi32, #tpu.memory_space<vmem>> -> memref<112xi32, #tpu.memory_space<vmem>>
        %dma_start3A_195 = arith.constant 0 : i32
        %dma_start3A_196 = arith.constant 0 : i32
        %dma_start3A_197 = tpu.memref_slice %arg11[%dma_start3A_195, %dma_start3A_196] : memref<10240x128xf32, #tpu.memory_space<vmem_shared>> -> memref<10240x128xf32, #tpu.memory_space<vmem_shared>>
        tpu.enqueue_indirect_dma source(%arg8 : memref<112x128xf32, #tpu.memory_space<vmem>>) target(%dma_start3A_197 : memref<10240x128xf32, #tpu.memory_space<vmem_shared>>) offsets(%dma_start3A_194 : memref<112xi32, #tpu.memory_space<vmem>>) semaphore(%run_scoped3A_191 : memref<!tpu.dma_semaphore, #tpu.memory_space<semaphore_mem>>) {add = true}
        %dma_wait3A_198 = arith.constant 0 : i32
        %dma_wait3A_199 = tpu.memref_slice %arg7[%add3A_147, %dma_wait3A_198] : memref<18x112xi32, #tpu.memory_space<vmem>> -> memref<1x112xi32, #tpu.memory_space<vmem>>
        %dma_wait3A_200 = tpu.memref_squeeze %dma_wait3A_199 : memref<1x112xi32, #tpu.memory_space<vmem>> -> memref<112xi32, #tpu.memory_space<vmem>>
        %dma_wait3A_201 = arith.constant 0 : i32
        %dma_wait3A_202 = arith.constant 0 : i32
        %dma_wait3A_203 = tpu.memref_slice %arg11[%dma_wait3A_201, %dma_wait3A_202] : memref<10240x128xf32, #tpu.memory_space<vmem_shared>> -> memref<10240x128xf32, #tpu.memory_space<vmem_shared>>
        tpu.wait_indirect_dma semaphore(%run_scoped3A_191 : memref<!tpu.dma_semaphore, #tpu.memory_space<semaphore_mem>>) src(%arg8 : memref<112x128xf32, #tpu.memory_space<vmem>>) dst(%dma_wait3A_203 : memref<10240x128xf32, #tpu.memory_space<vmem_shared>>)
        tpu.yield
      }) : () -> ()
      %mul3A_157 = arith.constant 3 : i32
      %mul3A_158 = arith.muli %scan3A_143, %mul3A_157 : i32
      %add3A_159 = arith.constant 1 : i32
      %add3A_160 = arith.addi %mul3A_158, %add3A_159 : i32
      %add3A_161 = arith.constant 2 : i32
      %add3A_162 = arith.addi %add3A_160, %add3A_161 : i32
      %dma_wait3A_163 = arith.constant 0 : i32
      %dma_wait3A_164 = tpu.memref_slice %arg6[%add3A_160, %dma_wait3A_163] : memref<18x112xi32, #tpu.memory_space<vmem>> -> memref<1x112xi32, #tpu.memory_space<vmem>>
      %dma_wait3A_165 = tpu.memref_squeeze %dma_wait3A_164 : memref<1x112xi32, #tpu.memory_space<vmem>> -> memref<112xi32, #tpu.memory_space<vmem>>
      %dma_wait3A_166 = arith.constant 0 : i32
      %dma_wait3A_167 = arith.constant 0 : i32
      %dma_wait3A_168 = tpu.memref_slice %arg4[%dma_wait3A_166, %dma_wait3A_167] : memref<10240x128xf32, #tpu.memory_space<hbm>> -> memref<10240x128xf32, #tpu.memory_space<hbm>>
      tpu.wait_indirect_dma semaphore(%arg13 : memref<!tpu.dma_semaphore, #tpu.memory_space<semaphore_mem>>) src(%dma_wait3A_168 : memref<10240x128xf32, #tpu.memory_space<hbm>>) dst(%arg9 : memref<112x128xf32, #tpu.memory_space<vmem>>)
      %lt3A_169 = arith.constant 18 : i32
      %lt3A_170 = arith.cmpi slt, %add3A_162, %lt3A_169 : i32
      %convert_element_type3A_171 = arith.extui %lt3A_170 : i1 to i32
      %cond3A_172 = arith.constant 0 : i32
      %cond3A_173 = arith.cmpi ne, %convert_element_type3A_171, %cond3A_172 : i32
      scf.if %cond3A_173 {
        %dma_start3A_191 = arith.constant 0 : i32
        %dma_start3A_192 = tpu.memref_slice %arg6[%add3A_162, %dma_start3A_191] : memref<18x112xi32, #tpu.memory_space<vmem>> -> memref<1x112xi32, #tpu.memory_space<vmem>>
        %dma_start3A_193 = tpu.memref_squeeze %dma_start3A_192 : memref<1x112xi32, #tpu.memory_space<vmem>> -> memref<112xi32, #tpu.memory_space<vmem>>
        %dma_start3A_194 = arith.constant 0 : i32
        %dma_start3A_195 = arith.constant 0 : i32
        %dma_start3A_196 = tpu.memref_slice %arg4[%dma_start3A_194, %dma_start3A_195] : memref<10240x128xf32, #tpu.memory_space<hbm>> -> memref<10240x128xf32, #tpu.memory_space<hbm>>
        tpu.enqueue_indirect_dma source(%dma_start3A_196 : memref<10240x128xf32, #tpu.memory_space<hbm>>) target(%arg8 : memref<112x128xf32, #tpu.memory_space<vmem>>) offsets(%dma_start3A_193 : memref<112xi32, #tpu.memory_space<vmem>>) semaphore(%arg12 : memref<!tpu.dma_semaphore, #tpu.memory_space<semaphore_mem>>)
      } else {
      }
      "tpu.region"() ({
        %run_scoped3A_191 = tpu.sem_alloc : memref<!tpu.dma_semaphore, #tpu.memory_space<semaphore_mem>>
        %dma_start3A_192 = arith.constant 0 : i32
        %dma_start3A_193 = tpu.memref_slice %arg7[%add3A_160, %dma_start3A_192] : memref<18x112xi32, #tpu.memory_space<vmem>> -> memref<1x112xi32, #tpu.memory_space<vmem>>
        %dma_start3A_194 = tpu.memref_squeeze %dma_start3A_193 : memref<1x112xi32, #tpu.memory_space<vmem>> -> memref<112xi32, #tpu.memory_space<vmem>>
        %dma_start3A_195 = arith.constant 0 : i32
        %dma_start3A_196 = arith.constant 0 : i32
        %dma_start3A_197 = tpu.memref_slice %arg11[%dma_start3A_195, %dma_start3A_196] : memref<10240x128xf32, #tpu.memory_space<vmem_shared>> -> memref<10240x128xf32, #tpu.memory_space<vmem_shared>>
        tpu.enqueue_indirect_dma source(%arg9 : memref<112x128xf32, #tpu.memory_space<vmem>>) target(%dma_start3A_197 : memref<10240x128xf32, #tpu.memory_space<vmem_shared>>) offsets(%dma_start3A_194 : memref<112xi32, #tpu.memory_space<vmem>>) semaphore(%run_scoped3A_191 : memref<!tpu.dma_semaphore, #tpu.memory_space<semaphore_mem>>) {add = true}
        %dma_wait3A_198 = arith.constant 0 : i32
        %dma_wait3A_199 = tpu.memref_slice %arg7[%add3A_160, %dma_wait3A_198] : memref<18x112xi32, #tpu.memory_space<vmem>> -> memref<1x112xi32, #tpu.memory_space<vmem>>
        %dma_wait3A_200 = tpu.memref_squeeze %dma_wait3A_199 : memref<1x112xi32, #tpu.memory_space<vmem>> -> memref<112xi32, #tpu.memory_space<vmem>>
        %dma_wait3A_201 = arith.constant 0 : i32
        %dma_wait3A_202 = arith.constant 0 : i32
        %dma_wait3A_203 = tpu.memref_slice %arg11[%dma_wait3A_201, %dma_wait3A_202] : memref<10240x128xf32, #tpu.memory_space<vmem_shared>> -> memref<10240x128xf32, #tpu.memory_space<vmem_shared>>
        tpu.wait_indirect_dma semaphore(%run_scoped3A_191 : memref<!tpu.dma_semaphore, #tpu.memory_space<semaphore_mem>>) src(%arg9 : memref<112x128xf32, #tpu.memory_space<vmem>>) dst(%dma_wait3A_203 : memref<10240x128xf32, #tpu.memory_space<vmem_shared>>)
        tpu.yield
      }) : () -> ()
      %mul3A_174 = arith.constant 3 : i32
      %mul3A_175 = arith.muli %scan3A_143, %mul3A_174 : i32
      %add3A_176 = arith.constant 2 : i32
      %add3A_177 = arith.addi %mul3A_175, %add3A_176 : i32
      %add3A_178 = arith.constant 2 : i32
      %add3A_179 = arith.addi %add3A_177, %add3A_178 : i32
      %dma_wait3A_180 = arith.constant 0 : i32
      %dma_wait3A_181 = tpu.memref_slice %arg6[%add3A_177, %dma_wait3A_180] : memref<18x112xi32, #tpu.memory_space<vmem>> -> memref<1x112xi32, #tpu.memory_space<vmem>>
      %dma_wait3A_182 = tpu.memref_squeeze %dma_wait3A_181 : memref<1x112xi32, #tpu.memory_space<vmem>> -> memref<112xi32, #tpu.memory_space<vmem>>
      %dma_wait3A_183 = arith.constant 0 : i32
      %dma_wait3A_184 = arith.constant 0 : i32
      %dma_wait3A_185 = tpu.memref_slice %arg4[%dma_wait3A_183, %dma_wait3A_184] : memref<10240x128xf32, #tpu.memory_space<hbm>> -> memref<10240x128xf32, #tpu.memory_space<hbm>>
      tpu.wait_indirect_dma semaphore(%arg14 : memref<!tpu.dma_semaphore, #tpu.memory_space<semaphore_mem>>) src(%dma_wait3A_185 : memref<10240x128xf32, #tpu.memory_space<hbm>>) dst(%arg10 : memref<112x128xf32, #tpu.memory_space<vmem>>)
      %lt3A_186 = arith.constant 18 : i32
      %lt3A_187 = arith.cmpi slt, %add3A_179, %lt3A_186 : i32
      %convert_element_type3A_188 = arith.extui %lt3A_187 : i1 to i32
      %cond3A_189 = arith.constant 0 : i32
      %cond3A_190 = arith.cmpi ne, %convert_element_type3A_188, %cond3A_189 : i32
      scf.if %cond3A_190 {
        %dma_start3A_191 = arith.constant 0 : i32
        %dma_start3A_192 = tpu.memref_slice %arg6[%add3A_179, %dma_start3A_191] : memref<18x112xi32, #tpu.memory_space<vmem>> -> memref<1x112xi32, #tpu.memory_space<vmem>>
        %dma_start3A_193 = tpu.memref_squeeze %dma_start3A_192 : memref<1x112xi32, #tpu.memory_space<vmem>> -> memref<112xi32, #tpu.memory_space<vmem>>
        %dma_start3A_194 = arith.constant 0 : i32
        %dma_start3A_195 = arith.constant 0 : i32
        %dma_start3A_196 = tpu.memref_slice %arg4[%dma_start3A_194, %dma_start3A_195] : memref<10240x128xf32, #tpu.memory_space<hbm>> -> memref<10240x128xf32, #tpu.memory_space<hbm>>
        tpu.enqueue_indirect_dma source(%dma_start3A_196 : memref<10240x128xf32, #tpu.memory_space<hbm>>) target(%arg9 : memref<112x128xf32, #tpu.memory_space<vmem>>) offsets(%dma_start3A_193 : memref<112xi32, #tpu.memory_space<vmem>>) semaphore(%arg13 : memref<!tpu.dma_semaphore, #tpu.memory_space<semaphore_mem>>)
      } else {
      }
      "tpu.region"() ({
        %run_scoped3A_191 = tpu.sem_alloc : memref<!tpu.dma_semaphore, #tpu.memory_space<semaphore_mem>>
        %dma_start3A_192 = arith.constant 0 : i32
        %dma_start3A_193 = tpu.memref_slice %arg7[%add3A_177, %dma_start3A_192] : memref<18x112xi32, #tpu.memory_space<vmem>> -> memref<1x112xi32, #tpu.memory_space<vmem>>
        %dma_start3A_194 = tpu.memref_squeeze %dma_start3A_193 : memref<1x112xi32, #tpu.memory_space<vmem>> -> memref<112xi32, #tpu.memory_space<vmem>>
        %dma_start3A_195 = arith.constant 0 : i32
        %dma_start3A_196 = arith.constant 0 : i32
        %dma_start3A_197 = tpu.memref_slice %arg11[%dma_start3A_195, %dma_start3A_196] : memref<10240x128xf32, #tpu.memory_space<vmem_shared>> -> memref<10240x128xf32, #tpu.memory_space<vmem_shared>>
        tpu.enqueue_indirect_dma source(%arg10 : memref<112x128xf32, #tpu.memory_space<vmem>>) target(%dma_start3A_197 : memref<10240x128xf32, #tpu.memory_space<vmem_shared>>) offsets(%dma_start3A_194 : memref<112xi32, #tpu.memory_space<vmem>>) semaphore(%run_scoped3A_191 : memref<!tpu.dma_semaphore, #tpu.memory_space<semaphore_mem>>) {add = true}
        %dma_wait3A_198 = arith.constant 0 : i32
        %dma_wait3A_199 = tpu.memref_slice %arg7[%add3A_177, %dma_wait3A_198] : memref<18x112xi32, #tpu.memory_space<vmem>> -> memref<1x112xi32, #tpu.memory_space<vmem>>
        %dma_wait3A_200 = tpu.memref_squeeze %dma_wait3A_199 : memref<1x112xi32, #tpu.memory_space<vmem>> -> memref<112xi32, #tpu.memory_space<vmem>>
        %dma_wait3A_201 = arith.constant 0 : i32
        %dma_wait3A_202 = arith.constant 0 : i32
        %dma_wait3A_203 = tpu.memref_slice %arg11[%dma_wait3A_201, %dma_wait3A_202] : memref<10240x128xf32, #tpu.memory_space<vmem_shared>> -> memref<10240x128xf32, #tpu.memory_space<vmem_shared>>
        tpu.wait_indirect_dma semaphore(%run_scoped3A_191 : memref<!tpu.dma_semaphore, #tpu.memory_space<semaphore_mem>>) src(%arg10 : memref<112x128xf32, #tpu.memory_space<vmem>>) dst(%dma_wait3A_203 : memref<10240x128xf32, #tpu.memory_space<vmem_shared>>)
        tpu.yield
      }) : () -> ()
    }
    %scan3A_137 = arith.constant 6 : i32
    %barrier3A_138 = arith.constant 0 : index
    tpu.barrier barrier_id(%barrier3A_138)
    %mul3A_139 = arith.constant 640 : i32
    %mul3A_140 = arith.muli %arg1, %mul3A_139 : i32
    %mul3A_141 = arith.constant 640 : i32
    %mul3A_142 = arith.muli %arg1, %mul3A_141 : i32
    "tpu.region"() ({
      %run_scoped3A_143 = tpu.sem_alloc : memref<!tpu.dma_semaphore, #tpu.memory_space<semaphore_mem>>
      %dma_start3A_144 = arith.constant 0 : i32
      %dma_start3A_145 = tpu.memref_slice %arg5[%arg0, %mul3A_142, %dma_start3A_144] : memref<2x10240x128xf32, #tpu.memory_space<hbm>> -> memref<1x640x128xf32, #tpu.memory_space<hbm>>
      %dma_start3A_146 = tpu.memref_squeeze %dma_start3A_145 : memref<1x640x128xf32, #tpu.memory_space<hbm>> -> memref<640x128xf32, #tpu.memory_space<hbm>>
      %dma_start3A_147 = arith.constant 0 : i32
      %dma_start3A_148 = tpu.memref_slice %arg11[%mul3A_140, %dma_start3A_147] : memref<10240x128xf32, #tpu.memory_space<vmem_shared>> -> memref<640x128xf32, #tpu.memory_space<vmem_shared>>
      tpu.enqueue_dma source(%dma_start3A_148 : memref<640x128xf32, #tpu.memory_space<vmem_shared>>) target(%dma_start3A_146 : memref<640x128xf32, #tpu.memory_space<hbm>>) target_semaphore(%run_scoped3A_143 : memref<!tpu.dma_semaphore, #tpu.memory_space<semaphore_mem>>)
      %dma_wait3A = arith.constant 0 : i32
      %dma_wait3A_149 = tpu.memref_slice %arg5[%arg0, %mul3A_142, %dma_wait3A] : memref<2x10240x128xf32, #tpu.memory_space<hbm>> -> memref<1x640x128xf32, #tpu.memory_space<hbm>>
      %dma_wait3A_150 = tpu.memref_squeeze %dma_wait3A_149 : memref<1x640x128xf32, #tpu.memory_space<hbm>> -> memref<640x128xf32, #tpu.memory_space<hbm>>
      %dma_wait3A_151 = arith.constant 0 : i32
      %dma_wait3A_152 = tpu.memref_slice %arg11[%mul3A_140, %dma_wait3A_151] : memref<10240x128xf32, #tpu.memory_space<vmem_shared>> -> memref<640x128xf32, #tpu.memory_space<vmem_shared>>
      tpu.wait_dma2 semaphore(%run_scoped3A_143 : memref<!tpu.dma_semaphore, #tpu.memory_space<semaphore_mem>>) src(%dma_wait3A_152 : memref<640x128xf32, #tpu.memory_space<vmem_shared>>) dst(%dma_wait3A_150 : memref<640x128xf32, #tpu.memory_space<hbm>>)
      tpu.yield
    }) : () -> ()
    return
  }
}

module attributes {stable_mosaic.version = 14 : i64} {
  func.func @_lin_body(%arg0: i32, %arg1: memref<1024x128xf32, #tpu.memory_space<vmem>>, %arg2: memref<128x128xf32, #tpu.memory_space<vmem>>, %arg3: memref<2x1024x1xf32, #tpu.memory_space<vmem>>, %arg4: memref<1024x128xf32, #tpu.memory_space<vmem>>, %arg5: memref<1024x128xf32, #tpu.memory_space<vmem>>) attributes {dimension_semantics = [#tpu.dimension_semantics<arbitrary>], iteration_bounds = array<i64: 10>, scalar_prefetch = 0 : i64, scratch_operands = 0 : i64, tpu.core_type = #tpu.core_type<tc>, window_params = [{transform_indices = @transform_0, window_bounds = array<i64: 1024, 128>}, {pipeline_mode = #tpu.pipeline_mode<synchronous>, transform_indices = @transform_1, window_bounds = array<i64: 128, 128>}, {transform_indices = @transform_2, window_bounds = array<i64: 2, 1024, 1>}, {transform_indices = @transform_3, window_bounds = array<i64: 1024, 128>}, {transform_indices = @transform_4, window_bounds = array<i64: 1024, 128>}]} {
    %get3A = arith.constant 0 : index
    %get3A_0 = arith.constant 0 : index
    %get3A_1 = arith.constant 0 : index
    %get3A_2 = vector.load %arg3[%get3A, %get3A_0, %get3A_1] : memref<2x1024x1xf32, #tpu.memory_space<vmem>>, vector<1x1024x1xf32>
    %get3A_3 = vector.shape_cast %get3A_2 : vector<1x1024x1xf32> to vector<1024x1xf32>
    %get3A_4 = arith.constant 1 : index
    %get3A_5 = arith.constant 0 : index
    %get3A_6 = arith.constant 0 : index
    %get3A_7 = vector.load %arg3[%get3A_4, %get3A_5, %get3A_6] : memref<2x1024x1xf32, #tpu.memory_space<vmem>>, vector<1x1024x1xf32>
    %get3A_8 = vector.shape_cast %get3A_7 : vector<1x1024x1xf32> to vector<1024x1xf32>
    %add3A = arith.addf %get3A_3, %get3A_8 : vector<1024x1xf32>
    %add3A_9 = arith.constant 1.000000e+00 : f32
    %add3A_10 = vector.broadcast %add3A_9 : f32 to vector<1024x1xf32>
    %add3A_11 = arith.addf %add3A, %add3A_10 : vector<1024x1xf32>
    %get3A_12 = arith.constant 0 : index
    %get3A_13 = arith.constant 0 : index
    %get3A_14 = vector.load %arg1[%get3A_12, %get3A_13] : memref<1024x128xf32, #tpu.memory_space<vmem>>, vector<1024x128xf32>
    %get3A_15 = arith.constant 0 : index
    %get3A_16 = arith.constant 0 : index
    %get3A_17 = vector.load %arg2[%get3A_15, %get3A_16] : memref<128x128xf32, #tpu.memory_space<vmem>>, vector<128x128xf32>
    %dot_general3A = arith.constant dense<0.000000e+00> : vector<1024x128xf32>
    %dot_general3A_18 = tpu.matmul %get3A_14, %get3A_17, %dot_general3A {dimension_numbers = #tpu.dot_dimension_numbers<[1], [0], [0], [1], [0, 0, 1, 1], [], []>, transpose_lhs_hint = false} : vector<1024x128xf32>, vector<128x128xf32>, vector<1024x128xf32> -> vector<1024x128xf32>
    %swap3A = arith.constant 0 : index
    %swap3A_19 = arith.constant 0 : index
    %swap3A_20 = vector.load %arg4[%swap3A, %swap3A_19] : memref<1024x128xf32, #tpu.memory_space<vmem>>, vector<1024x128xf32>
    tpu.vector_store %arg4[%swap3A, %swap3A_19], %dot_general3A_18 {strides = array<i32>} : memref<1024x128xf32, #tpu.memory_space<vmem>>, vector<1024x128xf32>,
    %rsqrt3A = math.rsqrt %add3A_11 : vector<1024x1xf32>
    %mul3A = vector.broadcast %rsqrt3A : vector<1024x1xf32> to vector<1024x128xf32>
    %mul3A_21 = arith.mulf %mul3A, %dot_general3A_18 : vector<1024x128xf32>
    %swap3A_22 = arith.constant 0 : index
    %swap3A_23 = arith.constant 0 : index
    %swap3A_24 = vector.load %arg5[%swap3A_22, %swap3A_23] : memref<1024x128xf32, #tpu.memory_space<vmem>>, vector<1024x128xf32>
    tpu.vector_store %arg5[%swap3A_22, %swap3A_23], %mul3A_21 {strides = array<i32>} : memref<1024x128xf32, #tpu.memory_space<vmem>>, vector<1024x128xf32>,
    return
  }
  func.func @transform_0(%arg0: i32) -> (i32, i32) {
    %c0_i32 = arith.constant 0 : i32
    %c0_i32_0 = arith.constant 0 : i32
    return %arg0, %c0_i32 : i32, i32
  }
  func.func @transform_1(%arg0: i32) -> (i32, i32) {
    %c0_i32 = arith.constant 0 : i32
    %c0_i32_0 = arith.constant 0 : i32
    %c0_i32_1 = arith.constant 0 : i32
    return %c0_i32, %c0_i32_0 : i32, i32
  }
  func.func @transform_2(%arg0: i32) -> (i32, i32, i32) {
    %c0_i32 = arith.constant 0 : i32
    %c0_i32_0 = arith.constant 0 : i32
    %c0_i32_1 = arith.constant 0 : i32
    return %c0_i32, %arg0, %c0_i32_0 : i32, i32, i32
  }
  func.func @transform_3(%arg0: i32) -> (i32, i32) {
    %c0_i32 = arith.constant 0 : i32
    %c0_i32_0 = arith.constant 0 : i32
    return %arg0, %c0_i32 : i32, i32
  }
  func.func @transform_4(%arg0: i32) -> (i32, i32) {
    %c0_i32 = arith.constant 0 : i32
    %c0_i32_0 = arith.constant 0 : i32
    return %arg0, %c0_i32 : i32, i32
  }
}

module attributes {stable_mosaic.version = 14 : i64} {
  func.func @_comb_body(%arg0: i32, %arg1: memref<2x1024x128xf32, #tpu.memory_space<vmem>>, %arg2: memref<1024x128xf32, #tpu.memory_space<vmem>>, %arg3: memref<2x1024x1xf32, #tpu.memory_space<vmem>>, %arg4: memref<1x128xf32, #tpu.memory_space<vmem>>, %arg5: memref<1024x128xf32, #tpu.memory_space<vmem>>) attributes {dimension_semantics = [#tpu.dimension_semantics<arbitrary>], iteration_bounds = array<i64: 10>, scalar_prefetch = 0 : i64, scratch_operands = 0 : i64, tpu.core_type = #tpu.core_type<tc>, window_params = [{transform_indices = @transform_0, window_bounds = array<i64: 2, 1024, 128>}, {transform_indices = @transform_1, window_bounds = array<i64: 1024, 128>}, {transform_indices = @transform_2, window_bounds = array<i64: 2, 1024, 1>}, {pipeline_mode = #tpu.pipeline_mode<synchronous>, transform_indices = @transform_3, window_bounds = array<i64: 1, 128>}, {transform_indices = @transform_4, window_bounds = array<i64: 1024, 128>}]} {
    %get3A = arith.constant 0 : index
    %get3A_0 = arith.constant 0 : index
    %get3A_1 = arith.constant 0 : index
    %get3A_2 = vector.load %arg3[%get3A, %get3A_0, %get3A_1] : memref<2x1024x1xf32, #tpu.memory_space<vmem>>, vector<1x1024x1xf32>
    %get3A_3 = vector.shape_cast %get3A_2 : vector<1x1024x1xf32> to vector<1024x1xf32>
    %get3A_4 = arith.constant 1 : index
    %get3A_5 = arith.constant 0 : index
    %get3A_6 = arith.constant 0 : index
    %get3A_7 = vector.load %arg3[%get3A_4, %get3A_5, %get3A_6] : memref<2x1024x1xf32, #tpu.memory_space<vmem>>, vector<1x1024x1xf32>
    %get3A_8 = vector.shape_cast %get3A_7 : vector<1x1024x1xf32> to vector<1024x1xf32>
    %add3A = arith.addf %get3A_3, %get3A_8 : vector<1024x1xf32>
    %add3A_9 = arith.constant 1.000000e+00 : f32
    %add3A_10 = vector.broadcast %add3A_9 : f32 to vector<1024x1xf32>
    %add3A_11 = arith.addf %add3A, %add3A_10 : vector<1024x1xf32>
    %rsqrt3A = math.rsqrt %add3A_11 : vector<1024x1xf32>
    %get3A_12 = arith.constant 0 : index
    %get3A_13 = arith.constant 0 : index
    %get3A_14 = arith.constant 0 : index
    %get3A_15 = vector.load %arg1[%get3A_12, %get3A_13, %get3A_14] : memref<2x1024x128xf32, #tpu.memory_space<vmem>>, vector<1x1024x128xf32>
    %get3A_16 = vector.shape_cast %get3A_15 : vector<1x1024x128xf32> to vector<1024x128xf32>
    %get3A_17 = arith.constant 1 : index
    %get3A_18 = arith.constant 0 : index
    %get3A_19 = arith.constant 0 : index
    %get3A_20 = vector.load %arg1[%get3A_17, %get3A_18, %get3A_19] : memref<2x1024x128xf32, #tpu.memory_space<vmem>>, vector<1x1024x128xf32>
    %get3A_21 = vector.shape_cast %get3A_20 : vector<1x1024x128xf32> to vector<1024x128xf32>
    %add3A_22 = arith.addf %get3A_16, %get3A_21 : vector<1024x128xf32>
    %mul3A = vector.broadcast %rsqrt3A : vector<1024x1xf32> to vector<1024x128xf32>
    %mul3A_23 = arith.mulf %mul3A, %add3A_22 : vector<1024x128xf32>
    %mul3A_24 = arith.mulf %rsqrt3A, %rsqrt3A : vector<1024x1xf32>
    %get3A_25 = arith.constant 0 : index
    %get3A_26 = arith.constant 0 : index
    %get3A_27 = vector.load %arg2[%get3A_25, %get3A_26] : memref<1024x128xf32, #tpu.memory_space<vmem>>, vector<1024x128xf32>
    %mul3A_28 = vector.broadcast %mul3A_24 : vector<1024x1xf32> to vector<1024x128xf32>
    %mul3A_29 = arith.mulf %mul3A_28, %get3A_27 : vector<1024x128xf32>
    %add3A_30 = arith.addf %mul3A_23, %mul3A_29 : vector<1024x128xf32>
    %get3A_31 = arith.constant 0 : index
    %get3A_32 = arith.constant 0 : index
    %get3A_33 = vector.load %arg4[%get3A_31, %get3A_32] : memref<1x128xf32, #tpu.memory_space<vmem>>, vector<1x128xf32>
    %add3A_34 = vector.broadcast %get3A_33 : vector<1x128xf32> to vector<1024x128xf32>
    %add3A_35 = arith.addf %add3A_30, %add3A_34 : vector<1024x128xf32>
    %swap3A = arith.constant 0 : index
    %swap3A_36 = arith.constant 0 : index
    %swap3A_37 = vector.load %arg5[%swap3A, %swap3A_36] : memref<1024x128xf32, #tpu.memory_space<vmem>>, vector<1024x128xf32>
    tpu.vector_store %arg5[%swap3A, %swap3A_36], %add3A_35 {strides = array<i32>} : memref<1024x128xf32, #tpu.memory_space<vmem>>, vector<1024x128xf32>,
    return
  }
  func.func @transform_0(%arg0: i32) -> (i32, i32, i32) {
    %c0_i32 = arith.constant 0 : i32
    %c0_i32_0 = arith.constant 0 : i32
    %c0_i32_1 = arith.constant 0 : i32
    return %c0_i32, %arg0, %c0_i32_0 : i32, i32, i32
  }
  func.func @transform_1(%arg0: i32) -> (i32, i32) {
    %c0_i32 = arith.constant 0 : i32
    %c0_i32_0 = arith.constant 0 : i32
    return %arg0, %c0_i32 : i32, i32
  }
  func.func @transform_2(%arg0: i32) -> (i32, i32, i32) {
    %c0_i32 = arith.constant 0 : i32
    %c0_i32_0 = arith.constant 0 : i32
    %c0_i32_1 = arith.constant 0 : i32
    return %c0_i32, %arg0, %c0_i32_0 : i32, i32, i32
  }
  func.func @transform_3(%arg0: i32) -> (i32, i32) {
    %c0_i32 = arith.constant 0 : i32
    %c0_i32_0 = arith.constant 0 : i32
    %c0_i32_1 = arith.constant 0 : i32
    return %c0_i32, %c0_i32_0 : i32, i32
  }
  func.func @transform_4(%arg0: i32) -> (i32, i32) {
    %c0_i32 = arith.constant 0 : i32
    %c0_i32_0 = arith.constant 0 : i32
    return %arg0, %c0_i32 : i32, i32
  }
}

</mosaic_0001>

<sc_bundles>
// kernel: kernel.6.cloned.1.call-start
scs
__scs_entry_jumppad:
0x0: {  	(pc) =	sbr.rel $0x88, $3  }
0x1: {  	(tag) =	ssettag $0x0;
	lr =	simm.s32 $0x1  }
0x2: {  	[smem:$0x3F9D] =	sst lr;
	_ =	strace $0xD0000000  }
0x3: {  	_ = 	snop  }
0x4: {  	_ = 	snop  }
0x5: {  	_ = 	snop  }
0x6: {  	_ = 	snop  }
0x7: {  	_ = 	snop  }
__scs_overlays_trampoline_lowered:
0x8: {  	[smem:$0x3FAC] =	sst s0  }
0x9: {  	[smem:$0x3FAD] =	sst s1  }
0xa: {  	[smem:$0x3FAE] =	sst s2  }
0xb: {  	[smem:$0x3FAF] =	sst s3  }
0xc: {  	[smem:$0x3FB0] =	sst s4  }
0xd: {  	[smem:$0x3FB1] =	sst s5  }
0xe: {  	[smem:$0x3FB2] =	sst s6  }
0xf: {  	[smem:$0x3FB3] =	sst s7  }
0x10: {  	[smem:$0x3FB4] =	sst s8  }
0x11: {  	[smem:$0x3FB5] =	sst s9;
	s0 =	simm.s32 @!p0 $0x0  }
0x12: {  	s1 =	sld [smem:$0x3F9B];
	s0 =	simm.s32 @p0 $0x1  }
0x13: {  	[smem:$0x3FB6] =	sst s0;
	s0 =	simm.s32 @!p1 $0x0  }
0x14: {  	s2 =	sld [smem:$0x3F9A];
	s0 =	simm.s32 @p1 $0x1  }
0x15: {  	[smem:$0x3FB7] =	sst s0;
	s0 =	simm.s32 @!p2 $0x0  }
0x16: {  	s3 =	sld [smem:$0x3FDB];
	s0 =	simm.s32 @p2 $0x1  }
0x17: {  	s4 =	simm.s32 $0x1BF5;
	[smem:$0x3FB9] =	sst s0  }
0x18: {  	s0 =	sld [smem:$0x3F9C];
	_ =	swait.ge [sflag:s4], $0x0  }
0x19: {  	s7 =	sld [smem:$0x3F9D]  }
0x1a: {  	s8 =	sadd.s32 $0xFFFFE003, lr  }
0x1b: {  	s9 =	sadd.s32 $0xFFFFFEF7, lr;
	s5 =	simm.s32 $0xFFFFFFFF;
	p2 =	slt.u32 s8, $0xFFFFF086  }
0x1c: {  	p1 =	slt.u32 s9, $0xF7A;
	s5 =	simm.s32 @!p2 $0x0  }
0x1d: {  	s5 =	simm.s32 @p1 $0x1;
	p0 =	seq.s32 s7, s2  }
0x1e: {  	s7 =	smul.u32 @!p0 $0xF7A, s2;
	p2 =	seq.s32 @!p0 s5, $0x0  }
0x1f: {  	s9 =	smul.u32 $0xF7A, s1;
	s8 =	simm.s32 @!p0 $0x1BF5;
	p2 =	por !p2, p0  }
0x20: {  	[sflag:s8] =	ssyncset.s32 @!p0 $0xFFFFF086;
	s6 =	sadd.s32 @!p0 s3, s7;
	s7 =	simm.s32 @!p0 $0x108  }
0x21: {  	s3 =	sadd.s32 s3, s9;
	s6 =	sadd.s32 @!p0 $0x88, s6;
	s7 =	simm.s32 @p2 $0x1082  }
0x22: {  	[simem:s7], [sflag:s8] =	dma.local @!p0 [hbm:s6], $0xF7A  }
0x23: {  	s9 =	sor.u32 $0xD0000000, s2;
	s6 =	simm.s32 $0x108;
	_ =	swait.ge @!p0 [sflag:s8], $0x0  }
0x24: {  	s3 =	sadd.s32 $0x88, s3;
	s6 =	simm.s32 @!p1 $0x1082;
	[sflag:s4] =	ssyncset.s32 $0xFFFFF086  }
0x25: {  	[simem:s6], [sflag:s4] =	dma.local [hbm:s3], $0xF7A  }
0x26: {  	[smem:$0x3F9D] =	sst s1;
	(tag) =	ssettag s2;
	_ =	strace s9  }
0x27: {  	s1 =	sld [smem:$0x3FAD]  }
0x28: {  	s2 =	sld [smem:$0x3FAE]  }
0x29: {  	s4 =	sld [smem:$0x3FB0]  }
0x2a: {  	p0 =	seq.s32 s5, $0x0;
	s5 =	sld [smem:$0x3FB1]  }
0x2b: {  	s6 =	sld [smem:$0x3FB2]  }
0x2c: {  	s7 =	sld [smem:$0x3FB3]  }
0x2d: {  	s3 =	simm.s32 $0x108;
	s8 =	sld [smem:$0x3FB4]  }
0x2e: {  	s3 =	simm.s32 @!p0 $0x1082;
	s9 =	sld [smem:$0x3FB5]  }
0x2f: {  	lr =	sadd.s32 s0, s3;
	s0 =	sld [smem:$0x3FAC]  }
0x30: {  	s3 =	sld [smem:$0x3FAF]  }
0x31: {  	[smem:$0x3FB8] =	sst s10  }
0x32: {  	s10 =	sld [smem:$0x3FB6];
	_ =	sdelay $0x3  }
0x33: {  	p0 =	seq.s32 s10, $0x1;
	s10 =	sld [smem:$0x3FB8];
	_ =	sdelay $0x3  }
0x34: {  	[smem:$0x3FB8] =	sst s10  }
0x35: {  	s10 =	sld [smem:$0x3FB7];
	_ =	sdelay $0x3  }
0x36: {  	p1 =	seq.s32 s10, $0x1;
	s10 =	sld [smem:$0x3FB8];
	_ =	sdelay $0x3  }
0x37: {  	[smem:$0x3FB8] =	sst s10  }
0x38: {  	s10 =	sld [smem:$0x3FB9]  }
0x39: {  	_ = 	snop;
	(pc) =	sbr.ind lr, $3  }
0x3a: {  	_ = 	snop  }
0x3b: {  	_ = 	snop  }
0x3c: {  	p2 =	seq.s32 s10, $0x1;
	s10 =	sld [smem:$0x3FB8]  }
0x3d: {  	_ =	shalt  }
0x3e: {  	_ =	shalt  }
0x3f: {  	_ =	shalt  }
0x40: {  	_ =	shalt  }
0x41: {  	_ =	shalt  }
0x42: {  	_ =	shalt  }
0x43: {  	_ =	shalt  }
0x44: {  	_ =	shalt  }
0x45: {  	_ =	shalt  }
0x46: {  	_ =	shalt  }
0x47: {  	_ =	shalt  }
0x48: {  	_ =	shalt  }
0x49: {  	_ =	shalt  }
0x4a: {  	_ =	shalt  }
0x4b: {  	_ =	shalt  }
0x4c: {  	_ =	shalt  }
0x4d: {  	_ =	shalt  }
0x4e: {  	_ =	shalt  }
0x4f: {  	_ =	shalt  }
0x50: {  	_ =	shalt  }
0x51: {  	_ =	shalt  }
0x52: {  	_ =	shalt  }
0x53: {  	_ =	shalt  }
0x54: {  	_ =	shalt  }
0x55: {  	_ =	shalt  }
0x56: {  	_ =	shalt  }
0x57: {  	_ =	shalt  }
0x58: {  	_ =	shalt  }
0x59: {  	_ =	shalt  }
0x5a: {  	_ =	shalt  }
0x5b: {  	_ =	shalt  }
0x5c: {  	_ =	shalt  }
0x5d: {  	_ =	shalt  }
0x5e: {  	_ =	shalt  }
0x5f: {  	_ =	shalt  }
0x60: {  	_ =	shalt  }
0x61: {  	_ =	shalt  }
0x62: {  	_ =	shalt  }
0x63: {  	_ =	shalt  }
0x64: {  	_ =	shalt  }
0x65: {  	_ =	shalt  }
0x66: {  	_ =	shalt  }
0x67: {  	_ =	shalt  }
0x68: {  	_ =	shalt  }
0x69: {  	_ =	shalt  }
0x6a: {  	_ =	shalt  }
0x6b: {  	_ =	shalt  }
0x6c: {  	_ =	shalt  }
0x6d: {  	_ =	shalt  }
0x6e: {  	_ =	shalt  }
0x6f: {  	_ =	shalt  }
0x70: {  	_ =	shalt  }
0x71: {  	_ =	shalt  }
0x72: {  	_ =	shalt  }
0x73: {  	_ =	shalt  }
0x74: {  	_ =	shalt  }
0x75: {  	_ =	shalt  }
0x76: {  	_ =	shalt  }
0x77: {  	_ =	shalt  }
0x78: {  	_ =	shalt  }
0x79: {  	_ =	shalt  }
0x7a: {  	_ =	shalt  }
0x7b: {  	_ =	shalt  }
0x7c: {  	_ =	shalt  }
0x7d: {  	_ =	shalt  }
0x7e: {  	_ =	shalt  }
0x7f: {  	_ =	shalt  }
0x80: {  	_ =	shalt  }
0x81: {  	_ =	shalt  }
0x82: {  	_ =	shalt  }
0x83: {  	_ =	shalt  }
0x84: {  	_ =	shalt  }
0x85: {  	_ =	shalt  }
0x86: {  	_ =	shalt  }
0x87: {  	_ =	shalt  }
.Lfunc_end0:
.L_simem_size_0:
called_computation_lowered:
.L_overlay_start_0:
0x88: {  	s2 =	sld [smem:$0x3FD9]  }
0x89: {  	s3 =	sld [smem:$0x3FFE];
	_ =	sdelay $0x1  }
0x8a: {  	s1 =	srdreg.scid  }
0x8b: {  	s0 =	sand.u32 $0x1, s1  }
0x8c: {  	s16 =	sshll.u32 s0, $0xA;
	s2 =	sadd.s32 s3, s2  }
0x8d: {  	s2 =	sadd.s32 s2, s16  }
0x8e: {  	[smem:$0x3FC4] =	sst s2  }
0x8f: {  	_ = 	snop  }
0x90: {  	(tm) =	ssettm $0x1  }
0x91: {  	s17 =	sld [smem:$0x3FFB];
	_ =	sdelay $0x3  }
0x92: {  	_ =	strace s17  }
0x93: {  	s2 =	sld [smem:$0x3FFC];
	_ =	sdelay $0x3  }
0x94: {  	_ =	strace s2  }
0x95: {  	s2 =	sld [smem:$0x3FFD];
	_ =	sdelay $0x3  }
0x96: {  	_ =	strace s2  }
0x97: {  	_ =	strace $0x8FFFFFFF  }
0x98: {  	s18 =	sld [smem:$0x3FDB];
	_ =	sdelay $0x1  }
0x99: {  	s19 =	simm.s32 $_scs_section_size  }
0x9a: {  	s4 =	simm.s32 $_size__tile_overlayer_lowered;
	s5 =	simm.s32 $_tile_overlayer_lowered  }
0x9b: {  	s22 =	simm.s32 $0x1BFF;
	s21 =	sshll.u32 s5, $0x1;
	s2 =	sadd.s32 s19, s18  }
0x9c: {  	s6 =	simm.s32 $0x0;
	s20 =	sshll.u32 s4, $0x1;
	s4 =	sadd.s32 s21, s2  }
0x9d: {  	[timem:s6], [sflag:s22] =	dma.local [hbm:s4], s20  }
0x9e: {  	_ =	swait.ge [sflag:s22], s20  }
0x9f: {  	s3 =	ssub.s32 $0x0, s20;
	[sflag:s22] =	ssyncset.done $0x0  }
0xa0: {  	[sflag:s22] =	ssyncadd.s32 s3;
	_ =	sdelay $0x1  }
0xa1: {  	s23 =	simm.s32 $0x1B8B  }
0xa2: {  	_ =	swait.ge [sflag:s23], $0x1  }
0xa3: {  	[sflag:s23] =	ssyncset.done $0x0  }
0xa4: {  	s25 =	simm.s32 $0x1B8E;
	s24 =	sld [smem:$0x3FFE];
	[sflag:s23] =	ssyncadd.s32 $0xFFFFFFFF  }
0xa5: {  	s26 =	simm.s32 $execute0_lowered;
	[smem:$0x3FD2] =	sst s25  }
0xa6: {  	s4 =	sshll.u32 s26, $0x1;
	_ =	strace $0x80000046;
	[dreg:$0x1] =	wrdreg $0xFFFFFFFF  }
0xa7: {  	s28 =	simm.s32 $_size_execute0_lowered;
	s2 =	sadd.s32 s2, s4;
	[dreg:$0x0] =	wrdreg $0x0  }
0xa8: {  	s4 =	sshll.u32 s28, $0x1;
	[dreg:$0x2] =	wrdreg s2  }
0xa9: {  	[dreg:$0x3] =	wrdreg s4  }
0xaa: {  	[dreg:$0x4] =	wrdreg $0xC0  }
0xab: {  	_ =	task [dreg:s6], $0x5FFFF  }
0xac: {  	[dreg:$0x1] =	wrdreg $0xFFFFFFFF  }
0xad: {  	[dreg:$0x0] =	wrdreg $0x60  }
0xae: {  	[dreg:$0x2] =	wrdreg s24  }
0xaf: {  	[dreg:$0x3] =	wrdreg $0x2B000  }
0xb0: {  	[dreg:$0x4] =	wrdreg $0x9  }
0xb1: {  	_ =	task.clear_ibuf [dreg:s6], $0x5FFFF;
	_ =	strace $0x90000046  }
0xb2: {  	s29 =	simm.s32 $0x9;
	_ =	strace $0x80000048  }
0xb3: {  	_ =	swait.ge [sflag:s29], $0x1  }
0xb4: {  	[sflag:s29] =	ssyncadd.s32 $0xFFFFFFFF  }
0xb5: {  	_ =	strace $0x90000048  }
0xb6: {  	_ =	sfence  }
0xb7: {  	s30 =	sld [smem:$0x0];
	_ =	sdelay $0x2  }
0xb8: {  	s31 =	sshll.u32 s1, $0xD;
	s1 =	sshrl.u32 s1, $0x2  }
0xb9: {  	s3 =	sand.u32 $0x4000, s31;
	s1 =	sadd.s32 s1, s30  }
0xba: {  	s0 =	sor.u32 s3, s0;
	s1 =	sshll.u32 s1, $0x11  }
0xbb: {  	s0 =	sor.u32 s1, s0  }
0xbc: {  	s0 =	sadd.s32 $0x8F2B, s0  }
0xbd: {  	[sflag:s0] =	ssyncadd.remote.s32 $0x1  }
0xbe: {  	_ =	sfence.sel $0xFFFF  }
0xbf: {  	[dreg:$0x0] =	wrdreg $0xFFFFFFFF;
	(pc) =	sbr.abs _section_cstart, $3  }
0xc0: {  	[dreg:$0x1] =	wrdreg $0xFFFFFFFF  }
0xc1: {  	_ =	task.clear_ibuf [dreg:s6], $0x2FFFF;
	_ =	strace $0x9FFFFFFF  }
0xc2: {  	(tm) =	ssettm $0x7FFFFFFF  }
0xc3: {  	_ =	shalt  }
tec
execute0_lowered:
.L_overlay_start_1:
0x0: {  	(tag) =	ssettag $0x1  }
0x1: {  	s4 =	rddreg [dreg:$0x0]  }
0x2: {  	s1 =	rddreg [dreg:$0x1]  }
0x3: {  	s2 =	srdreg.scid;
	s0 =	rddreg [dreg:$0x2];
	s3 =	simm.s32 $0x0  }
0x4: {  	s10 =	simm.s32 $0x80;
	s11 =	simm.s32 $0x2800;
	s12 =	simm.s32 $0x1  }
0x5: {  	s15 =	simm.s32 $0x20;
	s16 =	simm.s32 $0x10;
	s17 =	simm.s32 $0x0  }
0x6: {  	s5 =	sand.u32 $0x1, s2;
	s2 =	stileid.u32;
	[smem:$0x7FF] =	sst s3  }
0x7: {  	s6 =	sshll.u32 s5, $0x4;
	s7 =	smul.u32 $0x500, s2;
	_ =	strace $0x80000047  }
0x8: {  	s8 =	sshll.u32 s5, $0x7;
	s5 =	ssub.s32 $0x2, s5;
	s30 =	smul.u32 $0xA00, s2  }
0x9: {  	s13 =	sshll.u32 s2, $0x6;
	s6 =	sor.u32 s2, s6;
	s9 =	sshrl.u32 s5, $0x1  }
0xa: {  	s13 =	sor.u32 $0x1C02, s13;
	s6 =	smul.u32 $0x500, s6;
	s7 =	sor.u32 s8, s7  }
0xb: {  	s9 =	ssub.s32 s5, s9;
	s31 =	sshrl.u32 s30, $0x2;
	s7 =	sshrl.u32 s7, $0x3  }
0xc: {  	s8 =	simm.s32 $0x2880;
	s6 =	sadd.s32 s6, s4;
	s7 =	sadd.s32 s7, s4  }
0xd: {  	s4 =	sadd.s32 s31, s1;
	s5 =	sadd.s32 $0x1400, s6;
	s6 =	sadd.s32 $0xB400, s7  }
0xe: {  	v0 =	vimm.f32 $1.000000000e+00;
	v1 =	vimm.f32 $0.0e+00;
	s7 =	smax.u32 s9, $0x1;
	s9 =	simm.s32 $0x2;
	s14 =	sshrl.u32 s4, $0x3  }
.LBB2_1:
0xf: {  	[tilespmem:$0x2800] =	vst v0  }
0x10: {  	[tilespmem:$0x2810] =	vst v0  }
0x11: {  	[tilespmem:$0x2820] =	vst v0  }
0x12: {  	[tilespmem:$0x2830] =	vst v0  }
0x13: {  	[tilespmem:$0x2840] =	vst v0  }
0x14: {  	[tilespmem:$0x2850] =	vst v0  }
0x15: {  	[tilespmem:$0x2860] =	vst v0  }
0x16: {  	[tilespmem:$0x2870] =	vst v0  }
0x17: {  	[tilespmem:$0x2880] =	vst v1  }
0x18: {  	[tilespmem:$0x2890] =	vst v1  }
0x19: {  	[tilespmem:$0x28A0] =	vst v1  }
0x1a: {  	[tilespmem:$0x28B0] =	vst v1  }
0x1b: {  	[tilespmem:$0x28C0] =	vst v1  }
0x1c: {  	[tilespmem:$0x28D0] =	vst v1  }
0x1d: {  	[tilespmem:$0x28E0] =	vst v1  }
0x1e: {  	[tilespmem:$0x28F0] =	vst v1  }
0x1f: {  	[tilespmem:$0x2900] =	vst v1  }
0x20: {  	[tilespmem:$0x2910] =	vst v1  }
0x21: {  	[tilespmem:$0x2920] =	vst v1  }
0x22: {  	[tilespmem:$0x2930] =	vst v1  }
0x23: {  	[tilespmem:$0x2940] =	vst v1  }
0x24: {  	[tilespmem:$0x2950] =	vst v1  }
0x25: {  	[tilespmem:$0x2960] =	vst v1  }
0x26: {  	[tilespmem:$0x2970] =	vst v1  }
0x27: {  	[tilespmem:$0x2980] =	vst v1  }
0x28: {  	[tilespmem:$0x2990] =	vst v1  }
0x29: {  	[tilespmem:$0x29A0] =	vst v1  }
0x2a: {  	[tilespmem:$0x29B0] =	vst v1  }
0x2b: {  	[tilespmem:$0x29C0] =	vst v1  }
0x2c: {  	[tilespmem:$0x29D0] =	vst v1  }
0x2d: {  	[tilespmem:$0x29E0] =	vst v1  }
0x2e: {  	[tilespmem:$0x29F0] =	vst v1  }
0x2f: {  	[tilespmem:$0x2A00] =	vst v1  }
0x30: {  	[tilespmem:$0x2A10] =	vst v1  }
0x31: {  	[tilespmem:$0x2A20] =	vst v1  }
0x32: {  	[tilespmem:$0x2A30] =	vst v1  }
0x33: {  	[tilespmem:$0x2A40] =	vst v1  }
0x34: {  	[tilespmem:$0x2A50] =	vst v1  }
0x35: {  	[tilespmem:$0x2A60] =	vst v1  }
0x36: {  	[tilespmem:$0x2A70] =	vst v1  }
0x37: {  	[tilespmem:$0x2A80] =	vst v1  }
0x38: {  	[tilespmem:$0x2A90] =	vst v1  }
0x39: {  	[tilespmem:$0x2AA0] =	vst v1  }
0x3a: {  	[tilespmem:$0x2AB0] =	vst v1  }
0x3b: {  	[tilespmem:$0x2AC0] =	vst v1  }
0x3c: {  	[tilespmem:$0x2AD0] =	vst v1  }
0x3d: {  	[tilespmem:$0x2AE0] =	vst v1  }
0x3e: {  	[tilespmem:$0x2AF0] =	vst v1  }
0x3f: {  	[spmem:s4] =	stream.linear.scatter [tilespmem:s8], [sflag:$0x2], $0x280, $0x38;
	[tilespmem:$0x2D80] =	vst v63  }
0x40: {  	_ =	swait.ge [sflag:s9], $0x280  }
0x41: {  	[sflag:s9] =	ssyncset.done $0x0  }
0x42: {  	[sflag:s9] =	ssyncadd.s32 $0xFFFFFD80  }
0x43: {  	[tilespmem:s3], [sflag:$0x2] =	stream.linear.gather [hbm4b:s5+s3], $0x2800, $0x38;
	[tilespmem:$0x2D80] =	vst v63  }
0x44: {  	_ =	swait.ge [sflag:s9], $0x2800  }
0x45: {  	[sflag:s9] =	ssyncset.done $0x0  }
0x46: {  	[sflag:s9] =	ssyncadd.s32 $0xFFFFD800  }
0x47: {  	s18 =	simm.s32 $0x0;
	[bflag:$0x0] =	sbarrier.arrive $0xFFFF  }
0x48: {  	[spmem:s1] =	stream.indirect.scatter.add.f32 [tilespmem:s11], [sflag:$0x1], $0x1, s18, s10, $0xb8;
	[tilespmem:$0x2D80] =	vst v63  }
0x49: {  	s24 =	simm.s32 $0x80  }
0x4a: {  	[spmem:s1] =	stream.indirect.scatter.add.f32 [tilespmem:s11], [sflag:$0x1], $0x1, s24, s10, $0xb8;
	[tilespmem:$0x2D80] =	vst v63  }
0x4b: {  	s25 =	simm.s32 $0x100  }
0x4c: {  	[spmem:s1] =	stream.indirect.scatter.add.f32 [tilespmem:s11], [sflag:$0x1], $0x1, s25, s10, $0xb8;
	[tilespmem:$0x2D80] =	vst v63  }
0x4d: {  	s26 =	simm.s32 $0x180  }
0x4e: {  	[spmem:s1] =	stream.indirect.scatter.add.f32 [tilespmem:s11], [sflag:$0x1], $0x1, s26, s10, $0xb8;
	[tilespmem:$0x2D80] =	vst v63  }
0x4f: {  	s28 =	simm.s32 $0x200  }
0x50: {  	[spmem:s1] =	stream.indirect.scatter.add.f32 [tilespmem:s11], [sflag:$0x1], $0x1, s28, s10, $0xb8;
	[tilespmem:$0x2D80] =	vst v63  }
0x51: {  	s29 =	simm.s32 $0x280  }
0x52: {  	[spmem:s1] =	stream.indirect.scatter.add.f32 [tilespmem:s11], [sflag:$0x1], $0x1, s29, s10, $0xb8;
	[tilespmem:$0x2D80] =	vst v63  }
0x53: {  	s30 =	simm.s32 $0x300  }
0x54: {  	[spmem:s1] =	stream.indirect.scatter.add.f32 [tilespmem:s11], [sflag:$0x1], $0x1, s30, s10, $0xb8;
	[tilespmem:$0x2D80] =	vst v63  }
0x55: {  	s31 =	simm.s32 $0x380  }
0x56: {  	[spmem:s1] =	stream.indirect.scatter.add.f32 [tilespmem:s11], [sflag:$0x1], $0x1, s31, s10, $0xb8;
	[tilespmem:$0x2D80] =	vst v63  }
0x57: {  	_ =	swait.ge [sflag:s12], $0x80  }
0x58: {  	[sflag:s12] =	ssyncset.done $0x0  }
0x59: {  	[sflag:s12] =	ssyncadd.s32 $0xFFFFFF80  }
0x5a: {  	_ =	swait.ge [sflag:s12], $0x80  }
0x5b: {  	[sflag:s12] =	ssyncset.done $0x0  }
0x5c: {  	[sflag:s12] =	ssyncadd.s32 $0xFFFFFF80  }
0x5d: {  	_ =	swait.ge [sflag:s12], $0x80  }
0x5e: {  	[sflag:s12] =	ssyncset.done $0x0  }
0x5f: {  	[sflag:s12] =	ssyncadd.s32 $0xFFFFFF80  }
0x60: {  	_ =	swait.ge [sflag:s12], $0x80  }
0x61: {  	[sflag:s12] =	ssyncset.done $0x0  }
0x62: {  	[sflag:s12] =	ssyncadd.s32 $0xFFFFFF80  }
0x63: {  	_ =	swait.ge [sflag:s12], $0x80  }
0x64: {  	[sflag:s12] =	ssyncset.done $0x0  }
0x65: {  	[sflag:s12] =	ssyncadd.s32 $0xFFFFFF80  }
0x66: {  	_ =	swait.ge [sflag:s12], $0x80  }
0x67: {  	[sflag:s12] =	ssyncset.done $0x0  }
0x68: {  	[sflag:s12] =	ssyncadd.s32 $0xFFFFFF80  }
0x69: {  	_ =	swait.ge [sflag:s12], $0x80  }
0x6a: {  	[sflag:s12] =	ssyncset.done $0x0  }
0x6b: {  	[sflag:s12] =	ssyncadd.s32 $0xFFFFFF80  }
0x6c: {  	_ =	swait.ge [sflag:s12], $0x80  }
0x6d: {  	s20 =	simm.s32 $0x2000;
	s18 =	simm.s32 $0x1000;
	[sflag:s12] =	ssyncset.done $0x0  }
.LBB2_2:
0x6e: {  	s21 =	sshra.s32 s18, $0x2  }
0x6f: {  	[sflag:s12] =	ssyncadd.s32 $0xFFFFFF80;
	s18 =	smov.u32 s20;
	s19 =	sadd.s32 $0x1000, s20  }
0x70: {  	[spmem:s1] =	stream.indirect.scatter.add.f32 [tilespmem:s11], [sflag:$0x1], $0x1, s21, s10, $0xb8;
	[tilespmem:$0x2D80] =	vst v63  }
0x71: {  	p0 =	sne.s32 s20, $0x9000;
	s20 =	sadd.s32 $0x80, s21  }
0x72: {  	[spmem:s1] =	stream.indirect.scatter.add.f32 [tilespmem:s11], [sflag:$0x1], $0x1, s20, s10, $0xb8;
	[tilespmem:$0x2D80] =	vst v63  }
0x73: {  	s20 =	sadd.s32 $0x100, s21  }
0x74: {  	[spmem:s1] =	stream.indirect.scatter.add.f32 [tilespmem:s11], [sflag:$0x1], $0x1, s20, s10, $0xb8;
	[tilespmem:$0x2D80] =	vst v63  }
0x75: {  	s20 =	sadd.s32 $0x180, s21  }
0x76: {  	[spmem:s1] =	stream.indirect.scatter.add.f32 [tilespmem:s11], [sflag:$0x1], $0x1, s20, s10, $0xb8;
	[tilespmem:$0x2D80] =	vst v63  }
0x77: {  	s20 =	sadd.s32 $0x200, s21  }
0x78: {  	[spmem:s1] =	stream.indirect.scatter.add.f32 [tilespmem:s11], [sflag:$0x1], $0x1, s20, s10, $0xb8;
	[tilespmem:$0x2D80] =	vst v63  }
0x79: {  	s20 =	sadd.s32 $0x280, s21  }
0x7a: {  	[spmem:s1] =	stream.indirect.scatter.add.f32 [tilespmem:s11], [sflag:$0x1], $0x1, s20, s10, $0xb8;
	[tilespmem:$0x2D80] =	vst v63  }
0x7b: {  	s20 =	sadd.s32 $0x300, s21  }
0x7c: {  	[spmem:s1] =	stream.indirect.scatter.add.f32 [tilespmem:s11], [sflag:$0x1], $0x1, s20, s10, $0xb8;
	[tilespmem:$0x2D80] =	vst v63  }
0x7d: {  	s20 =	sadd.s32 $0x380, s21  }
0x7e: {  	[spmem:s1] =	stream.indirect.scatter.add.f32 [tilespmem:s11], [sflag:$0x1], $0x1, s20, s10, $0xb8;
	[tilespmem:$0x2D80] =	vst v63  }
0x7f: {  	_ =	swait.ge [sflag:s12], $0x80  }
0x80: {  	[sflag:s12] =	ssyncset.done $0x0  }
0x81: {  	[sflag:s12] =	ssyncadd.s32 $0xFFFFFF80  }
0x82: {  	_ =	swait.ge [sflag:s12], $0x80  }
0x83: {  	[sflag:s12] =	ssyncset.done $0x0  }
0x84: {  	[sflag:s12] =	ssyncadd.s32 $0xFFFFFF80  }
0x85: {  	_ =	swait.ge [sflag:s12], $0x80  }
0x86: {  	[sflag:s12] =	ssyncset.done $0x0  }
0x87: {  	[sflag:s12] =	ssyncadd.s32 $0xFFFFFF80  }
0x88: {  	_ =	swait.ge [sflag:s12], $0x80  }
0x89: {  	[sflag:s12] =	ssyncset.done $0x0  }
0x8a: {  	[sflag:s12] =	ssyncadd.s32 $0xFFFFFF80  }
0x8b: {  	_ =	swait.ge [sflag:s12], $0x80  }
0x8c: {  	[sflag:s12] =	ssyncset.done $0x0  }
0x8d: {  	[sflag:s12] =	ssyncadd.s32 $0xFFFFFF80  }
0x8e: {  	_ =	swait.ge [sflag:s12], $0x80  }
0x8f: {  	[sflag:s12] =	ssyncset.done $0x0  }
0x90: {  	[sflag:s12] =	ssyncadd.s32 $0xFFFFFF80  }
.Ltmp0:
0x91: {  	_ =	swait.ge [sflag:s12], $0x80;
	(pc) =	sbr.rel @p0 .LBB2_2-.Ltmp0, $4  }
0x92: {  	[sflag:s12] =	ssyncset.done $0x0  }
0x93: {  	[sflag:s12] =	ssyncadd.s32 $0xFFFFFF80  }
0x94: {  	_ =	swait.ge [sflag:s12], $0x80  }
0x95: {  	s20 =	smov.u32 s19;
	[sflag:s12] =	ssyncset.done $0x0  }
0x96: {  	s18 =	sshra.s32 s18, $0x2;
	[sflag:s12] =	ssyncadd.s32 $0xFFFFFF80  }
0x97: {  	[spmem:s1] =	stream.indirect.scatter.add.f32 [tilespmem:s11], [sflag:$0x1], $0x1, s18, s10, $0xb8;
	[tilespmem:$0x2D80] =	vst v63  }
0x98: {  	s19 =	sadd.s32 $0x80, s18  }
0x99: {  	[spmem:s1] =	stream.indirect.scatter.add.f32 [tilespmem:s11], [sflag:$0x1], $0x1, s19, s10, $0xb8;
	[tilespmem:$0x2D80] =	vst v63  }
0x9a: {  	s26 =	sadd.s32 $0x100, s18  }
0x9b: {  	[spmem:s1] =	stream.indirect.scatter.add.f32 [tilespmem:s11], [sflag:$0x1], $0x1, s26, s10, $0xb8;
	[tilespmem:$0x2D80] =	vst v63  }
0x9c: {  	s28 =	sadd.s32 $0x180, s18  }
0x9d: {  	[spmem:s1] =	stream.indirect.scatter.add.f32 [tilespmem:s11], [sflag:$0x1], $0x1, s28, s10, $0xb8;
	[tilespmem:$0x2D80] =	vst v63  }
0x9e: {  	s29 =	sadd.s32 $0x200, s18  }
0x9f: {  	[spmem:s1] =	stream.indirect.scatter.add.f32 [tilespmem:s11], [sflag:$0x1], $0x1, s29, s10, $0xb8;
	[tilespmem:$0x2D80] =	vst v63  }
0xa0: {  	s30 =	sadd.s32 $0x280, s18  }
0xa1: {  	[spmem:s1] =	stream.indirect.scatter.add.f32 [tilespmem:s11], [sflag:$0x1], $0x1, s30, s10, $0xb8;
	[tilespmem:$0x2D80] =	vst v63  }
0xa2: {  	s31 =	sadd.s32 $0x300, s18  }
0xa3: {  	[spmem:s1] =	stream.indirect.scatter.add.f32 [tilespmem:s11], [sflag:$0x1], $0x1, s31, s10, $0xb8;
	[tilespmem:$0x2D80] =	vst v63  }
0xa4: {  	s18 =	sadd.s32 $0x380, s18  }
0xa5: {  	[spmem:s1] =	stream.indirect.scatter.add.f32 [tilespmem:s11], [sflag:$0x1], $0x1, s18, s10, $0xb8;
	[tilespmem:$0x2D80] =	vst v63  }
0xa6: {  	_ =	swait.ge [sflag:s12], $0x80  }
0xa7: {  	[sflag:s12] =	ssyncset.done $0x0  }
0xa8: {  	[sflag:s12] =	ssyncadd.s32 $0xFFFFFF80  }
0xa9: {  	_ =	swait.ge [sflag:s12], $0x80  }
0xaa: {  	[sflag:s12] =	ssyncset.done $0x0  }
0xab: {  	[sflag:s12] =	ssyncadd.s32 $0xFFFFFF80  }
0xac: {  	_ =	swait.ge [sflag:s12], $0x80  }
0xad: {  	[sflag:s12] =	ssyncset.done $0x0  }
0xae: {  	[sflag:s12] =	ssyncadd.s32 $0xFFFFFF80  }
0xaf: {  	_ =	swait.ge [sflag:s12], $0x80  }
0xb0: {  	[sflag:s12] =	ssyncset.done $0x0  }
0xb1: {  	[sflag:s12] =	ssyncadd.s32 $0xFFFFFF80  }
0xb2: {  	_ =	swait.ge [sflag:s12], $0x80  }
0xb3: {  	[sflag:s12] =	ssyncset.done $0x0  }
0xb4: {  	[sflag:s12] =	ssyncadd.s32 $0xFFFFFF80  }
0xb5: {  	_ =	swait.ge [sflag:s12], $0x80  }
0xb6: {  	[sflag:s12] =	ssyncset.done $0x0  }
0xb7: {  	[sflag:s12] =	ssyncadd.s32 $0xFFFFFF80  }
0xb8: {  	_ =	swait.ge [sflag:s12], $0x80  }
0xb9: {  	[sflag:s12] =	ssyncset.done $0x0  }
0xba: {  	[sflag:s12] =	ssyncadd.s32 $0xFFFFFF80  }
0xbb: {  	_ =	swait.ge [sflag:s12], $0x80  }
0xbc: {  	s17 =	sadd.s32 $0x1, s17;
	[sflag:s12] =	ssyncset.done $0x0  }
0xbd: {  	p0 =	sne.s32 s17, s7;
	[sflag:s12] =	ssyncadd.s32 $0xFFFFFF80  }
.Ltmp1:
0xbe: {  	[bflag:$0x0] =	sbarrier.arrive $0xFFFF;
	(pc) =	sbr.rel @p0 .LBB2_1-.Ltmp1, $4  }
0xbf: {  	[hbm:s6@s15], [sflag:s13] =	dma.strided [spmem:s14@s16], $0x50, s12, $0x10   }
0xc0: {  	_ =	swait.ge [sflag:s9], $0x50  }
0xc1: {  	[sflag:s9] =	ssyncset.done $0x0  }
0xc2: {  	[sflag:s9] =	ssyncadd.s32 $0xFFFFFFB0  }
0xc3: {  	_ =	sfence.sel $0x180000  }
0xc4: {  	[bflag:$0x0] =	sbarrier.arrive $0xFFFF  }
0xc5: {  	p0 =	sne.s32 s2, $0x0;
	_ =	strace $0x90000047  }
0xc6: {  	s0 =	sadd.s32 @!p0 $0x100000, s0;
	[bflag:$0x2] =	sbarrier.arrive $0xFFFF  }
0xc7: {  	[sflag:s0] =	ssyncadd.tile.s32 @!p0 $0x1;
	_ =	shalt  }
.Lfunc_end2:
_tile_overlayer_lowered:
.L_overlay_start_2:
0xc8: {  	(tag) =	ssettag $0x2  }
0xc9: {  	s0 =	rddreg [dreg:$0x0];
	s2 =	stileid.u32  }
0xca: {  	s1 =	rddreg [dreg:$0x1];
	p0 =	sne.s32 s2, $0x0  }
0xcb: {  	s3 =	rddreg [dreg:$0x2];
	[bflag:$0x3] =	sbarrier.arrive $0xFFFF;
	s2 =	simm.s32 @!p0 $0x1C02  }
0xcc: {  	[timem:s3], [sflag:s2] =	dma.local @!p0 [hbm:s0], s1  }
0xcd: {  	s0 =	simm.s32 @!p0 $0x2  }
0xce: {  	_ =	swait.ge @!p0 [sflag:s0], s1  }
0xcf: {  	s1 =	ssub.s32 @!p0 $0x0, s1;
	[sflag:s0] =	ssyncset.done @!p0 $0x0  }
0xd0: {  	[sflag:s0] =	ssyncadd.s32 @!p0 s1  }
0xd1: {  	[bflag:$0x3] =	sbarrier.arrive $0xFFFF  }
0xd2: {  	_ =	shalt  }

// kernel: kernel.9.cloned.1.call-start
scs
__scs_entry_jumppad:
0x0: {  	(pc) =	sbr.rel $0x88, $3  }
0x1: {  	(tag) =	ssettag $0x0;
	lr =	simm.s32 $0x1  }
0x2: {  	[smem:$0x3F9D] =	sst lr;
	_ =	strace $0xD0000000  }
0x3: {  	_ = 	snop  }
0x4: {  	_ = 	snop  }
0x5: {  	_ = 	snop  }
0x6: {  	_ = 	snop  }
0x7: {  	_ = 	snop  }
__scs_overlays_trampoline_lowered:
0x8: {  	[smem:$0x3FAC] =	sst s0  }
0x9: {  	[smem:$0x3FAD] =	sst s1  }
0xa: {  	[smem:$0x3FAE] =	sst s2  }
0xb: {  	[smem:$0x3FAF] =	sst s3  }
0xc: {  	[smem:$0x3FB0] =	sst s4  }
0xd: {  	[smem:$0x3FB1] =	sst s5  }
0xe: {  	[smem:$0x3FB2] =	sst s6  }
0xf: {  	[smem:$0x3FB3] =	sst s7  }
0x10: {  	[smem:$0x3FB4] =	sst s8  }
0x11: {  	[smem:$0x3FB5] =	sst s9;
	s0 =	simm.s32 @!p0 $0x0  }
0x12: {  	s1 =	sld [smem:$0x3F9B];
	s0 =	simm.s32 @p0 $0x1  }
0x13: {  	[smem:$0x3FB6] =	sst s0;
	s0 =	simm.s32 @!p1 $0x0  }
0x14: {  	s2 =	sld [smem:$0x3F9A];
	s0 =	simm.s32 @p1 $0x1  }
0x15: {  	[smem:$0x3FB7] =	sst s0;
	s0 =	simm.s32 @!p2 $0x0  }
0x16: {  	s3 =	sld [smem:$0x3FDB];
	s0 =	simm.s32 @p2 $0x1  }
0x17: {  	s4 =	simm.s32 $0x1BF5;
	[smem:$0x3FB9] =	sst s0  }
0x18: {  	s0 =	sld [smem:$0x3F9C];
	_ =	swait.ge [sflag:s4], $0x0  }
0x19: {  	s7 =	sld [smem:$0x3F9D]  }
0x1a: {  	s8 =	sadd.s32 $0xFFFFE003, lr  }
0x1b: {  	s9 =	sadd.s32 $0xFFFFFEF7, lr;
	s5 =	simm.s32 $0xFFFFFFFF;
	p2 =	slt.u32 s8, $0xFFFFF086  }
0x1c: {  	p1 =	slt.u32 s9, $0xF7A;
	s5 =	simm.s32 @!p2 $0x0  }
0x1d: {  	s5 =	simm.s32 @p1 $0x1;
	p0 =	seq.s32 s7, s2  }
0x1e: {  	s7 =	smul.u32 @!p0 $0xF7A, s2;
	p2 =	seq.s32 @!p0 s5, $0x0  }
0x1f: {  	s9 =	smul.u32 $0xF7A, s1;
	s8 =	simm.s32 @!p0 $0x1BF5;
	p2 =	por !p2, p0  }
0x20: {  	[sflag:s8] =	ssyncset.s32 @!p0 $0xFFFFF086;
	s6 =	sadd.s32 @!p0 s3, s7;
	s7 =	simm.s32 @!p0 $0x108  }
0x21: {  	s3 =	sadd.s32 s3, s9;
	s6 =	sadd.s32 @!p0 $0x88, s6;
	s7 =	simm.s32 @p2 $0x1082  }
0x22: {  	[simem:s7], [sflag:s8] =	dma.local @!p0 [hbm:s6], $0xF7A  }
0x23: {  	s9 =	sor.u32 $0xD0000000, s2;
	s6 =	simm.s32 $0x108;
	_ =	swait.ge @!p0 [sflag:s8], $0x0  }
0x24: {  	s3 =	sadd.s32 $0x88, s3;
	s6 =	simm.s32 @!p1 $0x1082;
	[sflag:s4] =	ssyncset.s32 $0xFFFFF086  }
0x25: {  	[simem:s6], [sflag:s4] =	dma.local [hbm:s3], $0xF7A  }
0x26: {  	[smem:$0x3F9D] =	sst s1;
	(tag) =	ssettag s2;
	_ =	strace s9  }
0x27: {  	s1 =	sld [smem:$0x3FAD]  }
0x28: {  	s2 =	sld [smem:$0x3FAE]  }
0x29: {  	s4 =	sld [smem:$0x3FB0]  }
0x2a: {  	p0 =	seq.s32 s5, $0x0;
	s5 =	sld [smem:$0x3FB1]  }
0x2b: {  	s6 =	sld [smem:$0x3FB2]  }
0x2c: {  	s7 =	sld [smem:$0x3FB3]  }
0x2d: {  	s3 =	simm.s32 $0x108;
	s8 =	sld [smem:$0x3FB4]  }
0x2e: {  	s3 =	simm.s32 @!p0 $0x1082;
	s9 =	sld [smem:$0x3FB5]  }
0x2f: {  	lr =	sadd.s32 s0, s3;
	s0 =	sld [smem:$0x3FAC]  }
0x30: {  	s3 =	sld [smem:$0x3FAF]  }
0x31: {  	[smem:$0x3FB8] =	sst s10  }
0x32: {  	s10 =	sld [smem:$0x3FB6];
	_ =	sdelay $0x3  }
0x33: {  	p0 =	seq.s32 s10, $0x1;
	s10 =	sld [smem:$0x3FB8];
	_ =	sdelay $0x3  }
0x34: {  	[smem:$0x3FB8] =	sst s10  }
0x35: {  	s10 =	sld [smem:$0x3FB7];
	_ =	sdelay $0x3  }
0x36: {  	p1 =	seq.s32 s10, $0x1;
	s10 =	sld [smem:$0x3FB8];
	_ =	sdelay $0x3  }
0x37: {  	[smem:$0x3FB8] =	sst s10  }
0x38: {  	s10 =	sld [smem:$0x3FB9]  }
0x39: {  	_ = 	snop;
	(pc) =	sbr.ind lr, $3  }
0x3a: {  	_ = 	snop  }
0x3b: {  	_ = 	snop  }
0x3c: {  	p2 =	seq.s32 s10, $0x1;
	s10 =	sld [smem:$0x3FB8]  }
0x3d: {  	_ =	shalt  }
0x3e: {  	_ =	shalt  }
0x3f: {  	_ =	shalt  }
0x40: {  	_ =	shalt  }
0x41: {  	_ =	shalt  }
0x42: {  	_ =	shalt  }
0x43: {  	_ =	shalt  }
0x44: {  	_ =	shalt  }
0x45: {  	_ =	shalt  }
0x46: {  	_ =	shalt  }
0x47: {  	_ =	shalt  }
0x48: {  	_ =	shalt  }
0x49: {  	_ =	shalt  }
0x4a: {  	_ =	shalt  }
0x4b: {  	_ =	shalt  }
0x4c: {  	_ =	shalt  }
0x4d: {  	_ =	shalt  }
0x4e: {  	_ =	shalt  }
0x4f: {  	_ =	shalt  }
0x50: {  	_ =	shalt  }
0x51: {  	_ =	shalt  }
0x52: {  	_ =	shalt  }
0x53: {  	_ =	shalt  }
0x54: {  	_ =	shalt  }
0x55: {  	_ =	shalt  }
0x56: {  	_ =	shalt  }
0x57: {  	_ =	shalt  }
0x58: {  	_ =	shalt  }
0x59: {  	_ =	shalt  }
0x5a: {  	_ =	shalt  }
0x5b: {  	_ =	shalt  }
0x5c: {  	_ =	shalt  }
0x5d: {  	_ =	shalt  }
0x5e: {  	_ =	shalt  }
0x5f: {  	_ =	shalt  }
0x60: {  	_ =	shalt  }
0x61: {  	_ =	shalt  }
0x62: {  	_ =	shalt  }
0x63: {  	_ =	shalt  }
0x64: {  	_ =	shalt  }
0x65: {  	_ =	shalt  }
0x66: {  	_ =	shalt  }
0x67: {  	_ =	shalt  }
0x68: {  	_ =	shalt  }
0x69: {  	_ =	shalt  }
0x6a: {  	_ =	shalt  }
0x6b: {  	_ =	shalt  }
0x6c: {  	_ =	shalt  }
0x6d: {  	_ =	shalt  }
0x6e: {  	_ =	shalt  }
0x6f: {  	_ =	shalt  }
0x70: {  	_ =	shalt  }
0x71: {  	_ =	shalt  }
0x72: {  	_ =	shalt  }
0x73: {  	_ =	shalt  }
0x74: {  	_ =	shalt  }
0x75: {  	_ =	shalt  }
0x76: {  	_ =	shalt  }
0x77: {  	_ =	shalt  }
0x78: {  	_ =	shalt  }
0x79: {  	_ =	shalt  }
0x7a: {  	_ =	shalt  }
0x7b: {  	_ =	shalt  }
0x7c: {  	_ =	shalt  }
0x7d: {  	_ =	shalt  }
0x7e: {  	_ =	shalt  }
0x7f: {  	_ =	shalt  }
0x80: {  	_ =	shalt  }
0x81: {  	_ =	shalt  }
0x82: {  	_ =	shalt  }
0x83: {  	_ =	shalt  }
0x84: {  	_ =	shalt  }
0x85: {  	_ =	shalt  }
0x86: {  	_ =	shalt  }
0x87: {  	_ =	shalt  }
.Lfunc_end0:
.L_simem_size_0:
called_computation.1_lowered:
.L_overlay_start_0:
0x88: {  	s2 =	sld [smem:$0x3FD9]  }
0x89: {  	s3 =	sld [smem:$0x3FFE];
	_ =	sdelay $0x1  }
0x8a: {  	s1 =	srdreg.scid  }
0x8b: {  	s0 =	sand.u32 $0x1, s1  }
0x8c: {  	s17 =	sshll.u32 s0, $0xA;
	s2 =	sadd.s32 s3, s2  }
0x8d: {  	s2 =	sadd.s32 s2, s17  }
0x8e: {  	[smem:$0x3FC4] =	sst s2  }
0x8f: {  	_ = 	snop  }
0x90: {  	s2 =	sld [smem:$0x3FD0];
	(tm) =	ssettm $0x1  }
0x91: {  	s18 =	sld [smem:$0x3FFB];
	_ =	sdelay $0x3  }
0x92: {  	_ =	strace s18  }
0x93: {  	s3 =	sld [smem:$0x3FFC];
	_ =	sdelay $0x3  }
0x94: {  	_ =	strace s3  }
0x95: {  	s3 =	sld [smem:$0x3FFD];
	_ =	sdelay $0x3  }
0x96: {  	_ =	strace s3  }
0x97: {  	_ =	strace $0x8FFFFFFF  }
0x98: {  	s19 =	sld [smem:$0x3FDB];
	_ =	sdelay $0x1  }
0x99: {  	s4 =	simm.s32 $_scs_section_size  }
0x9a: {  	s5 =	simm.s32 $_size__tile_overlayer_lowered;
	s6 =	simm.s32 $_tile_overlayer_lowered  }
0x9b: {  	s22 =	simm.s32 $0x1BFF;
	s21 =	sshll.u32 s6, $0x1;
	s3 =	sadd.s32 s4, s19  }
0x9c: {  	s7 =	simm.s32 $0x0;
	s20 =	sshll.u32 s5, $0x1;
	s5 =	sadd.s32 s21, s3  }
0x9d: {  	[timem:s7], [sflag:s22] =	dma.local [hbm:s5], s20  }
0x9e: {  	_ =	swait.ge [sflag:s22], s20  }
0x9f: {  	s4 =	ssub.s32 $0x0, s20;
	[sflag:s22] =	ssyncset.done $0x0  }
0xa0: {  	[sflag:s22] =	ssyncadd.s32 s4;
	_ =	sdelay $0x1  }
0xa1: {  	s23 =	simm.s32 $0x1B8B  }
0xa2: {  	_ =	swait.ge [sflag:s23], $0x1  }
0xa3: {  	[sflag:s23] =	ssyncset.done $0x0  }
0xa4: {  	s25 =	simm.s32 $0x1B8E;
	s24 =	sld [smem:$0x3FFE];
	[sflag:s23] =	ssyncadd.s32 $0xFFFFFFFF  }
0xa5: {  	s26 =	simm.s32 $execute0_lowered;
	[smem:$0x3FD2] =	sst s25  }
0xa6: {  	s5 =	sshll.u32 s26, $0x1;
	_ =	strace $0x80000049;
	[dreg:$0x1] =	wrdreg $0xFFFFFFFF  }
0xa7: {  	s28 =	simm.s32 $_size_execute0_lowered;
	s3 =	sadd.s32 s3, s5;
	[dreg:$0x0] =	wrdreg $0x0  }
0xa8: {  	s5 =	sshll.u32 s28, $0x1;
	[dreg:$0x2] =	wrdreg s3  }
0xa9: {  	[dreg:$0x3] =	wrdreg s5  }
0xaa: {  	[dreg:$0x4] =	wrdreg $0xC0  }
0xab: {  	_ =	task [dreg:s7], $0x5FFFF  }
0xac: {  	[dreg:$0x1] =	wrdreg $0xFFFFFFFF  }
0xad: {  	[dreg:$0x0] =	wrdreg $0x60  }
0xae: {  	[dreg:$0x2] =	wrdreg s2  }
0xaf: {  	[dreg:$0x3] =	wrdreg s24  }
0xb0: {  	[dreg:$0x4] =	wrdreg $0xC0000  }
0xb1: {  	[dreg:$0x5] =	wrdreg $0x9  }
0xb2: {  	_ =	task.clear_ibuf [dreg:s7], $0x6FFFF;
	_ =	strace $0x90000049  }
0xb3: {  	s29 =	simm.s32 $0x9;
	_ =	strace $0x8000004B  }
0xb4: {  	_ =	swait.ge [sflag:s29], $0x1  }
0xb5: {  	[sflag:s29] =	ssyncadd.s32 $0xFFFFFFFF  }
0xb6: {  	_ =	strace $0x9000004B  }
0xb7: {  	_ =	sfence  }
0xb8: {  	s30 =	sld [smem:$0x0];
	_ =	sdelay $0x2  }
0xb9: {  	s31 =	sshll.u32 s1, $0xD;
	s1 =	sshrl.u32 s1, $0x2  }
0xba: {  	s3 =	sand.u32 $0x4000, s31;
	s1 =	sadd.s32 s1, s30  }
0xbb: {  	s0 =	sor.u32 s3, s0;
	s1 =	sshll.u32 s1, $0x11  }
0xbc: {  	s0 =	sor.u32 s1, s0  }
0xbd: {  	s0 =	sadd.s32 $0x8F2B, s0  }
0xbe: {  	[sflag:s0] =	ssyncadd.remote.s32 $0x1  }
0xbf: {  	_ =	sfence.sel $0xFFFF  }
0xc0: {  	[dreg:$0x0] =	wrdreg $0xFFFFFFFF;
	(pc) =	sbr.abs _section_cstart, $3  }
0xc1: {  	[dreg:$0x1] =	wrdreg $0xFFFFFFFF  }
0xc2: {  	_ =	task.clear_ibuf [dreg:s7], $0x2FFFF;
	_ =	strace $0x9FFFFFFF  }
0xc3: {  	(tm) =	ssettm $0x7FFFFFFF  }
tec
execute0_lowered:
.L_overlay_start_1:
0x0: {  	(tag) =	ssettag $0x1  }
0x1: {  	s0 =	rddreg [dreg:$0x0]  }
0x2: {  	s1 =	rddreg [dreg:$0x1];
	s3 =	srdreg.scid  }
0x3: {  	s2 =	rddreg [dreg:$0x2];
	s6 =	stileid.u32  }
0x4: {  	s11 =	simm.s32 $0x0;
	s29 =	simm.s32 $0x5000;
	s12 =	smul.u32 $0x14000, s6  }
0x5: {  	s30 =	simm.s32 $0x1;
	s5 =	sand.u32 $0x1, s3;
	s8 =	smul.u32 $0x50000, s6  }
0x6: {  	[smem:$0x7FF] =	sst s11;
	s7 =	sadd.s32 $0xBE00, s1;
	s4 =	smul.u32 $0x140000, s5  }
0x7: {  	_ =	strace $0x8000004A;
	s13 =	ssub.s32 $0x2, s5;
	s8 =	sshrl.u32 s8, $0x2  }
0x8: {  	s5 =	sshll.u32 s5, $0x4;
	s9 =	sshrl.u32 s13, $0x1;
	s8 =	sadd.s32 s8, s2  }
0x9: {  	s5 =	sor.u32 s6, s5;
	s14 =	sadd.s32 $0x3800, s8;
	[dreg:$0x4] =	wrdreg s8  }
0xa: {  	s3 =	sadd.s32 s12, s4;
	s15 =	sadd.s32 $0x7000, s8;
	[dreg:$0x5] =	wrdreg s14  }
0xb: {  	s5 =	smul.u32 $0x3C00, s5;
	s16 =	sadd.s32 $0xA800, s8;
	[dreg:$0x6] =	wrdreg s15  }
0xc: {  	s4 =	sadd.s32 $0x6AE00, s1;
	s17 =	sadd.s32 $0xE000, s8;
	[dreg:$0x7] =	wrdreg s16  }
0xd: {  	s8 =	sadd.s32 $0x11800, s8;
	[dreg:$0x8] =	wrdreg s17;
	s5 =	sshrl.u32 s5, $0x3  }
0xe: {  	s3 =	sshrl.u32 s3, $0x3;
	[dreg:$0x9] =	wrdreg s8;
	s18 =	sadd.s32 s0, s5  }
0xf: {  	s1 =	sadd.s32 s3, s1;
	s19 =	sadd.s32 s7, s5;
	[dreg:$0xa] =	wrdreg s18  }
0x10: {  	s3 =	ssub.s32 s13, s9;
	s28 =	sadd.s32 $0x92E00, s1;
	[dreg:$0xb] =	wrdreg s19  }
0x11: {  	s20 =	sadd.s32 $0x180, s5;
	s31 =	smax.u32 s3, $0x1;
	[dreg:$0x14] =	wrdreg s28  }
0x12: {  	s22 =	sadd.s32 $0x300, s5;
	s21 =	sadd.s32 s0, s20;
	[dreg:$0x15] =	wrdreg s31  }
0x13: {  	s24 =	sadd.s32 $0x480, s5;
	s8 =	sadd.s32 s7, s20;
	[dreg:$0xc] =	wrdreg s21  }
0x14: {  	s5 =	sadd.s32 $0x600, s5;
	s23 =	sadd.s32 s0, s22;
	[dreg:$0xd] =	wrdreg s8  }
0x15: {  	s1 =	simm.s32 $0x2;
	s25 =	sadd.s32 s0, s24;
	[dreg:$0xe] =	wrdreg s23  }
0x16: {  	s0 =	sadd.s32 s0, s5;
	s26 =	sadd.s32 s7, s5;
	[dreg:$0x10] =	wrdreg s25  }
0x17: {  	s20 =	simm.s32 $0x0;
	s8 =	sadd.s32 s7, s22;
	[dreg:$0x12] =	wrdreg s0  }
0x18: {  	[dreg:$0x13] =	wrdreg s26;
	s23 =	simm.s32 $0x1800;
	s26 =	simm.s32 $0x70  }
0x19: {  	s0 =	simm.s32 $0x8800;
	[dreg:$0xf] =	wrdreg s8;
	s8 =	sadd.s32 s7, s24  }
0x1a: {  	v0 =	vimm.f32 $0.0e+00;
	s24 =	simm.s32 $0x4;
	[dreg:$0x11] =	wrdreg s8;
	s8 =	simm.s32 $0x3  }
.LBB2_1:
0x1b: {  	s21 =	simm.s32 $0x0;
	s22 =	simm.s32 $0x200  }
.LBB2_2:
0x1c: {  	p0 =	sne.s32 s22, $0xDE00;
	[tilespmem:s21+$0x1870] =	vst v0  }
0x1d: {  	[tilespmem:s21+$0x1800] =	vst v0  }
0x1e: {  	[tilespmem:s21+$0x1810] =	vst v0  }
.Ltmp0:
0x1f: {  	[tilespmem:s21+$0x1820] =	vst v0;
	(pc) =	sbr.rel @p0 .LBB2_2-.Ltmp0, $4  }
0x20: {  	[tilespmem:s21+$0x1830] =	vst v0  }
0x21: {  	[tilespmem:s21+$0x1840] =	vst v0  }
0x22: {  	[tilespmem:s21+$0x1850] =	vst v0  }
0x23: {  	[tilespmem:s21+$0x1860] =	vst v0;
	s21 =	sshra.s32 s22, $0x2;
	s22 =	sadd.s32 $0x200, s22  }
0x24: {  	[tilespmem:s21+$0x1870] =	vst v0  }
0x25: {  	[tilespmem:s21+$0x1800] =	vst v0  }
0x26: {  	[tilespmem:s21+$0x1810] =	vst v0  }
0x27: {  	[tilespmem:s21+$0x1820] =	vst v0  }
0x28: {  	[tilespmem:s21+$0x1830] =	vst v0  }
0x29: {  	[tilespmem:s21+$0x1840] =	vst v0  }
0x2a: {  	[tilespmem:s21+$0x1850] =	vst v0  }
0x2b: {  	[tilespmem:s21+$0x1860] =	vst v0;
	s5 =	rddreg [dreg:$0x4]  }
0x2c: {  	[spmem:s5] =	stream.linear.scatter [tilespmem:s23], [sflag:$0x4], $0x3800, $0x38;
	v63 =	vld [tilespmem:$0x0]  }
0x2d: {  	_ =	swait.ge [sflag:s24], $0x3800  }
0x2e: {  	[sflag:s24] =	ssyncset.done $0x0  }
0x2f: {  	s13 =	rddreg [dreg:$0x5];
	[sflag:s24] =	ssyncadd.s32 $0xFFFFC800  }
0x30: {  	[spmem:s13] =	stream.linear.scatter [tilespmem:s23], [sflag:$0x4], $0x3800, $0x38;
	v63 =	vld [tilespmem:$0x0]  }
0x31: {  	_ =	swait.ge [sflag:s24], $0x3800  }
0x32: {  	[sflag:s24] =	ssyncset.done $0x0  }
0x33: {  	s14 =	rddreg [dreg:$0x6];
	[sflag:s24] =	ssyncadd.s32 $0xFFFFC800  }
0x34: {  	[spmem:s14] =	stream.linear.scatter [tilespmem:s23], [sflag:$0x4], $0x3800, $0x38;
	v63 =	vld [tilespmem:$0x0]  }
0x35: {  	_ =	swait.ge [sflag:s24], $0x3800  }
0x36: {  	[sflag:s24] =	ssyncset.done $0x0  }
0x37: {  	s15 =	rddreg [dreg:$0x7];
	[sflag:s24] =	ssyncadd.s32 $0xFFFFC800  }
0x38: {  	[spmem:s15] =	stream.linear.scatter [tilespmem:s23], [sflag:$0x4], $0x3800, $0x38;
	v63 =	vld [tilespmem:$0x0]  }
0x39: {  	_ =	swait.ge [sflag:s24], $0x3800  }
0x3a: {  	[sflag:s24] =	ssyncset.done $0x0  }
0x3b: {  	s16 =	rddreg [dreg:$0x8];
	[sflag:s24] =	ssyncadd.s32 $0xFFFFC800  }
0x3c: {  	[spmem:s16] =	stream.linear.scatter [tilespmem:s23], [sflag:$0x4], $0x3800, $0x38;
	v63 =	vld [tilespmem:$0x0]  }
0x3d: {  	_ =	swait.ge [sflag:s24], $0x3800  }
0x3e: {  	[sflag:s24] =	ssyncset.done $0x0  }
0x3f: {  	s17 =	rddreg [dreg:$0x9];
	[sflag:s24] =	ssyncadd.s32 $0xFFFFC800  }
0x40: {  	[spmem:s17] =	stream.linear.scatter [tilespmem:s23], [sflag:$0x4], $0x2800, $0x38;
	v63 =	vld [tilespmem:$0x0]  }
0x41: {  	_ =	swait.ge [sflag:s24], $0x2800  }
0x42: {  	[sflag:s24] =	ssyncset.done $0x0  }
0x43: {  	[sflag:s24] =	ssyncadd.s32 $0xFFFFD800  }
0x44: {  	[bflag:$0x0] =	sbarrier.arrive $0xFFFF  }
0x45: {  	s18 =	rddreg [dreg:$0xa]  }
0x46: {  	[tilespmem:s11], [sflag:$0x4] =	stream.linear.gather [hbm4b:s18+s11], $0x900, $0x38;
	v63 =	vld [tilespmem:$0x0]  }
0x47: {  	_ =	swait.ge [sflag:s24], $0x900  }
0x48: {  	[sflag:s24] =	ssyncset.done $0x0  }
0x49: {  	s3 =	simm.s32 $0xC00;
	s19 =	rddreg [dreg:$0xb];
	[sflag:s24] =	ssyncadd.s32 $0xFFFFF700  }
0x4a: {  	[tilespmem:s3], [sflag:$0x4] =	stream.linear.gather [hbm4b:s19+s11], $0x900, $0x38;
	v63 =	vld [tilespmem:$0x0]  }
0x4b: {  	_ =	swait.ge [sflag:s24], $0x900  }
0x4c: {  	[sflag:s24] =	ssyncset.done $0x0  }
0x4d: {  	[sflag:s24] =	ssyncadd.s32 $0xFFFFF700  }
0x4e: {  	[tilespmem:s23], [sflag:$0x1] =	stream.indirect.gather [hbm4b:s4+s26], $0x80, s11, s26, $0xb8;
	v63 =	vld [tilespmem:$0x0]  }
0x4f: {  	s21 =	simm.s32 $0x80  }
0x50: {  	[tilespmem:s29], [sflag:$0x2] =	stream.indirect.gather [hbm4b:s4+s26], $0x80, s21, s26, $0xb8;
	v63 =	vld [tilespmem:$0x0]  }
0x51: {  	_ =	swait.ge [sflag:s30], $0x3800  }
0x52: {  	[sflag:s30] =	ssyncset.done $0x0  }
0x53: {  	s22 =	simm.s32 $0x100;
	[sflag:s30] =	ssyncadd.s32 $0xFFFFC800  }
0x54: {  	[tilespmem:s0], [sflag:$0x3] =	stream.indirect.gather [hbm4b:s4+s26], $0x80, s22, s26, $0xb8;
	v63 =	vld [tilespmem:$0x0]  }
0x55: {  	_ = 	snop  }
0x56: {  	[spmem:s2] =	stream.indirect.scatter.add.f32 [tilespmem:s23], [sflag:$0x4], $0x80, s3, s26, $0xb8;
	v63 =	vld [tilespmem:$0x0]  }
0x57: {  	_ =	swait.ge [sflag:s24], $0x3800  }
0x58: {  	[sflag:s24] =	ssyncset.done $0x0  }
0x59: {  	[sflag:s24] =	ssyncadd.s32 $0xFFFFC800  }
0x5a: {  	_ =	swait.ge [sflag:s1], $0x3800  }
0x5b: {  	[sflag:s1] =	ssyncset.done $0x0  }
0x5c: {  	s25 =	simm.s32 $0x180;
	[sflag:s1] =	ssyncadd.s32 $0xFFFFC800  }
0x5d: {  	[tilespmem:s23], [sflag:$0x1] =	stream.indirect.gather [hbm4b:s4+s26], $0x80, s25, s26, $0xb8;
	v63 =	vld [tilespmem:$0x0]  }
0x5e: {  	s28 =	simm.s32 $0xC80  }
0x5f: {  	[spmem:s2] =	stream.indirect.scatter.add.f32 [tilespmem:s29], [sflag:$0x4], $0x80, s28, s26, $0xb8;
	v63 =	vld [tilespmem:$0x0]  }
0x60: {  	_ =	swait.ge [sflag:s24], $0x3800  }
0x61: {  	[sflag:s24] =	ssyncset.done $0x0  }
0x62: {  	[sflag:s24] =	ssyncadd.s32 $0xFFFFC800  }
0x63: {  	_ =	swait.ge [sflag:s8], $0x3800  }
0x64: {  	[sflag:s8] =	ssyncset.done $0x0  }
0x65: {  	s31 =	simm.s32 $0x200;
	[sflag:s8] =	ssyncadd.s32 $0xFFFFC800  }
0x66: {  	[tilespmem:s29], [sflag:$0x2] =	stream.indirect.gather [hbm4b:s4+s26], $0x80, s31, s26, $0xb8;
	v63 =	vld [tilespmem:$0x0]  }
0x67: {  	s7 =	simm.s32 $0xD00  }
0x68: {  	[spmem:s2] =	stream.indirect.scatter.add.f32 [tilespmem:s0], [sflag:$0x4], $0x80, s7, s26, $0xb8;
	v63 =	vld [tilespmem:$0x0]  }
0x69: {  	_ =	swait.ge [sflag:s24], $0x3800  }
0x6a: {  	[sflag:s24] =	ssyncset.done $0x0  }
0x6b: {  	[sflag:s24] =	ssyncadd.s32 $0xFFFFC800  }
0x6c: {  	_ =	swait.ge [sflag:s30], $0x3800  }
0x6d: {  	[sflag:s30] =	ssyncset.done $0x0  }
0x6e: {  	s9 =	simm.s32 $0x280;
	[sflag:s30] =	ssyncadd.s32 $0xFFFFC800  }
0x6f: {  	[tilespmem:s0], [sflag:$0x3] =	stream.indirect.gather [hbm4b:s4+s26], $0x80, s9, s26, $0xb8;
	v63 =	vld [tilespmem:$0x0]  }
0x70: {  	s10 =	simm.s32 $0xD80  }
0x71: {  	[spmem:s2] =	stream.indirect.scatter.add.f32 [tilespmem:s23], [sflag:$0x4], $0x80, s10, s26, $0xb8;
	v63 =	vld [tilespmem:$0x0]  }
0x72: {  	_ =	swait.ge [sflag:s24], $0x3800  }
0x73: {  	[sflag:s24] =	ssyncset.done $0x0  }
0x74: {  	[sflag:s24] =	ssyncadd.s32 $0xFFFFC800  }
0x75: {  	_ =	swait.ge [sflag:s1], $0x3800  }
0x76: {  	[sflag:s1] =	ssyncset.done $0x0  }
0x77: {  	s12 =	simm.s32 $0x300;
	[sflag:s1] =	ssyncadd.s32 $0xFFFFC800  }
0x78: {  	[tilespmem:s23], [sflag:$0x1] =	stream.indirect.gather [hbm4b:s4+s26], $0x80, s12, s26, $0xb8;
	v63 =	vld [tilespmem:$0x0]  }
0x79: {  	s16 =	simm.s32 $0xE00  }
0x7a: {  	[spmem:s2] =	stream.indirect.scatter.add.f32 [tilespmem:s29], [sflag:$0x4], $0x80, s16, s26, $0xb8;
	v63 =	vld [tilespmem:$0x0]  }
0x7b: {  	_ =	swait.ge [sflag:s24], $0x3800  }
0x7c: {  	[sflag:s24] =	ssyncset.done $0x0  }
0x7d: {  	[sflag:s24] =	ssyncadd.s32 $0xFFFFC800  }
0x7e: {  	_ =	swait.ge [sflag:s8], $0x3800  }
0x7f: {  	[sflag:s8] =	ssyncset.done $0x0  }
0x80: {  	s17 =	simm.s32 $0x380;
	[sflag:s8] =	ssyncadd.s32 $0xFFFFC800  }
0x81: {  	[tilespmem:s29], [sflag:$0x2] =	stream.indirect.gather [hbm4b:s4+s26], $0x80, s17, s26, $0xb8;
	v63 =	vld [tilespmem:$0x0]  }
0x82: {  	s18 =	simm.s32 $0xE80  }
0x83: {  	[spmem:s2] =	stream.indirect.scatter.add.f32 [tilespmem:s0], [sflag:$0x4], $0x80, s18, s26, $0xb8;
	v63 =	vld [tilespmem:$0x0]  }
0x84: {  	_ =	swait.ge [sflag:s24], $0x3800  }
0x85: {  	[sflag:s24] =	ssyncset.done $0x0  }
0x86: {  	[sflag:s24] =	ssyncadd.s32 $0xFFFFC800  }
0x87: {  	_ =	swait.ge [sflag:s30], $0x3800  }
0x88: {  	[sflag:s30] =	ssyncset.done $0x0  }
0x89: {  	s19 =	simm.s32 $0x400;
	[sflag:s30] =	ssyncadd.s32 $0xFFFFC800  }
0x8a: {  	[tilespmem:s0], [sflag:$0x3] =	stream.indirect.gather [hbm4b:s4+s26], $0x80, s19, s26, $0xb8;
	v63 =	vld [tilespmem:$0x0]  }
0x8b: {  	s21 =	simm.s32 $0xF00  }
0x8c: {  	[spmem:s2] =	stream.indirect.scatter.add.f32 [tilespmem:s23], [sflag:$0x4], $0x80, s21, s26, $0xb8;
	v63 =	vld [tilespmem:$0x0]  }
0x8d: {  	_ =	swait.ge [sflag:s24], $0x3800  }
0x8e: {  	[sflag:s24] =	ssyncset.done $0x0  }
0x8f: {  	[sflag:s24] =	ssyncadd.s32 $0xFFFFC800  }
0x90: {  	_ =	swait.ge [sflag:s1], $0x3800  }
0x91: {  	[sflag:s1] =	ssyncset.done $0x0  }
0x92: {  	s22 =	simm.s32 $0x480;
	[sflag:s1] =	ssyncadd.s32 $0xFFFFC800  }
0x93: {  	[tilespmem:s23], [sflag:$0x1] =	stream.indirect.gather [hbm4b:s4+s26], $0x80, s22, s26, $0xb8;
	v63 =	vld [tilespmem:$0x0]  }
0x94: {  	s25 =	simm.s32 $0xF80  }
0x95: {  	[spmem:s2] =	stream.indirect.scatter.add.f32 [tilespmem:s29], [sflag:$0x4], $0x80, s25, s26, $0xb8;
	v63 =	vld [tilespmem:$0x0]  }
0x96: {  	_ =	swait.ge [sflag:s24], $0x3800  }
0x97: {  	[sflag:s24] =	ssyncset.done $0x0  }
0x98: {  	[sflag:s24] =	ssyncadd.s32 $0xFFFFC800  }
0x99: {  	_ =	swait.ge [sflag:s8], $0x3800  }
0x9a: {  	[sflag:s8] =	ssyncset.done $0x0  }
0x9b: {  	s28 =	simm.s32 $0x500;
	[sflag:s8] =	ssyncadd.s32 $0xFFFFC800  }
0x9c: {  	[tilespmem:s29], [sflag:$0x2] =	stream.indirect.gather [hbm4b:s4+s26], $0x80, s28, s26, $0xb8;
	v63 =	vld [tilespmem:$0x0]  }
0x9d: {  	s31 =	simm.s32 $0x1000  }
0x9e: {  	[spmem:s2] =	stream.indirect.scatter.add.f32 [tilespmem:s0], [sflag:$0x4], $0x80, s31, s26, $0xb8;
	v63 =	vld [tilespmem:$0x0]  }
0x9f: {  	_ =	swait.ge [sflag:s24], $0x3800  }
0xa0: {  	[sflag:s24] =	ssyncset.done $0x0  }
0xa1: {  	[sflag:s24] =	ssyncadd.s32 $0xFFFFC800  }
0xa2: {  	_ =	swait.ge [sflag:s30], $0x3800  }
0xa3: {  	[sflag:s30] =	ssyncset.done $0x0  }
0xa4: {  	s5 =	simm.s32 $0x580;
	[sflag:s30] =	ssyncadd.s32 $0xFFFFC800  }
0xa5: {  	[tilespmem:s0], [sflag:$0x3] =	stream.indirect.gather [hbm4b:s4+s26], $0x80, s5, s26, $0xb8;
	v63 =	vld [tilespmem:$0x0]  }
0xa6: {  	s7 =	simm.s32 $0x1080  }
0xa7: {  	[spmem:s2] =	stream.indirect.scatter.add.f32 [tilespmem:s23], [sflag:$0x4], $0x80, s7, s26, $0xb8;
	v63 =	vld [tilespmem:$0x0]  }
0xa8: {  	_ =	swait.ge [sflag:s24], $0x3800  }
0xa9: {  	[sflag:s24] =	ssyncset.done $0x0  }
0xaa: {  	[sflag:s24] =	ssyncadd.s32 $0xFFFFC800  }
0xab: {  	_ =	swait.ge [sflag:s1], $0x3800  }
0xac: {  	[sflag:s1] =	ssyncset.done $0x0  }
0xad: {  	s9 =	simm.s32 $0x600;
	[sflag:s1] =	ssyncadd.s32 $0xFFFFC800  }
0xae: {  	[tilespmem:s23], [sflag:$0x1] =	stream.indirect.gather [hbm4b:s4+s26], $0x80, s9, s26, $0xb8;
	v63 =	vld [tilespmem:$0x0]  }
0xaf: {  	s12 =	simm.s32 $0x1100  }
0xb0: {  	[spmem:s2] =	stream.indirect.scatter.add.f32 [tilespmem:s29], [sflag:$0x4], $0x80, s12, s26, $0xb8;
	v63 =	vld [tilespmem:$0x0]  }
0xb1: {  	_ =	swait.ge [sflag:s24], $0x3800  }
0xb2: {  	[sflag:s24] =	ssyncset.done $0x0  }
0xb3: {  	[sflag:s24] =	ssyncadd.s32 $0xFFFFC800  }
0xb4: {  	_ =	swait.ge [sflag:s8], $0x3800  }
0xb5: {  	[sflag:s8] =	ssyncset.done $0x0  }
0xb6: {  	s16 =	simm.s32 $0x680;
	[sflag:s8] =	ssyncadd.s32 $0xFFFFC800  }
0xb7: {  	[tilespmem:s29], [sflag:$0x2] =	stream.indirect.gather [hbm4b:s4+s26], $0x80, s16, s26, $0xb8;
	v63 =	vld [tilespmem:$0x0]  }
0xb8: {  	s18 =	simm.s32 $0x1180  }
0xb9: {  	[spmem:s2] =	stream.indirect.scatter.add.f32 [tilespmem:s0], [sflag:$0x4], $0x80, s18, s26, $0xb8;
	v63 =	vld [tilespmem:$0x0]  }
0xba: {  	_ =	swait.ge [sflag:s24], $0x3800  }
0xbb: {  	[sflag:s24] =	ssyncset.done $0x0  }
0xbc: {  	[sflag:s24] =	ssyncadd.s32 $0xFFFFC800  }
0xbd: {  	_ =	swait.ge [sflag:s30], $0x3800  }
0xbe: {  	[sflag:s30] =	ssyncset.done $0x0  }
0xbf: {  	s22 =	simm.s32 $0x700;
	[sflag:s30] =	ssyncadd.s32 $0xFFFFC800  }
0xc0: {  	[tilespmem:s0], [sflag:$0x3] =	stream.indirect.gather [hbm4b:s4+s26], $0x80, s22, s26, $0xb8;
	v63 =	vld [tilespmem:$0x0]  }
0xc1: {  	s25 =	simm.s32 $0x1200  }
0xc2: {  	[spmem:s2] =	stream.indirect.scatter.add.f32 [tilespmem:s23], [sflag:$0x4], $0x80, s25, s26, $0xb8;
	v63 =	vld [tilespmem:$0x0]  }
0xc3: {  	_ =	swait.ge [sflag:s24], $0x3800  }
0xc4: {  	[sflag:s24] =	ssyncset.done $0x0  }
0xc5: {  	[sflag:s24] =	ssyncadd.s32 $0xFFFFC800  }
0xc6: {  	_ =	swait.ge [sflag:s1], $0x3800  }
0xc7: {  	[sflag:s1] =	ssyncset.done $0x0  }
0xc8: {  	s5 =	simm.s32 $0x780;
	[sflag:s1] =	ssyncadd.s32 $0xFFFFC800  }
0xc9: {  	[tilespmem:s23], [sflag:$0x1] =	stream.indirect.gather [hbm4b:s4+s26], $0x80, s5, s26, $0xb8;
	v63 =	vld [tilespmem:$0x0]  }
0xca: {  	s7 =	simm.s32 $0x1280  }
0xcb: {  	[spmem:s2] =	stream.indirect.scatter.add.f32 [tilespmem:s29], [sflag:$0x4], $0x80, s7, s26, $0xb8;
	v63 =	vld [tilespmem:$0x0]  }
0xcc: {  	_ =	swait.ge [sflag:s24], $0x3800  }
0xcd: {  	[sflag:s24] =	ssyncset.done $0x0  }
0xce: {  	[sflag:s24] =	ssyncadd.s32 $0xFFFFC800  }
0xcf: {  	_ =	swait.ge [sflag:s8], $0x3800  }
0xd0: {  	[sflag:s8] =	ssyncset.done $0x0  }
0xd1: {  	s9 =	simm.s32 $0x800;
	[sflag:s8] =	ssyncadd.s32 $0xFFFFC800  }
0xd2: {  	[tilespmem:s29], [sflag:$0x2] =	stream.indirect.gather [hbm4b:s4+s26], $0x80, s9, s26, $0xb8;
	v63 =	vld [tilespmem:$0x0]  }
0xd3: {  	s12 =	simm.s32 $0x1300  }
0xd4: {  	[spmem:s2] =	stream.indirect.scatter.add.f32 [tilespmem:s0], [sflag:$0x4], $0x80, s12, s26, $0xb8;
	v63 =	vld [tilespmem:$0x0]  }
0xd5: {  	_ =	swait.ge [sflag:s24], $0x3800  }
0xd6: {  	[sflag:s24] =	ssyncset.done $0x0  }
0xd7: {  	[sflag:s24] =	ssyncadd.s32 $0xFFFFC800  }
0xd8: {  	_ =	swait.ge [sflag:s30], $0x3800  }
0xd9: {  	[sflag:s30] =	ssyncset.done $0x0  }
0xda: {  	s18 =	simm.s32 $0x880;
	[sflag:s30] =	ssyncadd.s32 $0xFFFFC800  }
0xdb: {  	[tilespmem:s0], [sflag:$0x3] =	stream.indirect.gather [hbm4b:s4+s26], $0x80, s18, s26, $0xb8;
	v63 =	vld [tilespmem:$0x0]  }
0xdc: {  	s25 =	simm.s32 $0x1380  }
0xdd: {  	[spmem:s2] =	stream.indirect.scatter.add.f32 [tilespmem:s23], [sflag:$0x4], $0x80, s25, s26, $0xb8;
	v63 =	vld [tilespmem:$0x0]  }
0xde: {  	_ =	swait.ge [sflag:s24], $0x3800  }
0xdf: {  	[sflag:s24] =	ssyncset.done $0x0  }
0xe0: {  	[sflag:s24] =	ssyncadd.s32 $0xFFFFC800  }
0xe1: {  	_ =	swait.ge [sflag:s1], $0x3800  }
0xe2: {  	[sflag:s1] =	ssyncset.done $0x0  }
0xe3: {  	s5 =	simm.s32 $0x1400;
	[sflag:s1] =	ssyncadd.s32 $0xFFFFC800  }
0xe4: {  	[spmem:s2] =	stream.indirect.scatter.add.f32 [tilespmem:s29], [sflag:$0x4], $0x80, s5, s26, $0xb8;
	v63 =	vld [tilespmem:$0x0]  }
0xe5: {  	_ =	swait.ge [sflag:s24], $0x3800  }
0xe6: {  	[sflag:s24] =	ssyncset.done $0x0  }
0xe7: {  	[sflag:s24] =	ssyncadd.s32 $0xFFFFC800  }
0xe8: {  	_ =	swait.ge [sflag:s8], $0x3800  }
0xe9: {  	[sflag:s8] =	ssyncset.done $0x0  }
0xea: {  	s7 =	simm.s32 $0x1480;
	[sflag:s8] =	ssyncadd.s32 $0xFFFFC800  }
0xeb: {  	[spmem:s2] =	stream.indirect.scatter.add.f32 [tilespmem:s0], [sflag:$0x4], $0x80, s7, s26, $0xb8;
	v63 =	vld [tilespmem:$0x0]  }
0xec: {  	_ =	swait.ge [sflag:s24], $0x3800  }
0xed: {  	[sflag:s24] =	ssyncset.done $0x0  }
0xee: {  	s9 =	rddreg [dreg:$0xc];
	[sflag:s24] =	ssyncadd.s32 $0xFFFFC800  }
0xef: {  	[tilespmem:s11], [sflag:$0x4] =	stream.linear.gather [hbm4b:s9+s11], $0x900, $0x38;
	v63 =	vld [tilespmem:$0x0]  }
0xf0: {  	_ =	swait.ge [sflag:s24], $0x900  }
0xf1: {  	[sflag:s24] =	ssyncset.done $0x0  }
0xf2: {  	s18 =	rddreg [dreg:$0xd];
	[sflag:s24] =	ssyncadd.s32 $0xFFFFF700  }
0xf3: {  	[tilespmem:s3], [sflag:$0x4] =	stream.linear.gather [hbm4b:s18+s11], $0x900, $0x38;
	v63 =	vld [tilespmem:$0x0]  }
0xf4: {  	_ =	swait.ge [sflag:s24], $0x900  }
0xf5: {  	[sflag:s24] =	ssyncset.done $0x0  }
0xf6: {  	[sflag:s24] =	ssyncadd.s32 $0xFFFFF700  }
0xf7: {  	[tilespmem:s23], [sflag:$0x1] =	stream.indirect.gather [hbm4b:s4+s26], $0x80, s11, s26, $0xb8;
	v63 =	vld [tilespmem:$0x0]  }
0xf8: {  	s14 =	simm.s32 $0x80  }
0xf9: {  	[tilespmem:s29], [sflag:$0x2] =	stream.indirect.gather [hbm4b:s4+s26], $0x80, s14, s26, $0xb8;
	v63 =	vld [tilespmem:$0x0]  }
0xfa: {  	_ =	swait.ge [sflag:s30], $0x3800  }
0xfb: {  	[sflag:s30] =	ssyncset.done $0x0  }
0xfc: {  	s6 =	simm.s32 $0x100;
	[sflag:s30] =	ssyncadd.s32 $0xFFFFC800  }
0xfd: {  	[tilespmem:s0], [sflag:$0x3] =	stream.indirect.gather [hbm4b:s4+s26], $0x80, s6, s26, $0xb8;
	v63 =	vld [tilespmem:$0x0]  }
0xfe: {  	_ = 	snop  }
0xff: {  	[spmem:s2] =	stream.indirect.scatter.add.f32 [tilespmem:s23], [sflag:$0x4], $0x80, s3, s26, $0xb8;
	v63 =	vld [tilespmem:$0x0]  }
0x100: {  	_ =	swait.ge [sflag:s24], $0x3800  }
0x101: {  	[sflag:s24] =	ssyncset.done $0x0  }
0x102: {  	[sflag:s24] =	ssyncadd.s32 $0xFFFFC800  }
0x103: {  	_ =	swait.ge [sflag:s1], $0x3800  }
0x104: {  	[sflag:s1] =	ssyncset.done $0x0  }
0x105: {  	s13 =	simm.s32 $0x180;
	[sflag:s1] =	ssyncadd.s32 $0xFFFFC800  }
0x106: {  	[tilespmem:s23], [sflag:$0x1] =	stream.indirect.gather [hbm4b:s4+s26], $0x80, s13, s26, $0xb8;
	v63 =	vld [tilespmem:$0x0]  }
0x107: {  	s15 =	simm.s32 $0xC80  }
0x108: {  	[spmem:s2] =	stream.indirect.scatter.add.f32 [tilespmem:s29], [sflag:$0x4], $0x80, s15, s26, $0xb8;
	v63 =	vld [tilespmem:$0x0]  }
0x109: {  	_ =	swait.ge [sflag:s24], $0x3800  }
0x10a: {  	[sflag:s24] =	ssyncset.done $0x0  }
0x10b: {  	[sflag:s24] =	ssyncadd.s32 $0xFFFFC800  }
0x10c: {  	_ =	swait.ge [sflag:s8], $0x3800  }
0x10d: {  	[sflag:s8] =	ssyncset.done $0x0  }
0x10e: {  	s25 =	simm.s32 $0x200;
	[sflag:s8] =	ssyncadd.s32 $0xFFFFC800  }
0x10f: {  	[tilespmem:s29], [sflag:$0x2] =	stream.indirect.gather [hbm4b:s4+s26], $0x80, s25, s26, $0xb8;
	v63 =	vld [tilespmem:$0x0]  }
0x110: {  	s5 =	simm.s32 $0xD00  }
0x111: {  	[spmem:s2] =	stream.indirect.scatter.add.f32 [tilespmem:s0], [sflag:$0x4], $0x80, s5, s26, $0xb8;
	v63 =	vld [tilespmem:$0x0]  }
0x112: {  	_ =	swait.ge [sflag:s24], $0x3800  }
0x113: {  	[sflag:s24] =	ssyncset.done $0x0  }
0x114: {  	[sflag:s24] =	ssyncadd.s32 $0xFFFFC800  }
0x115: {  	_ =	swait.ge [sflag:s30], $0x3800  }
0x116: {  	[sflag:s30] =	ssyncset.done $0x0  }
0x117: {  	s13 =	simm.s32 $0x280;
	[sflag:s30] =	ssyncadd.s32 $0xFFFFC800  }
0x118: {  	[tilespmem:s0], [sflag:$0x3] =	stream.indirect.gather [hbm4b:s4+s26], $0x80, s13, s26, $0xb8;
	v63 =	vld [tilespmem:$0x0]  }
0x119: {  	s6 =	simm.s32 $0xD80  }
0x11a: {  	[spmem:s2] =	stream.indirect.scatter.add.f32 [tilespmem:s23], [sflag:$0x4], $0x80, s6, s26, $0xb8;
	v63 =	vld [tilespmem:$0x0]  }
0x11b: {  	_ =	swait.ge [sflag:s24], $0x3800  }
0x11c: {  	[sflag:s24] =	ssyncset.done $0x0  }
0x11d: {  	[sflag:s24] =	ssyncadd.s32 $0xFFFFC800  }
0x11e: {  	_ =	swait.ge [sflag:s1], $0x3800  }
0x11f: {  	[sflag:s1] =	ssyncset.done $0x0  }
0x120: {  	s14 =	simm.s32 $0x300;
	[sflag:s1] =	ssyncadd.s32 $0xFFFFC800  }
0x121: {  	[tilespmem:s23], [sflag:$0x1] =	stream.indirect.gather [hbm4b:s4+s26], $0x80, s14, s26, $0xb8;
	v63 =	vld [tilespmem:$0x0]  }
0x122: {  	s7 =	simm.s32 $0xE00  }
0x123: {  	[spmem:s2] =	stream.indirect.scatter.add.f32 [tilespmem:s29], [sflag:$0x4], $0x80, s7, s26, $0xb8;
	v63 =	vld [tilespmem:$0x0]  }
0x124: {  	_ =	swait.ge [sflag:s24], $0x3800  }
0x125: {  	[sflag:s24] =	ssyncset.done $0x0  }
0x126: {  	[sflag:s24] =	ssyncadd.s32 $0xFFFFC800  }
0x127: {  	_ =	swait.ge [sflag:s8], $0x3800  }
0x128: {  	[sflag:s8] =	ssyncset.done $0x0  }
0x129: {  	s15 =	simm.s32 $0x380;
	[sflag:s8] =	ssyncadd.s32 $0xFFFFC800  }
0x12a: {  	[tilespmem:s29], [sflag:$0x2] =	stream.indirect.gather [hbm4b:s4+s26], $0x80, s15, s26, $0xb8;
	v63 =	vld [tilespmem:$0x0]  }
0x12b: {  	s9 =	simm.s32 $0xE80  }
0x12c: {  	[spmem:s2] =	stream.indirect.scatter.add.f32 [tilespmem:s0], [sflag:$0x4], $0x80, s9, s26, $0xb8;
	v63 =	vld [tilespmem:$0x0]  }
0x12d: {  	_ =	swait.ge [sflag:s24], $0x3800  }
0x12e: {  	[sflag:s24] =	ssyncset.done $0x0  }
0x12f: {  	[sflag:s24] =	ssyncadd.s32 $0xFFFFC800  }
0x130: {  	_ =	swait.ge [sflag:s30], $0x3800  }
0x131: {  	[sflag:s30] =	ssyncset.done $0x0  }
0x132: {  	s10 =	simm.s32 $0x400;
	[sflag:s30] =	ssyncadd.s32 $0xFFFFC800  }
0x133: {  	[tilespmem:s0], [sflag:$0x3] =	stream.indirect.gather [hbm4b:s4+s26], $0x80, s10, s26, $0xb8;
	v63 =	vld [tilespmem:$0x0]  }
0x134: {  	s18 =	simm.s32 $0xF00  }
0x135: {  	[spmem:s2] =	stream.indirect.scatter.add.f32 [tilespmem:s23], [sflag:$0x4], $0x80, s18, s26, $0xb8;
	v63 =	vld [tilespmem:$0x0]  }
0x136: {  	_ =	swait.ge [sflag:s24], $0x3800  }
0x137: {  	[sflag:s24] =	ssyncset.done $0x0  }
0x138: {  	[sflag:s24] =	ssyncadd.s32 $0xFFFFC800  }
0x139: {  	_ =	swait.ge [sflag:s1], $0x3800  }
0x13a: {  	[sflag:s1] =	ssyncset.done $0x0  }
0x13b: {  	s21 =	simm.s32 $0x480;
	[sflag:s1] =	ssyncadd.s32 $0xFFFFC800  }
0x13c: {  	[tilespmem:s23], [sflag:$0x1] =	stream.indirect.gather [hbm4b:s4+s26], $0x80, s21, s26, $0xb8;
	v63 =	vld [tilespmem:$0x0]  }
0x13d: {  	s10 =	simm.s32 $0xF80  }
0x13e: {  	[spmem:s2] =	stream.indirect.scatter.add.f32 [tilespmem:s29], [sflag:$0x4], $0x80, s10, s26, $0xb8;
	v63 =	vld [tilespmem:$0x0]  }
0x13f: {  	_ =	swait.ge [sflag:s24], $0x3800  }
0x140: {  	[sflag:s24] =	ssyncset.done $0x0  }
0x141: {  	[sflag:s24] =	ssyncadd.s32 $0xFFFFC800  }
0x142: {  	_ =	swait.ge [sflag:s8], $0x3800  }
0x143: {  	[sflag:s8] =	ssyncset.done $0x0  }
0x144: {  	s21 =	simm.s32 $0x500;
	[sflag:s8] =	ssyncadd.s32 $0xFFFFC800  }
0x145: {  	[tilespmem:s29], [sflag:$0x2] =	stream.indirect.gather [hbm4b:s4+s26], $0x80, s21, s26, $0xb8;
	v63 =	vld [tilespmem:$0x0]  }
0x146: {  	s17 =	simm.s32 $0x1000  }
0x147: {  	[spmem:s2] =	stream.indirect.scatter.add.f32 [tilespmem:s0], [sflag:$0x4], $0x80, s17, s26, $0xb8;
	v63 =	vld [tilespmem:$0x0]  }
0x148: {  	_ =	swait.ge [sflag:s24], $0x3800  }
0x149: {  	[sflag:s24] =	ssyncset.done $0x0  }
0x14a: {  	[sflag:s24] =	ssyncadd.s32 $0xFFFFC800  }
0x14b: {  	_ =	swait.ge [sflag:s30], $0x3800  }
0x14c: {  	[sflag:s30] =	ssyncset.done $0x0  }
0x14d: {  	s21 =	simm.s32 $0x580;
	[sflag:s30] =	ssyncadd.s32 $0xFFFFC800  }
0x14e: {  	[tilespmem:s0], [sflag:$0x3] =	stream.indirect.gather [hbm4b:s4+s26], $0x80, s21, s26, $0xb8;
	v63 =	vld [tilespmem:$0x0]  }
0x14f: {  	s19 =	simm.s32 $0x1080  }
0x150: {  	[spmem:s2] =	stream.indirect.scatter.add.f32 [tilespmem:s23], [sflag:$0x4], $0x80, s19, s26, $0xb8;
	v63 =	vld [tilespmem:$0x0]  }
0x151: {  	_ =	swait.ge [sflag:s24], $0x3800  }
0x152: {  	[sflag:s24] =	ssyncset.done $0x0  }
0x153: {  	[sflag:s24] =	ssyncadd.s32 $0xFFFFC800  }
0x154: {  	_ =	swait.ge [sflag:s1], $0x3800  }
0x155: {  	[sflag:s1] =	ssyncset.done $0x0  }
0x156: {  	s21 =	simm.s32 $0x600;
	[sflag:s1] =	ssyncadd.s32 $0xFFFFC800  }
0x157: {  	[tilespmem:s23], [sflag:$0x1] =	stream.indirect.gather [hbm4b:s4+s26], $0x80, s21, s26, $0xb8;
	v63 =	vld [tilespmem:$0x0]  }
0x158: {  	s28 =	simm.s32 $0x1100  }
0x159: {  	[spmem:s2] =	stream.indirect.scatter.add.f32 [tilespmem:s29], [sflag:$0x4], $0x80, s28, s26, $0xb8;
	v63 =	vld [tilespmem:$0x0]  }
0x15a: {  	_ =	swait.ge [sflag:s24], $0x3800  }
0x15b: {  	[sflag:s24] =	ssyncset.done $0x0  }
0x15c: {  	[sflag:s24] =	ssyncadd.s32 $0xFFFFC800  }
0x15d: {  	_ =	swait.ge [sflag:s8], $0x3800  }
0x15e: {  	[sflag:s8] =	ssyncset.done $0x0  }
0x15f: {  	s28 =	simm.s32 $0x680;
	[sflag:s8] =	ssyncadd.s32 $0xFFFFC800  }
0x160: {  	[tilespmem:s29], [sflag:$0x2] =	stream.indirect.gather [hbm4b:s4+s26], $0x80, s28, s26, $0xb8;
	v63 =	vld [tilespmem:$0x0]  }
0x161: {  	s31 =	simm.s32 $0x1180  }
0x162: {  	[spmem:s2] =	stream.indirect.scatter.add.f32 [tilespmem:s0], [sflag:$0x4], $0x80, s31, s26, $0xb8;
	v63 =	vld [tilespmem:$0x0]  }
0x163: {  	_ =	swait.ge [sflag:s24], $0x3800  }
0x164: {  	[sflag:s24] =	ssyncset.done $0x0  }
0x165: {  	[sflag:s24] =	ssyncadd.s32 $0xFFFFC800  }
0x166: {  	_ =	swait.ge [sflag:s30], $0x3800  }
0x167: {  	[sflag:s30] =	ssyncset.done $0x0  }
0x168: {  	s31 =	simm.s32 $0x700;
	[sflag:s30] =	ssyncadd.s32 $0xFFFFC800  }
0x169: {  	[tilespmem:s0], [sflag:$0x3] =	stream.indirect.gather [hbm4b:s4+s26], $0x80, s31, s26, $0xb8;
	v63 =	vld [tilespmem:$0x0]  }
0x16a: {  	s16 =	simm.s32 $0x1200  }
0x16b: {  	[spmem:s2] =	stream.indirect.scatter.add.f32 [tilespmem:s23], [sflag:$0x4], $0x80, s16, s26, $0xb8;
	v63 =	vld [tilespmem:$0x0]  }
0x16c: {  	_ =	swait.ge [sflag:s24], $0x3800  }
0x16d: {  	[sflag:s24] =	ssyncset.done $0x0  }
0x16e: {  	[sflag:s24] =	ssyncadd.s32 $0xFFFFC800  }
0x16f: {  	_ =	swait.ge [sflag:s1], $0x3800  }
0x170: {  	[sflag:s1] =	ssyncset.done $0x0  }
0x171: {  	s21 =	simm.s32 $0x780;
	[sflag:s1] =	ssyncadd.s32 $0xFFFFC800  }
0x172: {  	[tilespmem:s23], [sflag:$0x1] =	stream.indirect.gather [hbm4b:s4+s26], $0x80, s21, s26, $0xb8;
	v63 =	vld [tilespmem:$0x0]  }
0x173: {  	s22 =	simm.s32 $0x1280  }
0x174: {  	[spmem:s2] =	stream.indirect.scatter.add.f32 [tilespmem:s29], [sflag:$0x4], $0x80, s22, s26, $0xb8;
	v63 =	vld [tilespmem:$0x0]  }
0x175: {  	_ =	swait.ge [sflag:s24], $0x3800  }
0x176: {  	[sflag:s24] =	ssyncset.done $0x0  }
0x177: {  	[sflag:s24] =	ssyncadd.s32 $0xFFFFC800  }
0x178: {  	_ =	swait.ge [sflag:s8], $0x3800  }
0x179: {  	[sflag:s8] =	ssyncset.done $0x0  }
0x17a: {  	s22 =	simm.s32 $0x800;
	[sflag:s8] =	ssyncadd.s32 $0xFFFFC800  }
0x17b: {  	[tilespmem:s29], [sflag:$0x2] =	stream.indirect.gather [hbm4b:s4+s26], $0x80, s22, s26, $0xb8;
	v63 =	vld [tilespmem:$0x0]  }
0x17c: {  	s21 =	simm.s32 $0x1300  }
0x17d: {  	[spmem:s2] =	stream.indirect.scatter.add.f32 [tilespmem:s0], [sflag:$0x4], $0x80, s21, s26, $0xb8;
	v63 =	vld [tilespmem:$0x0]  }
0x17e: {  	_ =	swait.ge [sflag:s24], $0x3800  }
0x17f: {  	[sflag:s24] =	ssyncset.done $0x0  }
0x180: {  	[sflag:s24] =	ssyncadd.s32 $0xFFFFC800  }
0x181: {  	_ =	swait.ge [sflag:s30], $0x3800  }
0x182: {  	[sflag:s30] =	ssyncset.done $0x0  }
0x183: {  	s21 =	simm.s32 $0x880;
	[sflag:s30] =	ssyncadd.s32 $0xFFFFC800  }
0x184: {  	[tilespmem:s0], [sflag:$0x3] =	stream.indirect.gather [hbm4b:s4+s26], $0x80, s21, s26, $0xb8;
	v63 =	vld [tilespmem:$0x0]  }
0x185: {  	s21 =	simm.s32 $0x1380  }
0x186: {  	[spmem:s2] =	stream.indirect.scatter.add.f32 [tilespmem:s23], [sflag:$0x4], $0x80, s21, s26, $0xb8;
	v63 =	vld [tilespmem:$0x0]  }
0x187: {  	_ =	swait.ge [sflag:s24], $0x3800  }
0x188: {  	[sflag:s24] =	ssyncset.done $0x0  }
0x189: {  	[sflag:s24] =	ssyncadd.s32 $0xFFFFC800  }
0x18a: {  	_ =	swait.ge [sflag:s1], $0x3800  }
0x18b: {  	[sflag:s1] =	ssyncset.done $0x0  }
0x18c: {  	s21 =	simm.s32 $0x1400;
	[sflag:s1] =	ssyncadd.s32 $0xFFFFC800  }
0x18d: {  	[spmem:s2] =	stream.indirect.scatter.add.f32 [tilespmem:s29], [sflag:$0x4], $0x80, s21, s26, $0xb8;
	v63 =	vld [tilespmem:$0x0]  }
0x18e: {  	_ =	swait.ge [sflag:s24], $0x3800  }
0x18f: {  	[sflag:s24] =	ssyncset.done $0x0  }
0x190: {  	[sflag:s24] =	ssyncadd.s32 $0xFFFFC800  }
0x191: {  	_ =	swait.ge [sflag:s8], $0x3800  }
0x192: {  	[sflag:s8] =	ssyncset.done $0x0  }
0x193: {  	s12 =	simm.s32 $0x1480;
	[sflag:s8] =	ssyncadd.s32 $0xFFFFC800  }
0x194: {  	[spmem:s2] =	stream.indirect.scatter.add.f32 [tilespmem:s0], [sflag:$0x4], $0x80, s12, s26, $0xb8;
	v63 =	vld [tilespmem:$0x0]  }
0x195: {  	_ =	swait.ge [sflag:s24], $0x3800  }
0x196: {  	[sflag:s24] =	ssyncset.done $0x0  }
0x197: {  	s21 =	rddreg [dreg:$0xe];
	[sflag:s24] =	ssyncadd.s32 $0xFFFFC800  }
0x198: {  	[tilespmem:s11], [sflag:$0x4] =	stream.linear.gather [hbm4b:s21+s11], $0x900, $0x38;
	v63 =	vld [tilespmem:$0x0]  }
0x199: {  	_ =	swait.ge [sflag:s24], $0x900  }
0x19a: {  	[sflag:s24] =	ssyncset.done $0x0  }
0x19b: {  	s21 =	rddreg [dreg:$0xf];
	[sflag:s24] =	ssyncadd.s32 $0xFFFFF700  }
0x19c: {  	[tilespmem:s3], [sflag:$0x4] =	stream.linear.gather [hbm4b:s21+s11], $0x900, $0x38;
	v63 =	vld [tilespmem:$0x0]  }
0x19d: {  	_ =	swait.ge [sflag:s24], $0x900  }
0x19e: {  	[sflag:s24] =	ssyncset.done $0x0  }
0x19f: {  	[sflag:s24] =	ssyncadd.s32 $0xFFFFF700  }
0x1a0: {  	[tilespmem:s23], [sflag:$0x1] =	stream.indirect.gather [hbm4b:s4+s26], $0x80, s11, s26, $0xb8;
	v63 =	vld [tilespmem:$0x0]  }
0x1a1: {  	s21 =	simm.s32 $0x80  }
0x1a2: {  	[tilespmem:s29], [sflag:$0x2] =	stream.indirect.gather [hbm4b:s4+s26], $0x80, s21, s26, $0xb8;
	v63 =	vld [tilespmem:$0x0]  }
0x1a3: {  	_ =	swait.ge [sflag:s30], $0x3800  }
0x1a4: {  	[sflag:s30] =	ssyncset.done $0x0  }
0x1a5: {  	s21 =	simm.s32 $0x100;
	[sflag:s30] =	ssyncadd.s32 $0xFFFFC800  }
0x1a6: {  	[tilespmem:s0], [sflag:$0x3] =	stream.indirect.gather [hbm4b:s4+s26], $0x80, s21, s26, $0xb8;
	v63 =	vld [tilespmem:$0x0]  }
0x1a7: {  	_ = 	snop  }
0x1a8: {  	[spmem:s2] =	stream.indirect.scatter.add.f32 [tilespmem:s23], [sflag:$0x4], $0x80, s3, s26, $0xb8;
	v63 =	vld [tilespmem:$0x0]  }
0x1a9: {  	_ =	swait.ge [sflag:s24], $0x3800  }
0x1aa: {  	[sflag:s24] =	ssyncset.done $0x0  }
0x1ab: {  	[sflag:s24] =	ssyncadd.s32 $0xFFFFC800  }
0x1ac: {  	_ =	swait.ge [sflag:s1], $0x3800  }
0x1ad: {  	[sflag:s1] =	ssyncset.done $0x0  }
0x1ae: {  	s21 =	simm.s32 $0x180;
	[sflag:s1] =	ssyncadd.s32 $0xFFFFC800  }
0x1af: {  	[tilespmem:s23], [sflag:$0x1] =	stream.indirect.gather [hbm4b:s4+s26], $0x80, s21, s26, $0xb8;
	v63 =	vld [tilespmem:$0x0]  }
0x1b0: {  	s21 =	simm.s32 $0xC80  }
0x1b1: {  	[spmem:s2] =	stream.indirect.scatter.add.f32 [tilespmem:s29], [sflag:$0x4], $0x80, s21, s26, $0xb8;
	v63 =	vld [tilespmem:$0x0]  }
0x1b2: {  	_ =	swait.ge [sflag:s24], $0x3800  }
0x1b3: {  	[sflag:s24] =	ssyncset.done $0x0  }
0x1b4: {  	[sflag:s24] =	ssyncadd.s32 $0xFFFFC800  }
0x1b5: {  	_ =	swait.ge [sflag:s8], $0x3800  }
0x1b6: {  	[sflag:s8] =	ssyncset.done $0x0  }
0x1b7: {  	[sflag:s8] =	ssyncadd.s32 $0xFFFFC800  }
0x1b8: {  	[tilespmem:s29], [sflag:$0x2] =	stream.indirect.gather [hbm4b:s4+s26], $0x80, s25, s26, $0xb8;
	v63 =	vld [tilespmem:$0x0]  }
0x1b9: {  	_ = 	snop  }
0x1ba: {  	[spmem:s2] =	stream.indirect.scatter.add.f32 [tilespmem:s0], [sflag:$0x4], $0x80, s5, s26, $0xb8;
	v63 =	vld [tilespmem:$0x0]  }
0x1bb: {  	_ =	swait.ge [sflag:s24], $0x3800  }
0x1bc: {  	[sflag:s24] =	ssyncset.done $0x0  }
0x1bd: {  	[sflag:s24] =	ssyncadd.s32 $0xFFFFC800  }
0x1be: {  	_ =	swait.ge [sflag:s30], $0x3800  }
0x1bf: {  	[sflag:s30] =	ssyncset.done $0x0  }
0x1c0: {  	[sflag:s30] =	ssyncadd.s32 $0xFFFFC800  }
0x1c1: {  	[tilespmem:s0], [sflag:$0x3] =	stream.indirect.gather [hbm4b:s4+s26], $0x80, s13, s26, $0xb8;
	v63 =	vld [tilespmem:$0x0]  }
0x1c2: {  	_ = 	snop  }
0x1c3: {  	[spmem:s2] =	stream.indirect.scatter.add.f32 [tilespmem:s23], [sflag:$0x4], $0x80, s6, s26, $0xb8;
	v63 =	vld [tilespmem:$0x0]  }
0x1c4: {  	_ =	swait.ge [sflag:s24], $0x3800  }
0x1c5: {  	[sflag:s24] =	ssyncset.done $0x0  }
0x1c6: {  	[sflag:s24] =	ssyncadd.s32 $0xFFFFC800  }
0x1c7: {  	_ =	swait.ge [sflag:s1], $0x3800  }
0x1c8: {  	[sflag:s1] =	ssyncset.done $0x0  }
0x1c9: {  	[sflag:s1] =	ssyncadd.s32 $0xFFFFC800  }
0x1ca: {  	[tilespmem:s23], [sflag:$0x1] =	stream.indirect.gather [hbm4b:s4+s26], $0x80, s14, s26, $0xb8;
	v63 =	vld [tilespmem:$0x0]  }
0x1cb: {  	_ = 	snop  }
0x1cc: {  	[spmem:s2] =	stream.indirect.scatter.add.f32 [tilespmem:s29], [sflag:$0x4], $0x80, s7, s26, $0xb8;
	v63 =	vld [tilespmem:$0x0]  }
0x1cd: {  	_ =	swait.ge [sflag:s24], $0x3800  }
0x1ce: {  	[sflag:s24] =	ssyncset.done $0x0  }
0x1cf: {  	[sflag:s24] =	ssyncadd.s32 $0xFFFFC800  }
0x1d0: {  	_ =	swait.ge [sflag:s8], $0x3800  }
0x1d1: {  	[sflag:s8] =	ssyncset.done $0x0  }
0x1d2: {  	[sflag:s8] =	ssyncadd.s32 $0xFFFFC800  }
0x1d3: {  	[tilespmem:s29], [sflag:$0x2] =	stream.indirect.gather [hbm4b:s4+s26], $0x80, s15, s26, $0xb8;
	v63 =	vld [tilespmem:$0x0]  }
0x1d4: {  	_ = 	snop  }
0x1d5: {  	[spmem:s2] =	stream.indirect.scatter.add.f32 [tilespmem:s0], [sflag:$0x4], $0x80, s9, s26, $0xb8;
	v63 =	vld [tilespmem:$0x0]  }
0x1d6: {  	_ =	swait.ge [sflag:s24], $0x3800  }
0x1d7: {  	[sflag:s24] =	ssyncset.done $0x0  }
0x1d8: {  	[sflag:s24] =	ssyncadd.s32 $0xFFFFC800  }
0x1d9: {  	_ =	swait.ge [sflag:s30], $0x3800  }
0x1da: {  	[sflag:s30] =	ssyncset.done $0x0  }
0x1db: {  	s21 =	simm.s32 $0x400;
	[sflag:s30] =	ssyncadd.s32 $0xFFFFC800  }
0x1dc: {  	[tilespmem:s0], [sflag:$0x3] =	stream.indirect.gather [hbm4b:s4+s26], $0x80, s21, s26, $0xb8;
	v63 =	vld [tilespmem:$0x0]  }
0x1dd: {  	_ = 	snop  }
0x1de: {  	[spmem:s2] =	stream.indirect.scatter.add.f32 [tilespmem:s23], [sflag:$0x4], $0x80, s18, s26, $0xb8;
	v63 =	vld [tilespmem:$0x0]  }
0x1df: {  	_ =	swait.ge [sflag:s24], $0x3800  }
0x1e0: {  	[sflag:s24] =	ssyncset.done $0x0  }
0x1e1: {  	[sflag:s24] =	ssyncadd.s32 $0xFFFFC800  }
0x1e2: {  	_ =	swait.ge [sflag:s1], $0x3800  }
0x1e3: {  	[sflag:s1] =	ssyncset.done $0x0  }
0x1e4: {  	s9 =	simm.s32 $0x480;
	[sflag:s1] =	ssyncadd.s32 $0xFFFFC800  }
0x1e5: {  	[tilespmem:s23], [sflag:$0x1] =	stream.indirect.gather [hbm4b:s4+s26], $0x80, s9, s26, $0xb8;
	v63 =	vld [tilespmem:$0x0]  }
0x1e6: {  	_ = 	snop  }
0x1e7: {  	[spmem:s2] =	stream.indirect.scatter.add.f32 [tilespmem:s29], [sflag:$0x4], $0x80, s10, s26, $0xb8;
	v63 =	vld [tilespmem:$0x0]  }
0x1e8: {  	_ =	swait.ge [sflag:s24], $0x3800  }
0x1e9: {  	[sflag:s24] =	ssyncset.done $0x0  }
0x1ea: {  	[sflag:s24] =	ssyncadd.s32 $0xFFFFC800  }
0x1eb: {  	_ =	swait.ge [sflag:s8], $0x3800  }
0x1ec: {  	[sflag:s8] =	ssyncset.done $0x0  }
0x1ed: {  	s21 =	simm.s32 $0x500;
	[sflag:s8] =	ssyncadd.s32 $0xFFFFC800  }
0x1ee: {  	[tilespmem:s29], [sflag:$0x2] =	stream.indirect.gather [hbm4b:s4+s26], $0x80, s21, s26, $0xb8;
	v63 =	vld [tilespmem:$0x0]  }
0x1ef: {  	s9 =	simm.s32 $0x1000  }
0x1f0: {  	[spmem:s2] =	stream.indirect.scatter.add.f32 [tilespmem:s0], [sflag:$0x4], $0x80, s9, s26, $0xb8;
	v63 =	vld [tilespmem:$0x0]  }
0x1f1: {  	_ =	swait.ge [sflag:s24], $0x3800  }
0x1f2: {  	[sflag:s24] =	ssyncset.done $0x0  }
0x1f3: {  	[sflag:s24] =	ssyncadd.s32 $0xFFFFC800  }
0x1f4: {  	_ =	swait.ge [sflag:s30], $0x3800  }
0x1f5: {  	[sflag:s30] =	ssyncset.done $0x0  }
0x1f6: {  	s17 =	simm.s32 $0x580;
	[sflag:s30] =	ssyncadd.s32 $0xFFFFC800  }
0x1f7: {  	[tilespmem:s0], [sflag:$0x3] =	stream.indirect.gather [hbm4b:s4+s26], $0x80, s17, s26, $0xb8;
	v63 =	vld [tilespmem:$0x0]  }
0x1f8: {  	s21 =	simm.s32 $0x1080  }
0x1f9: {  	[spmem:s2] =	stream.indirect.scatter.add.f32 [tilespmem:s23], [sflag:$0x4], $0x80, s21, s26, $0xb8;
	v63 =	vld [tilespmem:$0x0]  }
0x1fa: {  	_ =	swait.ge [sflag:s24], $0x3800  }
0x1fb: {  	[sflag:s24] =	ssyncset.done $0x0  }
0x1fc: {  	[sflag:s24] =	ssyncadd.s32 $0xFFFFC800  }
0x1fd: {  	_ =	swait.ge [sflag:s1], $0x3800  }
0x1fe: {  	[sflag:s1] =	ssyncset.done $0x0  }
0x1ff: {  	s19 =	simm.s32 $0x600;
	[sflag:s1] =	ssyncadd.s32 $0xFFFFC800  }
0x200: {  	[tilespmem:s23], [sflag:$0x1] =	stream.indirect.gather [hbm4b:s4+s26], $0x80, s19, s26, $0xb8;
	v63 =	vld [tilespmem:$0x0]  }
0x201: {  	s9 =	simm.s32 $0x1100  }
0x202: {  	[spmem:s2] =	stream.indirect.scatter.add.f32 [tilespmem:s29], [sflag:$0x4], $0x80, s9, s26, $0xb8;
	v63 =	vld [tilespmem:$0x0]  }
0x203: {  	_ =	swait.ge [sflag:s24], $0x3800  }
0x204: {  	[sflag:s24] =	ssyncset.done $0x0  }
0x205: {  	[sflag:s24] =	ssyncadd.s32 $0xFFFFC800  }
0x206: {  	_ =	swait.ge [sflag:s8], $0x3800  }
0x207: {  	[sflag:s8] =	ssyncset.done $0x0  }
0x208: {  	s28 =	simm.s32 $0x680;
	[sflag:s8] =	ssyncadd.s32 $0xFFFFC800  }
0x209: {  	[tilespmem:s29], [sflag:$0x2] =	stream.indirect.gather [hbm4b:s4+s26], $0x80, s28, s26, $0xb8;
	v63 =	vld [tilespmem:$0x0]  }
0x20a: {  	s21 =	simm.s32 $0x1180  }
0x20b: {  	[spmem:s2] =	stream.indirect.scatter.add.f32 [tilespmem:s0], [sflag:$0x4], $0x80, s21, s26, $0xb8;
	v63 =	vld [tilespmem:$0x0]  }
0x20c: {  	_ =	swait.ge [sflag:s24], $0x3800  }
0x20d: {  	[sflag:s24] =	ssyncset.done $0x0  }
0x20e: {  	[sflag:s24] =	ssyncadd.s32 $0xFFFFC800  }
0x20f: {  	_ =	swait.ge [sflag:s30], $0x3800  }
0x210: {  	[sflag:s30] =	ssyncset.done $0x0  }
0x211: {  	s31 =	simm.s32 $0x700;
	[sflag:s30] =	ssyncadd.s32 $0xFFFFC800  }
0x212: {  	[tilespmem:s0], [sflag:$0x3] =	stream.indirect.gather [hbm4b:s4+s26], $0x80, s31, s26, $0xb8;
	v63 =	vld [tilespmem:$0x0]  }
0x213: {  	s9 =	simm.s32 $0x1200  }
0x214: {  	[spmem:s2] =	stream.indirect.scatter.add.f32 [tilespmem:s23], [sflag:$0x4], $0x80, s9, s26, $0xb8;
	v63 =	vld [tilespmem:$0x0]  }
0x215: {  	_ =	swait.ge [sflag:s24], $0x3800  }
0x216: {  	[sflag:s24] =	ssyncset.done $0x0  }
0x217: {  	[sflag:s24] =	ssyncadd.s32 $0xFFFFC800  }
0x218: {  	_ =	swait.ge [sflag:s1], $0x3800  }
0x219: {  	[sflag:s1] =	ssyncset.done $0x0  }
0x21a: {  	s16 =	simm.s32 $0x780;
	[sflag:s1] =	ssyncadd.s32 $0xFFFFC800  }
0x21b: {  	[tilespmem:s23], [sflag:$0x1] =	stream.indirect.gather [hbm4b:s4+s26], $0x80, s16, s26, $0xb8;
	v63 =	vld [tilespmem:$0x0]  }
0x21c: {  	s21 =	simm.s32 $0x1280  }
0x21d: {  	[spmem:s2] =	stream.indirect.scatter.add.f32 [tilespmem:s29], [sflag:$0x4], $0x80, s21, s26, $0xb8;
	v63 =	vld [tilespmem:$0x0]  }
0x21e: {  	_ =	swait.ge [sflag:s24], $0x3800  }
0x21f: {  	[sflag:s24] =	ssyncset.done $0x0  }
0x220: {  	[sflag:s24] =	ssyncadd.s32 $0xFFFFC800  }
0x221: {  	_ =	swait.ge [sflag:s8], $0x3800  }
0x222: {  	[sflag:s8] =	ssyncset.done $0x0  }
0x223: {  	s22 =	simm.s32 $0x800;
	[sflag:s8] =	ssyncadd.s32 $0xFFFFC800  }
0x224: {  	[tilespmem:s29], [sflag:$0x2] =	stream.indirect.gather [hbm4b:s4+s26], $0x80, s22, s26, $0xb8;
	v63 =	vld [tilespmem:$0x0]  }
0x225: {  	s9 =	simm.s32 $0x1300  }
0x226: {  	[spmem:s2] =	stream.indirect.scatter.add.f32 [tilespmem:s0], [sflag:$0x4], $0x80, s9, s26, $0xb8;
	v63 =	vld [tilespmem:$0x0]  }
0x227: {  	_ =	swait.ge [sflag:s24], $0x3800  }
0x228: {  	[sflag:s24] =	ssyncset.done $0x0  }
0x229: {  	[sflag:s24] =	ssyncadd.s32 $0xFFFFC800  }
0x22a: {  	_ =	swait.ge [sflag:s30], $0x3800  }
0x22b: {  	[sflag:s30] =	ssyncset.done $0x0  }
0x22c: {  	s21 =	simm.s32 $0x880;
	[sflag:s30] =	ssyncadd.s32 $0xFFFFC800  }
0x22d: {  	[tilespmem:s0], [sflag:$0x3] =	stream.indirect.gather [hbm4b:s4+s26], $0x80, s21, s26, $0xb8;
	v63 =	vld [tilespmem:$0x0]  }
0x22e: {  	s9 =	simm.s32 $0x1380  }
0x22f: {  	[spmem:s2] =	stream.indirect.scatter.add.f32 [tilespmem:s23], [sflag:$0x4], $0x80, s9, s26, $0xb8;
	v63 =	vld [tilespmem:$0x0]  }
0x230: {  	_ =	swait.ge [sflag:s24], $0x3800  }
0x231: {  	[sflag:s24] =	ssyncset.done $0x0  }
0x232: {  	[sflag:s24] =	ssyncadd.s32 $0xFFFFC800  }
0x233: {  	_ =	swait.ge [sflag:s1], $0x3800  }
0x234: {  	[sflag:s1] =	ssyncset.done $0x0  }
0x235: {  	s21 =	simm.s32 $0x1400;
	[sflag:s1] =	ssyncadd.s32 $0xFFFFC800  }
0x236: {  	[spmem:s2] =	stream.indirect.scatter.add.f32 [tilespmem:s29], [sflag:$0x4], $0x80, s21, s26, $0xb8;
	v63 =	vld [tilespmem:$0x0]  }
0x237: {  	_ =	swait.ge [sflag:s24], $0x3800  }
0x238: {  	[sflag:s24] =	ssyncset.done $0x0  }
0x239: {  	[sflag:s24] =	ssyncadd.s32 $0xFFFFC800  }
0x23a: {  	_ =	swait.ge [sflag:s8], $0x3800  }
0x23b: {  	[sflag:s8] =	ssyncset.done $0x0  }
0x23c: {  	s12 =	simm.s32 $0x1480;
	[sflag:s8] =	ssyncadd.s32 $0xFFFFC800  }
0x23d: {  	[spmem:s2] =	stream.indirect.scatter.add.f32 [tilespmem:s0], [sflag:$0x4], $0x80, s12, s26, $0xb8;
	v63 =	vld [tilespmem:$0x0]  }
0x23e: {  	_ =	swait.ge [sflag:s24], $0x3800  }
0x23f: {  	[sflag:s24] =	ssyncset.done $0x0  }
0x240: {  	s9 =	rddreg [dreg:$0x10];
	[sflag:s24] =	ssyncadd.s32 $0xFFFFC800  }
0x241: {  	[tilespmem:s11], [sflag:$0x4] =	stream.linear.gather [hbm4b:s9+s11], $0x900, $0x38;
	v63 =	vld [tilespmem:$0x0]  }
0x242: {  	_ =	swait.ge [sflag:s24], $0x900  }
0x243: {  	[sflag:s24] =	ssyncset.done $0x0  }
0x244: {  	s12 =	rddreg [dreg:$0x11];
	[sflag:s24] =	ssyncadd.s32 $0xFFFFF700  }
0x245: {  	[tilespmem:s3], [sflag:$0x4] =	stream.linear.gather [hbm4b:s12+s11], $0x900, $0x38;
	v63 =	vld [tilespmem:$0x0]  }
0x246: {  	_ =	swait.ge [sflag:s24], $0x900  }
0x247: {  	[sflag:s24] =	ssyncset.done $0x0  }
0x248: {  	[sflag:s24] =	ssyncadd.s32 $0xFFFFF700  }
0x249: {  	[tilespmem:s23], [sflag:$0x1] =	stream.indirect.gather [hbm4b:s4+s26], $0x80, s11, s26, $0xb8;
	v63 =	vld [tilespmem:$0x0]  }
0x24a: {  	s21 =	simm.s32 $0x80  }
0x24b: {  	[tilespmem:s29], [sflag:$0x2] =	stream.indirect.gather [hbm4b:s4+s26], $0x80, s21, s26, $0xb8;
	v63 =	vld [tilespmem:$0x0]  }
0x24c: {  	_ =	swait.ge [sflag:s30], $0x3800  }
0x24d: {  	[sflag:s30] =	ssyncset.done $0x0  }
0x24e: {  	s9 =	simm.s32 $0x100;
	[sflag:s30] =	ssyncadd.s32 $0xFFFFC800  }
0x24f: {  	[tilespmem:s0], [sflag:$0x3] =	stream.indirect.gather [hbm4b:s4+s26], $0x80, s9, s26, $0xb8;
	v63 =	vld [tilespmem:$0x0]  }
0x250: {  	_ = 	snop  }
0x251: {  	[spmem:s2] =	stream.indirect.scatter.add.f32 [tilespmem:s23], [sflag:$0x4], $0x80, s3, s26, $0xb8;
	v63 =	vld [tilespmem:$0x0]  }
0x252: {  	_ =	swait.ge [sflag:s24], $0x3800  }
0x253: {  	[sflag:s24] =	ssyncset.done $0x0  }
0x254: {  	[sflag:s24] =	ssyncadd.s32 $0xFFFFC800  }
0x255: {  	_ =	swait.ge [sflag:s1], $0x3800  }
0x256: {  	[sflag:s1] =	ssyncset.done $0x0  }
0x257: {  	s12 =	simm.s32 $0x180;
	[sflag:s1] =	ssyncadd.s32 $0xFFFFC800  }
0x258: {  	[tilespmem:s23], [sflag:$0x1] =	stream.indirect.gather [hbm4b:s4+s26], $0x80, s12, s26, $0xb8;
	v63 =	vld [tilespmem:$0x0]  }
0x259: {  	s21 =	simm.s32 $0xC80  }
0x25a: {  	[spmem:s2] =	stream.indirect.scatter.add.f32 [tilespmem:s29], [sflag:$0x4], $0x80, s21, s26, $0xb8;
	v63 =	vld [tilespmem:$0x0]  }
0x25b: {  	_ =	swait.ge [sflag:s24], $0x3800  }
0x25c: {  	[sflag:s24] =	ssyncset.done $0x0  }
0x25d: {  	[sflag:s24] =	ssyncadd.s32 $0xFFFFC800  }
0x25e: {  	_ =	swait.ge [sflag:s8], $0x3800  }
0x25f: {  	[sflag:s8] =	ssyncset.done $0x0  }
0x260: {  	s25 =	simm.s32 $0x200;
	[sflag:s8] =	ssyncadd.s32 $0xFFFFC800  }
0x261: {  	[tilespmem:s29], [sflag:$0x2] =	stream.indirect.gather [hbm4b:s4+s26], $0x80, s25, s26, $0xb8;
	v63 =	vld [tilespmem:$0x0]  }
0x262: {  	s9 =	simm.s32 $0xD00  }
0x263: {  	[spmem:s2] =	stream.indirect.scatter.add.f32 [tilespmem:s0], [sflag:$0x4], $0x80, s9, s26, $0xb8;
	v63 =	vld [tilespmem:$0x0]  }
0x264: {  	_ =	swait.ge [sflag:s24], $0x3800  }
0x265: {  	[sflag:s24] =	ssyncset.done $0x0  }
0x266: {  	[sflag:s24] =	ssyncadd.s32 $0xFFFFC800  }
0x267: {  	_ =	swait.ge [sflag:s30], $0x3800  }
0x268: {  	[sflag:s30] =	ssyncset.done $0x0  }
0x269: {  	s5 =	simm.s32 $0x280;
	[sflag:s30] =	ssyncadd.s32 $0xFFFFC800  }
0x26a: {  	[tilespmem:s0], [sflag:$0x3] =	stream.indirect.gather [hbm4b:s4+s26], $0x80, s5, s26, $0xb8;
	v63 =	vld [tilespmem:$0x0]  }
0x26b: {  	s13 =	simm.s32 $0xD80  }
0x26c: {  	[spmem:s2] =	stream.indirect.scatter.add.f32 [tilespmem:s23], [sflag:$0x4], $0x80, s13, s26, $0xb8;
	v63 =	vld [tilespmem:$0x0]  }
0x26d: {  	_ =	swait.ge [sflag:s24], $0x3800  }
0x26e: {  	[sflag:s24] =	ssyncset.done $0x0  }
0x26f: {  	[sflag:s24] =	ssyncadd.s32 $0xFFFFC800  }
0x270: {  	_ =	swait.ge [sflag:s1], $0x3800  }
0x271: {  	[sflag:s1] =	ssyncset.done $0x0  }
0x272: {  	s14 =	simm.s32 $0x300;
	[sflag:s1] =	ssyncadd.s32 $0xFFFFC800  }
0x273: {  	[tilespmem:s23], [sflag:$0x1] =	stream.indirect.gather [hbm4b:s4+s26], $0x80, s14, s26, $0xb8;
	v63 =	vld [tilespmem:$0x0]  }
0x274: {  	s14 =	simm.s32 $0xE00  }
0x275: {  	[spmem:s2] =	stream.indirect.scatter.add.f32 [tilespmem:s29], [sflag:$0x4], $0x80, s14, s26, $0xb8;
	v63 =	vld [tilespmem:$0x0]  }
0x276: {  	_ =	swait.ge [sflag:s24], $0x3800  }
0x277: {  	[sflag:s24] =	ssyncset.done $0x0  }
0x278: {  	[sflag:s24] =	ssyncadd.s32 $0xFFFFC800  }
0x279: {  	_ =	swait.ge [sflag:s8], $0x3800  }
0x27a: {  	[sflag:s8] =	ssyncset.done $0x0  }
0x27b: {  	s7 =	simm.s32 $0x380;
	[sflag:s8] =	ssyncadd.s32 $0xFFFFC800  }
0x27c: {  	[tilespmem:s29], [sflag:$0x2] =	stream.indirect.gather [hbm4b:s4+s26], $0x80, s7, s26, $0xb8;
	v63 =	vld [tilespmem:$0x0]  }
0x27d: {  	s15 =	simm.s32 $0xE80  }
0x27e: {  	[spmem:s2] =	stream.indirect.scatter.add.f32 [tilespmem:s0], [sflag:$0x4], $0x80, s15, s26, $0xb8;
	v63 =	vld [tilespmem:$0x0]  }
0x27f: {  	_ =	swait.ge [sflag:s24], $0x3800  }
0x280: {  	[sflag:s24] =	ssyncset.done $0x0  }
0x281: {  	[sflag:s24] =	ssyncadd.s32 $0xFFFFC800  }
0x282: {  	_ =	swait.ge [sflag:s30], $0x3800  }
0x283: {  	[sflag:s30] =	ssyncset.done $0x0  }
0x284: {  	s21 =	simm.s32 $0x400;
	[sflag:s30] =	ssyncadd.s32 $0xFFFFC800  }
0x285: {  	[tilespmem:s0], [sflag:$0x3] =	stream.indirect.gather [hbm4b:s4+s26], $0x80, s21, s26, $0xb8;
	v63 =	vld [tilespmem:$0x0]  }
0x286: {  	s18 =	simm.s32 $0xF00  }
0x287: {  	[spmem:s2] =	stream.indirect.scatter.add.f32 [tilespmem:s23], [sflag:$0x4], $0x80, s18, s26, $0xb8;
	v63 =	vld [tilespmem:$0x0]  }
0x288: {  	_ =	swait.ge [sflag:s24], $0x3800  }
0x289: {  	[sflag:s24] =	ssyncset.done $0x0  }
0x28a: {  	[sflag:s24] =	ssyncadd.s32 $0xFFFFC800  }
0x28b: {  	_ =	swait.ge [sflag:s1], $0x3800  }
0x28c: {  	[sflag:s1] =	ssyncset.done $0x0  }
0x28d: {  	s21 =	simm.s32 $0x480;
	[sflag:s1] =	ssyncadd.s32 $0xFFFFC800  }
0x28e: {  	[tilespmem:s23], [sflag:$0x1] =	stream.indirect.gather [hbm4b:s4+s26], $0x80, s21, s26, $0xb8;
	v63 =	vld [tilespmem:$0x0]  }
0x28f: {  	s10 =	simm.s32 $0xF80  }
0x290: {  	[spmem:s2] =	stream.indirect.scatter.add.f32 [tilespmem:s29], [sflag:$0x4], $0x80, s10, s26, $0xb8;
	v63 =	vld [tilespmem:$0x0]  }
0x291: {  	_ =	swait.ge [sflag:s24], $0x3800  }
0x292: {  	[sflag:s24] =	ssyncset.done $0x0  }
0x293: {  	[sflag:s24] =	ssyncadd.s32 $0xFFFFC800  }
0x294: {  	_ =	swait.ge [sflag:s8], $0x3800  }
0x295: {  	[sflag:s8] =	ssyncset.done $0x0  }
0x296: {  	s21 =	simm.s32 $0x500;
	[sflag:s8] =	ssyncadd.s32 $0xFFFFC800  }
0x297: {  	[tilespmem:s29], [sflag:$0x2] =	stream.indirect.gather [hbm4b:s4+s26], $0x80, s21, s26, $0xb8;
	v63 =	vld [tilespmem:$0x0]  }
0x298: {  	s21 =	simm.s32 $0x1000  }
0x299: {  	[spmem:s2] =	stream.indirect.scatter.add.f32 [tilespmem:s0], [sflag:$0x4], $0x80, s21, s26, $0xb8;
	v63 =	vld [tilespmem:$0x0]  }
0x29a: {  	_ =	swait.ge [sflag:s24], $0x3800  }
0x29b: {  	[sflag:s24] =	ssyncset.done $0x0  }
0x29c: {  	[sflag:s24] =	ssyncadd.s32 $0xFFFFC800  }
0x29d: {  	_ =	swait.ge [sflag:s30], $0x3800  }
0x29e: {  	[sflag:s30] =	ssyncset.done $0x0  }
0x29f: {  	s17 =	simm.s32 $0x580;
	[sflag:s30] =	ssyncadd.s32 $0xFFFFC800  }
0x2a0: {  	[tilespmem:s0], [sflag:$0x3] =	stream.indirect.gather [hbm4b:s4+s26], $0x80, s17, s26, $0xb8;
	v63 =	vld [tilespmem:$0x0]  }
0x2a1: {  	s21 =	simm.s32 $0x1080  }
0x2a2: {  	[spmem:s2] =	stream.indirect.scatter.add.f32 [tilespmem:s23], [sflag:$0x4], $0x80, s21, s26, $0xb8;
	v63 =	vld [tilespmem:$0x0]  }
0x2a3: {  	_ =	swait.ge [sflag:s24], $0x3800  }
0x2a4: {  	[sflag:s24] =	ssyncset.done $0x0  }
0x2a5: {  	[sflag:s24] =	ssyncadd.s32 $0xFFFFC800  }
0x2a6: {  	_ =	swait.ge [sflag:s1], $0x3800  }
0x2a7: {  	[sflag:s1] =	ssyncset.done $0x0  }
0x2a8: {  	s19 =	simm.s32 $0x600;
	[sflag:s1] =	ssyncadd.s32 $0xFFFFC800  }
0x2a9: {  	[tilespmem:s23], [sflag:$0x1] =	stream.indirect.gather [hbm4b:s4+s26], $0x80, s19, s26, $0xb8;
	v63 =	vld [tilespmem:$0x0]  }
0x2aa: {  	s21 =	simm.s32 $0x1100  }
0x2ab: {  	[spmem:s2] =	stream.indirect.scatter.add.f32 [tilespmem:s29], [sflag:$0x4], $0x80, s21, s26, $0xb8;
	v63 =	vld [tilespmem:$0x0]  }
0x2ac: {  	_ =	swait.ge [sflag:s24], $0x3800  }
0x2ad: {  	[sflag:s24] =	ssyncset.done $0x0  }
0x2ae: {  	[sflag:s24] =	ssyncadd.s32 $0xFFFFC800  }
0x2af: {  	_ =	swait.ge [sflag:s8], $0x3800  }
0x2b0: {  	[sflag:s8] =	ssyncset.done $0x0  }
0x2b1: {  	s28 =	simm.s32 $0x680;
	[sflag:s8] =	ssyncadd.s32 $0xFFFFC800  }
0x2b2: {  	[tilespmem:s29], [sflag:$0x2] =	stream.indirect.gather [hbm4b:s4+s26], $0x80, s28, s26, $0xb8;
	v63 =	vld [tilespmem:$0x0]  }
0x2b3: {  	s21 =	simm.s32 $0x1180  }
0x2b4: {  	[spmem:s2] =	stream.indirect.scatter.add.f32 [tilespmem:s0], [sflag:$0x4], $0x80, s21, s26, $0xb8;
	v63 =	vld [tilespmem:$0x0]  }
0x2b5: {  	_ =	swait.ge [sflag:s24], $0x3800  }
0x2b6: {  	[sflag:s24] =	ssyncset.done $0x0  }
0x2b7: {  	[sflag:s24] =	ssyncadd.s32 $0xFFFFC800  }
0x2b8: {  	_ =	swait.ge [sflag:s30], $0x3800  }
0x2b9: {  	[sflag:s30] =	ssyncset.done $0x0  }
0x2ba: {  	s31 =	simm.s32 $0x700;
	[sflag:s30] =	ssyncadd.s32 $0xFFFFC800  }
0x2bb: {  	[tilespmem:s0], [sflag:$0x3] =	stream.indirect.gather [hbm4b:s4+s26], $0x80, s31, s26, $0xb8;
	v63 =	vld [tilespmem:$0x0]  }
0x2bc: {  	s21 =	simm.s32 $0x1200  }
0x2bd: {  	[spmem:s2] =	stream.indirect.scatter.add.f32 [tilespmem:s23], [sflag:$0x4], $0x80, s21, s26, $0xb8;
	v63 =	vld [tilespmem:$0x0]  }
0x2be: {  	_ =	swait.ge [sflag:s24], $0x3800  }
0x2bf: {  	[sflag:s24] =	ssyncset.done $0x0  }
0x2c0: {  	[sflag:s24] =	ssyncadd.s32 $0xFFFFC800  }
0x2c1: {  	_ =	swait.ge [sflag:s1], $0x3800  }
0x2c2: {  	[sflag:s1] =	ssyncset.done $0x0  }
0x2c3: {  	s16 =	simm.s32 $0x780;
	[sflag:s1] =	ssyncadd.s32 $0xFFFFC800  }
0x2c4: {  	[tilespmem:s23], [sflag:$0x1] =	stream.indirect.gather [hbm4b:s4+s26], $0x80, s16, s26, $0xb8;
	v63 =	vld [tilespmem:$0x0]  }
0x2c5: {  	s21 =	simm.s32 $0x1280  }
0x2c6: {  	[spmem:s2] =	stream.indirect.scatter.add.f32 [tilespmem:s29], [sflag:$0x4], $0x80, s21, s26, $0xb8;
	v63 =	vld [tilespmem:$0x0]  }
0x2c7: {  	_ =	swait.ge [sflag:s24], $0x3800  }
0x2c8: {  	[sflag:s24] =	ssyncset.done $0x0  }
0x2c9: {  	[sflag:s24] =	ssyncadd.s32 $0xFFFFC800  }
0x2ca: {  	_ =	swait.ge [sflag:s8], $0x3800  }
0x2cb: {  	[sflag:s8] =	ssyncset.done $0x0  }
0x2cc: {  	s22 =	simm.s32 $0x800;
	[sflag:s8] =	ssyncadd.s32 $0xFFFFC800  }
0x2cd: {  	[tilespmem:s29], [sflag:$0x2] =	stream.indirect.gather [hbm4b:s4+s26], $0x80, s22, s26, $0xb8;
	v63 =	vld [tilespmem:$0x0]  }
0x2ce: {  	s22 =	simm.s32 $0x1300  }
0x2cf: {  	[spmem:s2] =	stream.indirect.scatter.add.f32 [tilespmem:s0], [sflag:$0x4], $0x80, s22, s26, $0xb8;
	v63 =	vld [tilespmem:$0x0]  }
0x2d0: {  	_ =	swait.ge [sflag:s24], $0x3800  }
0x2d1: {  	[sflag:s24] =	ssyncset.done $0x0  }
0x2d2: {  	[sflag:s24] =	ssyncadd.s32 $0xFFFFC800  }
0x2d3: {  	_ =	swait.ge [sflag:s30], $0x3800  }
0x2d4: {  	[sflag:s30] =	ssyncset.done $0x0  }
0x2d5: {  	s22 =	simm.s32 $0x880;
	[sflag:s30] =	ssyncadd.s32 $0xFFFFC800  }
0x2d6: {  	[tilespmem:s0], [sflag:$0x3] =	stream.indirect.gather [hbm4b:s4+s26], $0x80, s22, s26, $0xb8;
	v63 =	vld [tilespmem:$0x0]  }
0x2d7: {  	s21 =	simm.s32 $0x1380  }
0x2d8: {  	[spmem:s2] =	stream.indirect.scatter.add.f32 [tilespmem:s23], [sflag:$0x4], $0x80, s21, s26, $0xb8;
	v63 =	vld [tilespmem:$0x0]  }
0x2d9: {  	_ =	swait.ge [sflag:s24], $0x3800  }
0x2da: {  	[sflag:s24] =	ssyncset.done $0x0  }
0x2db: {  	[sflag:s24] =	ssyncadd.s32 $0xFFFFC800  }
0x2dc: {  	_ =	swait.ge [sflag:s1], $0x3800  }
0x2dd: {  	[sflag:s1] =	ssyncset.done $0x0  }
0x2de: {  	s21 =	simm.s32 $0x1400;
	[sflag:s1] =	ssyncadd.s32 $0xFFFFC800  }
0x2df: {  	[spmem:s2] =	stream.indirect.scatter.add.f32 [tilespmem:s29], [sflag:$0x4], $0x80, s21, s26, $0xb8;
	v63 =	vld [tilespmem:$0x0]  }
0x2e0: {  	_ =	swait.ge [sflag:s24], $0x3800  }
0x2e1: {  	[sflag:s24] =	ssyncset.done $0x0  }
0x2e2: {  	[sflag:s24] =	ssyncadd.s32 $0xFFFFC800  }
0x2e3: {  	_ =	swait.ge [sflag:s8], $0x3800  }
0x2e4: {  	[sflag:s8] =	ssyncset.done $0x0  }
0x2e5: {  	s21 =	simm.s32 $0x1480;
	[sflag:s8] =	ssyncadd.s32 $0xFFFFC800  }
0x2e6: {  	[spmem:s2] =	stream.indirect.scatter.add.f32 [tilespmem:s0], [sflag:$0x4], $0x80, s21, s26, $0xb8;
	v63 =	vld [tilespmem:$0x0]  }
0x2e7: {  	_ =	swait.ge [sflag:s24], $0x3800  }
0x2e8: {  	[sflag:s24] =	ssyncset.done $0x0  }
0x2e9: {  	s21 =	rddreg [dreg:$0x12];
	[sflag:s24] =	ssyncadd.s32 $0xFFFFC800  }
0x2ea: {  	[tilespmem:s11], [sflag:$0x4] =	stream.linear.gather [hbm4b:s21+s11], $0x900, $0x38;
	v63 =	vld [tilespmem:$0x0]  }
0x2eb: {  	_ =	swait.ge [sflag:s24], $0x900  }
0x2ec: {  	[sflag:s24] =	ssyncset.done $0x0  }
0x2ed: {  	s21 =	rddreg [dreg:$0x13];
	[sflag:s24] =	ssyncadd.s32 $0xFFFFF700  }
0x2ee: {  	[tilespmem:s3], [sflag:$0x4] =	stream.linear.gather [hbm4b:s21+s11], $0x900, $0x38;
	v63 =	vld [tilespmem:$0x0]  }
0x2ef: {  	_ =	swait.ge [sflag:s24], $0x900  }
0x2f0: {  	[sflag:s24] =	ssyncset.done $0x0  }
0x2f1: {  	[sflag:s24] =	ssyncadd.s32 $0xFFFFF700  }
0x2f2: {  	[tilespmem:s23], [sflag:$0x1] =	stream.indirect.gather [hbm4b:s4+s26], $0x80, s11, s26, $0xb8;
	v63 =	vld [tilespmem:$0x0]  }
0x2f3: {  	s21 =	simm.s32 $0x80  }
0x2f4: {  	[tilespmem:s29], [sflag:$0x2] =	stream.indirect.gather [hbm4b:s4+s26], $0x80, s21, s26, $0xb8;
	v63 =	vld [tilespmem:$0x0]  }
0x2f5: {  	_ =	swait.ge [sflag:s30], $0x3800  }
0x2f6: {  	[sflag:s30] =	ssyncset.done $0x0  }
0x2f7: {  	s21 =	simm.s32 $0x100;
	[sflag:s30] =	ssyncadd.s32 $0xFFFFC800  }
0x2f8: {  	[tilespmem:s0], [sflag:$0x3] =	stream.indirect.gather [hbm4b:s4+s26], $0x80, s21, s26, $0xb8;
	v63 =	vld [tilespmem:$0x0]  }
0x2f9: {  	_ = 	snop  }
0x2fa: {  	[spmem:s2] =	stream.indirect.scatter.add.f32 [tilespmem:s23], [sflag:$0x4], $0x80, s3, s26, $0xb8;
	v63 =	vld [tilespmem:$0x0]  }
0x2fb: {  	_ =	swait.ge [sflag:s24], $0x3800  }
0x2fc: {  	[sflag:s24] =	ssyncset.done $0x0  }
0x2fd: {  	[sflag:s24] =	ssyncadd.s32 $0xFFFFC800  }
0x2fe: {  	_ =	swait.ge [sflag:s1], $0x3800  }
0x2ff: {  	[sflag:s1] =	ssyncset.done $0x0  }
0x300: {  	s21 =	simm.s32 $0x180;
	[sflag:s1] =	ssyncadd.s32 $0xFFFFC800  }
0x301: {  	[tilespmem:s23], [sflag:$0x1] =	stream.indirect.gather [hbm4b:s4+s26], $0x80, s21, s26, $0xb8;
	v63 =	vld [tilespmem:$0x0]  }
0x302: {  	s21 =	simm.s32 $0xC80  }
0x303: {  	[spmem:s2] =	stream.indirect.scatter.add.f32 [tilespmem:s29], [sflag:$0x4], $0x80, s21, s26, $0xb8;
	v63 =	vld [tilespmem:$0x0]  }
0x304: {  	_ =	swait.ge [sflag:s24], $0x3800  }
0x305: {  	[sflag:s24] =	ssyncset.done $0x0  }
0x306: {  	[sflag:s24] =	ssyncadd.s32 $0xFFFFC800  }
0x307: {  	_ =	swait.ge [sflag:s8], $0x3800  }
0x308: {  	[sflag:s8] =	ssyncset.done $0x0  }
0x309: {  	s12 =	simm.s32 $0x200;
	[sflag:s8] =	ssyncadd.s32 $0xFFFFC800  }
0x30a: {  	[tilespmem:s29], [sflag:$0x2] =	stream.indirect.gather [hbm4b:s4+s26], $0x80, s12, s26, $0xb8;
	v63 =	vld [tilespmem:$0x0]  }
0x30b: {  	s6 =	simm.s32 $0xD00  }
0x30c: {  	[spmem:s2] =	stream.indirect.scatter.add.f32 [tilespmem:s0], [sflag:$0x4], $0x80, s6, s26, $0xb8;
	v63 =	vld [tilespmem:$0x0]  }
0x30d: {  	_ =	swait.ge [sflag:s24], $0x3800  }
0x30e: {  	[sflag:s24] =	ssyncset.done $0x0  }
0x30f: {  	[sflag:s24] =	ssyncadd.s32 $0xFFFFC800  }
0x310: {  	_ =	swait.ge [sflag:s30], $0x3800  }
0x311: {  	[sflag:s30] =	ssyncset.done $0x0  }
0x312: {  	s25 =	simm.s32 $0x280;
	[sflag:s30] =	ssyncadd.s32 $0xFFFFC800  }
0x313: {  	[tilespmem:s0], [sflag:$0x3] =	stream.indirect.gather [hbm4b:s4+s26], $0x80, s25, s26, $0xb8;
	v63 =	vld [tilespmem:$0x0]  }
0x314: {  	s5 =	simm.s32 $0xD80  }
0x315: {  	[spmem:s2] =	stream.indirect.scatter.add.f32 [tilespmem:s23], [sflag:$0x4], $0x80, s5, s26, $0xb8;
	v63 =	vld [tilespmem:$0x0]  }
0x316: {  	_ =	swait.ge [sflag:s24], $0x3800  }
0x317: {  	[sflag:s24] =	ssyncset.done $0x0  }
0x318: {  	[sflag:s24] =	ssyncadd.s32 $0xFFFFC800  }
0x319: {  	_ =	swait.ge [sflag:s1], $0x3800  }
0x31a: {  	[sflag:s1] =	ssyncset.done $0x0  }
0x31b: {  	s13 =	simm.s32 $0x300;
	[sflag:s1] =	ssyncadd.s32 $0xFFFFC800  }
0x31c: {  	[tilespmem:s23], [sflag:$0x1] =	stream.indirect.gather [hbm4b:s4+s26], $0x80, s13, s26, $0xb8;
	v63 =	vld [tilespmem:$0x0]  }
0x31d: {  	s9 =	simm.s32 $0xE00  }
0x31e: {  	[spmem:s2] =	stream.indirect.scatter.add.f32 [tilespmem:s29], [sflag:$0x4], $0x80, s9, s26, $0xb8;
	v63 =	vld [tilespmem:$0x0]  }
0x31f: {  	_ =	swait.ge [sflag:s24], $0x3800  }
0x320: {  	[sflag:s24] =	ssyncset.done $0x0  }
0x321: {  	[sflag:s24] =	ssyncadd.s32 $0xFFFFC800  }
0x322: {  	_ =	swait.ge [sflag:s8], $0x3800  }
0x323: {  	[sflag:s8] =	ssyncset.done $0x0  }
0x324: {  	s14 =	simm.s32 $0x380;
	[sflag:s8] =	ssyncadd.s32 $0xFFFFC800  }
0x325: {  	[tilespmem:s29], [sflag:$0x2] =	stream.indirect.gather [hbm4b:s4+s26], $0x80, s14, s26, $0xb8;
	v63 =	vld [tilespmem:$0x0]  }
0x326: {  	s7 =	simm.s32 $0xE80  }
0x327: {  	[spmem:s2] =	stream.indirect.scatter.add.f32 [tilespmem:s0], [sflag:$0x4], $0x80, s7, s26, $0xb8;
	v63 =	vld [tilespmem:$0x0]  }
0x328: {  	_ =	swait.ge [sflag:s24], $0x3800  }
0x329: {  	[sflag:s24] =	ssyncset.done $0x0  }
0x32a: {  	[sflag:s24] =	ssyncadd.s32 $0xFFFFC800  }
0x32b: {  	_ =	swait.ge [sflag:s30], $0x3800  }
0x32c: {  	[sflag:s30] =	ssyncset.done $0x0  }
0x32d: {  	s25 =	simm.s32 $0x400;
	[sflag:s30] =	ssyncadd.s32 $0xFFFFC800  }
0x32e: {  	[tilespmem:s0], [sflag:$0x3] =	stream.indirect.gather [hbm4b:s4+s26], $0x80, s25, s26, $0xb8;
	v63 =	vld [tilespmem:$0x0]  }
0x32f: {  	s15 =	simm.s32 $0xF00  }
0x330: {  	[spmem:s2] =	stream.indirect.scatter.add.f32 [tilespmem:s23], [sflag:$0x4], $0x80, s15, s26, $0xb8;
	v63 =	vld [tilespmem:$0x0]  }
0x331: {  	_ =	swait.ge [sflag:s24], $0x3800  }
0x332: {  	[sflag:s24] =	ssyncset.done $0x0  }
0x333: {  	[sflag:s24] =	ssyncadd.s32 $0xFFFFC800  }
0x334: {  	_ =	swait.ge [sflag:s1], $0x3800  }
0x335: {  	[sflag:s1] =	ssyncset.done $0x0  }
0x336: {  	s5 =	simm.s32 $0x480;
	[sflag:s1] =	ssyncadd.s32 $0xFFFFC800  }
0x337: {  	[tilespmem:s23], [sflag:$0x1] =	stream.indirect.gather [hbm4b:s4+s26], $0x80, s5, s26, $0xb8;
	v63 =	vld [tilespmem:$0x0]  }
0x338: {  	s18 =	simm.s32 $0xF80  }
0x339: {  	[spmem:s2] =	stream.indirect.scatter.add.f32 [tilespmem:s29], [sflag:$0x4], $0x80, s18, s26, $0xb8;
	v63 =	vld [tilespmem:$0x0]  }
0x33a: {  	_ =	swait.ge [sflag:s24], $0x3800  }
0x33b: {  	[sflag:s24] =	ssyncset.done $0x0  }
0x33c: {  	[sflag:s24] =	ssyncadd.s32 $0xFFFFC800  }
0x33d: {  	_ =	swait.ge [sflag:s8], $0x3800  }
0x33e: {  	[sflag:s8] =	ssyncset.done $0x0  }
0x33f: {  	s6 =	simm.s32 $0x500;
	[sflag:s8] =	ssyncadd.s32 $0xFFFFC800  }
0x340: {  	[tilespmem:s29], [sflag:$0x2] =	stream.indirect.gather [hbm4b:s4+s26], $0x80, s6, s26, $0xb8;
	v63 =	vld [tilespmem:$0x0]  }
0x341: {  	s7 =	simm.s32 $0x1000  }
0x342: {  	[spmem:s2] =	stream.indirect.scatter.add.f32 [tilespmem:s0], [sflag:$0x4], $0x80, s7, s26, $0xb8;
	v63 =	vld [tilespmem:$0x0]  }
0x343: {  	_ =	swait.ge [sflag:s24], $0x3800  }
0x344: {  	[sflag:s24] =	ssyncset.done $0x0  }
0x345: {  	[sflag:s24] =	ssyncadd.s32 $0xFFFFC800  }
0x346: {  	_ =	swait.ge [sflag:s30], $0x3800  }
0x347: {  	[sflag:s30] =	ssyncset.done $0x0  }
0x348: {  	s10 =	simm.s32 $0x580;
	[sflag:s30] =	ssyncadd.s32 $0xFFFFC800  }
0x349: {  	[tilespmem:s0], [sflag:$0x3] =	stream.indirect.gather [hbm4b:s4+s26], $0x80, s10, s26, $0xb8;
	v63 =	vld [tilespmem:$0x0]  }
0x34a: {  	s9 =	simm.s32 $0x1080  }
0x34b: {  	[spmem:s2] =	stream.indirect.scatter.add.f32 [tilespmem:s23], [sflag:$0x4], $0x80, s9, s26, $0xb8;
	v63 =	vld [tilespmem:$0x0]  }
0x34c: {  	_ =	swait.ge [sflag:s24], $0x3800  }
0x34d: {  	[sflag:s24] =	ssyncset.done $0x0  }
0x34e: {  	[sflag:s24] =	ssyncadd.s32 $0xFFFFC800  }
0x34f: {  	_ =	swait.ge [sflag:s1], $0x3800  }
0x350: {  	[sflag:s1] =	ssyncset.done $0x0  }
0x351: {  	s17 =	simm.s32 $0x600;
	[sflag:s1] =	ssyncadd.s32 $0xFFFFC800  }
0x352: {  	[tilespmem:s23], [sflag:$0x1] =	stream.indirect.gather [hbm4b:s4+s26], $0x80, s17, s26, $0xb8;
	v63 =	vld [tilespmem:$0x0]  }
0x353: {  	s10 =	simm.s32 $0x1100  }
0x354: {  	[spmem:s2] =	stream.indirect.scatter.add.f32 [tilespmem:s29], [sflag:$0x4], $0x80, s10, s26, $0xb8;
	v63 =	vld [tilespmem:$0x0]  }
0x355: {  	_ =	swait.ge [sflag:s24], $0x3800  }
0x356: {  	[sflag:s24] =	ssyncset.done $0x0  }
0x357: {  	[sflag:s24] =	ssyncadd.s32 $0xFFFFC800  }
0x358: {  	_ =	swait.ge [sflag:s8], $0x3800  }
0x359: {  	[sflag:s8] =	ssyncset.done $0x0  }
0x35a: {  	s28 =	simm.s32 $0x680;
	[sflag:s8] =	ssyncadd.s32 $0xFFFFC800  }
0x35b: {  	[tilespmem:s29], [sflag:$0x2] =	stream.indirect.gather [hbm4b:s4+s26], $0x80, s28, s26, $0xb8;
	v63 =	vld [tilespmem:$0x0]  }
0x35c: {  	s12 =	simm.s32 $0x1180  }
0x35d: {  	[spmem:s2] =	stream.indirect.scatter.add.f32 [tilespmem:s0], [sflag:$0x4], $0x80, s12, s26, $0xb8;
	v63 =	vld [tilespmem:$0x0]  }
0x35e: {  	_ =	swait.ge [sflag:s24], $0x3800  }
0x35f: {  	[sflag:s24] =	ssyncset.done $0x0  }
0x360: {  	[sflag:s24] =	ssyncadd.s32 $0xFFFFC800  }
0x361: {  	_ =	swait.ge [sflag:s30], $0x3800  }
0x362: {  	[sflag:s30] =	ssyncset.done $0x0  }
0x363: {  	s31 =	simm.s32 $0x700;
	[sflag:s30] =	ssyncadd.s32 $0xFFFFC800  }
0x364: {  	[tilespmem:s0], [sflag:$0x3] =	stream.indirect.gather [hbm4b:s4+s26], $0x80, s31, s26, $0xb8;
	v63 =	vld [tilespmem:$0x0]  }
0x365: {  	s13 =	simm.s32 $0x1200  }
0x366: {  	[spmem:s2] =	stream.indirect.scatter.add.f32 [tilespmem:s23], [sflag:$0x4], $0x80, s13, s26, $0xb8;
	v63 =	vld [tilespmem:$0x0]  }
0x367: {  	_ =	swait.ge [sflag:s24], $0x3800  }
0x368: {  	[sflag:s24] =	ssyncset.done $0x0  }
0x369: {  	[sflag:s24] =	ssyncadd.s32 $0xFFFFC800  }
0x36a: {  	_ =	swait.ge [sflag:s1], $0x3800  }
0x36b: {  	[sflag:s1] =	ssyncset.done $0x0  }
0x36c: {  	s19 =	simm.s32 $0x780;
	[sflag:s1] =	ssyncadd.s32 $0xFFFFC800  }
0x36d: {  	[tilespmem:s23], [sflag:$0x1] =	stream.indirect.gather [hbm4b:s4+s26], $0x80, s19, s26, $0xb8;
	v63 =	vld [tilespmem:$0x0]  }
0x36e: {  	s14 =	simm.s32 $0x1280  }
0x36f: {  	[spmem:s2] =	stream.indirect.scatter.add.f32 [tilespmem:s29], [sflag:$0x4], $0x80, s14, s26, $0xb8;
	v63 =	vld [tilespmem:$0x0]  }
0x370: {  	_ =	swait.ge [sflag:s24], $0x3800  }
0x371: {  	[sflag:s24] =	ssyncset.done $0x0  }
0x372: {  	[sflag:s24] =	ssyncadd.s32 $0xFFFFC800  }
0x373: {  	_ =	swait.ge [sflag:s8], $0x3800  }
0x374: {  	[sflag:s8] =	ssyncset.done $0x0  }
0x375: {  	s16 =	simm.s32 $0x800;
	[sflag:s8] =	ssyncadd.s32 $0xFFFFC800  }
0x376: {  	[tilespmem:s29], [sflag:$0x2] =	stream.indirect.gather [hbm4b:s4+s26], $0x80, s16, s26, $0xb8;
	v63 =	vld [tilespmem:$0x0]  }
0x377: {  	s15 =	simm.s32 $0x1300  }
0x378: {  	[spmem:s2] =	stream.indirect.scatter.add.f32 [tilespmem:s0], [sflag:$0x4], $0x80, s15, s26, $0xb8;
	v63 =	vld [tilespmem:$0x0]  }
0x379: {  	_ =	swait.ge [sflag:s24], $0x3800  }
0x37a: {  	[sflag:s24] =	ssyncset.done $0x0  }
0x37b: {  	[sflag:s24] =	ssyncadd.s32 $0xFFFFC800  }
0x37c: {  	_ =	swait.ge [sflag:s30], $0x3800  }
0x37d: {  	[sflag:s30] =	ssyncset.done $0x0  }
0x37e: {  	s22 =	simm.s32 $0x880;
	[sflag:s30] =	ssyncadd.s32 $0xFFFFC800  }
0x37f: {  	[tilespmem:s0], [sflag:$0x3] =	stream.indirect.gather [hbm4b:s4+s26], $0x80, s22, s26, $0xb8;
	v63 =	vld [tilespmem:$0x0]  }
0x380: {  	s16 =	simm.s32 $0x1380  }
0x381: {  	[spmem:s2] =	stream.indirect.scatter.add.f32 [tilespmem:s23], [sflag:$0x4], $0x80, s16, s26, $0xb8;
	v63 =	vld [tilespmem:$0x0]  }
0x382: {  	_ =	swait.ge [sflag:s24], $0x3800  }
0x383: {  	[sflag:s24] =	ssyncset.done $0x0  }
0x384: {  	[sflag:s24] =	ssyncadd.s32 $0xFFFFC800  }
0x385: {  	_ =	swait.ge [sflag:s1], $0x3800  }
0x386: {  	[sflag:s1] =	ssyncset.done $0x0  }
0x387: {  	s17 =	simm.s32 $0x1400;
	[sflag:s1] =	ssyncadd.s32 $0xFFFFC800  }
0x388: {  	[spmem:s2] =	stream.indirect.scatter.add.f32 [tilespmem:s29], [sflag:$0x4], $0x80, s17, s26, $0xb8;
	v63 =	vld [tilespmem:$0x0]  }
0x389: {  	_ =	swait.ge [sflag:s24], $0x3800  }
0x38a: {  	[sflag:s24] =	ssyncset.done $0x0  }
0x38b: {  	[sflag:s24] =	ssyncadd.s32 $0xFFFFC800  }
0x38c: {  	_ =	swait.ge [sflag:s8], $0x3800  }
0x38d: {  	[sflag:s8] =	ssyncset.done $0x0  }
0x38e: {  	s18 =	simm.s32 $0x1480;
	[sflag:s8] =	ssyncadd.s32 $0xFFFFC800  }
0x38f: {  	[spmem:s2] =	stream.indirect.scatter.add.f32 [tilespmem:s0], [sflag:$0x4], $0x80, s18, s26, $0xb8;
	v63 =	vld [tilespmem:$0x0]  }
0x390: {  	_ =	swait.ge [sflag:s24], $0x3800  }
0x391: {  	[sflag:s24] =	ssyncset.done $0x0  }
0x392: {  	[sflag:s24] =	ssyncadd.s32 $0xFFFFC800  }
0x393: {  	s19 =	stileid.u32;
	[bflag:$0x0] =	sbarrier.arrive $0xFFFF  }
0x394: {  	s21 =	sshll.u32 s19, $0x6;
	s22 =	rddreg [dreg:$0x4]  }
0x395: {  	s21 =	sor.u32 $0x1C04, s21;
	s28 =	rddreg [dreg:$0x14];
	s25 =	sshrl.u32 s22, $0x3  }
0x396: {  	[hbm:s28], [sflag:s21] =	dma.local [spmem:s25], $0x2800  }
0x397: {  	_ =	swait.ge [sflag:s24], $0x2800  }
0x398: {  	s20 =	sadd.s32 $0x1, s20;
	s31 =	rddreg [dreg:$0x15]  }
0x399: {  	p0 =	sne.s32 s20, s31  }
.Ltmp1:
0x39a: {  	_ = 	snop;
	(pc) =	sbr.rel @p0 .LBB2_1-.Ltmp1, $3  }
0x39b: {  	_ =	sdelay $0x1  }
0x39c: {  	[sflag:s24] =	ssyncset.done $0x0  }
0x39d: {  	[sflag:s24] =	ssyncadd.s32 $0xFFFFD800  }
0x39e: {  	_ =	sfence.sel $0x180000  }
0x39f: {  	[bflag:$0x0] =	sbarrier.arrive $0xFFFF  }
0x3a0: {  	_ =	strace $0x9000004A  }
0x3a1: {  	s0 =	stileid.u32;
	[bflag:$0x2] =	sbarrier.arrive $0xFFFF  }
0x3a2: {  	p0 =	sne.s32 s0, $0x0;
	s0 =	rddreg [dreg:$0x3]  }
0x3a3: {  	s0 =	sadd.s32 @!p0 $0x100000, s0  }
0x3a4: {  	[sflag:s0] =	ssyncadd.tile.s32 @!p0 $0x1;
	_ =	shalt  }
.Lfunc_end2:
_tile_overlayer_lowered:
.L_overlay_start_2:
0x3a5: {  	(tag) =	ssettag $0x2  }
0x3a6: {  	s0 =	rddreg [dreg:$0x0];
	s2 =	stileid.u32  }
0x3a7: {  	s1 =	rddreg [dreg:$0x1];
	p0 =	sne.s32 s2, $0x0  }
0x3a8: {  	s3 =	rddreg [dreg:$0x2];
	[bflag:$0x3] =	sbarrier.arrive $0xFFFF;
	s2 =	simm.s32 @!p0 $0x1C04  }
0x3a9: {  	[timem:s3], [sflag:s2] =	dma.local @!p0 [hbm:s0], s1  }
0x3aa: {  	s0 =	simm.s32 @!p0 $0x4  }
0x3ab: {  	_ =	swait.ge @!p0 [sflag:s0], s1  }
0x3ac: {  	s1 =	ssub.s32 @!p0 $0x0, s1;
	[sflag:s0] =	ssyncset.done @!p0 $0x0  }
0x3ad: {  	[sflag:s0] =	ssyncadd.s32 @!p0 s1  }
0x3ae: {  	[bflag:$0x3] =	sbarrier.arrive $0xFFFF  }
0x3af: {  	_ =	shalt  }

</sc_bundles>
